<compile_context>
chip_gen: v7x
topology: tpu7x:2x2x1
jax: 0.10.2.dev20260603
libtpu: 0.0.44.dev20260713+nightly
codegen_flags: <defaults>
</compile_context>

<pallas_src>
import functools

import jax
import jax.numpy as jnp
from jax import lax
from jax.experimental import pallas as pl
from jax.experimental.pallas import tpu as pltpu
from jax.experimental.pallas import tpu_sc as plsc

NC = 2
NS = 16
LANES = 16
NW = NC * NS

L = 8
C = 16

CH = 2048


def _newton_rsqrt(ss):
    i = lax.bitcast_convert_type(ss, jnp.int32)
    y = lax.bitcast_convert_type(0x5F3759DF - (i >> 1), jnp.float32)
    for _ in range(3):
        y = y * (1.5 - 0.5 * ss * y * y)
    return jnp.where(ss > 0.0, y, 0.0)


def _sc_pass(pred2, gt_flat, n_per_batch, vpw):
    k_chunks = vpw // CH
    mesh = plsc.VectorSubcoreMesh(core_axis_name="c", subcore_axis_name="s",
                                  num_cores=NC, num_subcores=NS)

    @functools.partial(
        pl.kernel,
        out_type=(
            jax.ShapeDtypeStruct((NW, L, LANES), jnp.float32),
            jax.ShapeDtypeStruct((NW, L, C * LANES), jnp.float32),
            jax.ShapeDtypeStruct((NW, L, C * LANES), jnp.float32),
        ),
        mesh=mesh,
        compiler_params=pltpu.CompilerParams(needs_layout_passes=False),
        scratch_types=[
            pltpu.VMEM((2, C, CH), jnp.float32),
            pltpu.VMEM((2, CH), jnp.int32),
            pltpu.VMEM((L, LANES), jnp.float32),
            pltpu.VMEM((L, C * LANES), jnp.float32),
            pltpu.VMEM((L, C * LANES), jnp.float32),
            pltpu.SemaphoreType.DMA,
            pltpu.SemaphoreType.DMA,
            pltpu.SemaphoreType.DMA,
            pltpu.SemaphoreType.DMA,
        ],
    )
    def kern(pred_hbm, gt_hbm, cnt_out, sum_out, nsum_out,
             buf, labv, cnt_t, sum_t, nsum_t, sp0, sp1, sl0, sl1):
        cid = lax.axis_index("c")
        sid = lax.axis_index("s")
        wid = sid * NC + cid
        batch = wid // NS
        slot = wid % NS
        row0 = batch * C
        col0 = slot * vpw

        psem = (sp0, sp1)
        lsem = (sl0, sl1)

        zero16 = jnp.zeros((LANES,), jnp.float32)
        ones16 = jnp.ones((LANES,), jnp.float32)
        lane = lax.iota(jnp.int32, 16)
        idx1 = [lane + c * LANES for c in range(C)]

        def zinit_row(i, _):
            r = i // C
            j = i % C
            sum_t[r, pl.ds(j * LANES, LANES)] = zero16
            nsum_t[r, pl.ds(j * LANES, LANES)] = zero16
            return 0
        lax.fori_loop(0, L * C, zinit_row, 0)

        def zinit_l(i, _):
            cnt_t[i] = zero16
            return 0
        lax.fori_loop(0, L, zinit_l, 0)

        def chunk_coff(k):
            return col0 + k * CH

        def start(k, b):
            coff = chunk_coff(k)
            pltpu.async_copy(
                pred_hbm.at[pl.ds(row0, C), pl.ds(coff, CH)], buf.at[b],
                psem[b])
            pltpu.async_copy(
                gt_hbm.at[pl.ds(batch * n_per_batch + coff, CH)], labv.at[b],
                lsem[b])

        def wait(k, b):
            coff = chunk_coff(k)
            pltpu.make_async_copy(
                pred_hbm.at[pl.ds(row0, C), pl.ds(coff, CH)], buf.at[b],
                psem[b]).wait()
            pltpu.make_async_copy(
                gt_hbm.at[pl.ds(batch * n_per_batch + coff, CH)], labv.at[b],
                lsem[b]).wait()

        def compute(b):
            @plsc.parallel_loop(0, CH // LANES, unroll=2)
            def grp(g):
                base = g * LANES
                lv = labv[b, pl.ds(base, LANES)]
                vs = []
                sq = []
                for c in range(C):
                    v = buf[b, c, pl.ds(base, LANES)]
                    vs.append(v)
                    sq.append(v * v)
                while len(sq) > 1:
                    sq = [sq[i] + sq[i + 1] for i in range(0, len(sq), 2)]
                rinv = _newton_rsqrt(sq[0])
                for c in range(C):
                    plsc.addupdate_scatter(sum_t, [lv, idx1[c]], vs[c])
                    plsc.addupdate_scatter(nsum_t, [lv, idx1[c]],
                                           vs[c] * rinv)
                plsc.addupdate_scatter(cnt_t, [lv, lane], ones16)

        start(0, 0)

        def pair_body(k2, _):
            k = k2 * 2
            start(k + 1, 1)
            wait(k, 0)
            compute(0)

            @pl.when(k2 < n_pairs - 1)
            def _():
                start(k + 2, 0)

            wait(k + 1, 1)
            compute(1)
            return 0

        n_pairs = k_chunks // 2
        lax.fori_loop(0, n_pairs, pair_body, 0)

        pltpu.sync_copy(cnt_t, cnt_out.at[wid])
        pltpu.sync_copy(sum_t, sum_out.at[wid])
        pltpu.sync_copy(nsum_t, nsum_out.at[wid])

    return kern(pred2, gt_flat)


def _finalize_body(cnt_ref, sum_ref, nsum_ref, out_ref):
    rows = NW * L
    lmat = lax.broadcasted_iota(jnp.int32, (L, rows), 0)
    jmat = lax.broadcasted_iota(jnp.int32, (L, rows), 1)
    sel = (jmat % L == lmat).astype(jnp.float32)

    j2 = lax.broadcasted_iota(jnp.int32, (C * LANES, C), 0)
    c2 = lax.broadcasted_iota(jnp.int32, (C * LANES, C), 1)
    red = (j2 // LANES == c2).astype(jnp.float32)

    cnt_lanes = jnp.dot(sel, cnt_ref[...],
                        preferred_element_type=jnp.float32)
    counts = jnp.sum(cnt_lanes, axis=1, keepdims=True)

    sums = jnp.dot(jnp.dot(sel, sum_ref[...],
                           preferred_element_type=jnp.float32),
                   red, preferred_element_type=jnp.float32)
    nsums = jnp.dot(jnp.dot(sel, nsum_ref[...],
                            preferred_element_type=jnp.float32),
                    red, preferred_element_type=jnp.float32)

    safe_c = jnp.maximum(counts, 1.0)
    means = sums / safe_c

    snorm = jnp.sqrt(jnp.sum(sums * sums, axis=1, keepdims=True))
    cos_sum = jnp.sum(sums * nsums, axis=1, keepdims=True) / jnp.maximum(
        snorm, 1e-30)
    intra_per_label = cos_sum / safe_c

    lab_idx = lax.broadcasted_iota(jnp.int32, (L, 1), 0)
    nonbg = (lab_idx > 0).astype(jnp.float32)
    intra_sim = jnp.sum(intra_per_label * nonbg, keepdims=True) / (L - 1.0)

    mnorm = jnp.sqrt(jnp.sum(means * means, axis=1, keepdims=True))
    mn = means / jnp.maximum(mnorm, 1e-8)

    total = jnp.zeros((1, 1), jnp.float32)
    for i in range(1, L - 1):
        row_i = mn[i:i + 1, :]
        simr = jnp.sum(mn * row_i, axis=1, keepdims=True)
        pair = (lab_idx > i).astype(jnp.float32)
        total = total + jnp.sum(jnp.clip(simr, 0.0, 1.0) * pair,
                                keepdims=True)
    n_pairs = (L - 1) * (L - 2) // 2
    inter = total / float(n_pairs)

    out_ref[...] = inter - intra_sim


def kernel(prediction, gt):
    b, c, z, y, x = prediction.shape
    n_per_batch = z * y * x
    n_total = b * n_per_batch
    vpw = n_per_batch // NS

    pred2 = prediction.reshape(b * c, n_per_batch)
    gt_flat = gt.reshape(n_total)

    cnt_p, sum_p, nsum_p = _sc_pass(pred2, gt_flat, n_per_batch, vpw)

    out = pl.pallas_call(
        _finalize_body,
        out_shape=jax.ShapeDtypeStruct((1, 1), jnp.float32),
    )(cnt_p.reshape(NW * L, LANES),
      sum_p.reshape(NW * L, C * LANES),
      nsum_p.reshape(NW * L, C * LANES))
    return out[0, 0]

# --- scband reference (transcript-rebuilt; emitter-appended) ---
"""Pipeline reference for scband-contrastive-loss-45466523796029 (READ-ONLY COPY).

The authoritative reference and input builder live on the scoring server;
editing this copy changes nothing except your own understanding.
"""

import jax, jax.numpy as jnp
import numpy as np

NUM_LABELS = 8
EPS = 1e-8


def setup_inputs(seed: int = 0) -> dict:
    key = jax.random.key(seed)
    k1, k2 = jax.random.split(key)
    prediction = jax.random.normal(k1, (2, 16, 32, 128, 128), dtype=jnp.float32)
    gt = jax.random.randint(k2, (2, 32, 128, 128), 0, NUM_LABELS).astype(jnp.int32)
    return {"prediction": prediction, "gt": gt}


def reference(prediction, gt):
    # batchwise=True path of ContrastiveLoss with all flags at defaults
    b, c, z, y, x = prediction.shape
    gt = gt.reshape(b, z, y, x)
    labels = gt.reshape(-1)                                   # [N]
    pred_nc = jnp.transpose(prediction, (0, 2, 3, 4, 1)).reshape(-1, c)  # [N, c]
    L = NUM_LABELS
    ones = jnp.ones(labels.shape, dtype=pred_nc.dtype)
    counts = jax.ops.segment_sum(ones, labels, num_segments=L)            # [L]
    sums = jax.ops.segment_sum(pred_nc, labels, num_segments=L)           # [L, c]
    safe_counts = jnp.maximum(counts, 1.0)
    means = sums / safe_counts[:, None]                                   # [L, c] per-label mean_vec
    # per-voxel cosine similarity between its embedding and its label's mean (gather)
    mean_pix = jnp.take(means, labels, axis=0)                            # [N, c]
    dot = jnp.sum(pred_nc * mean_pix, axis=1)
    denom = jnp.maximum(jnp.linalg.norm(pred_nc, axis=1) * jnp.linalg.norm(mean_pix, axis=1), EPS)
    cos = dot / denom
    cos_sum = jax.ops.segment_sum(cos, labels, num_segments=L)            # [L]
    intra_per_label = cos_sum / safe_counts                               # mean cos per label
    intra_similarity = jnp.mean(intra_per_label[1:])                      # skip background label 0
    intra_loss = -intra_similarity
    # pairwise cosine similarity between the non-background center means
    m = means[1:]
    mn = m / jnp.maximum(jnp.linalg.norm(m, axis=1, keepdims=True), EPS)
    sim = mn @ mn.T
    iu0, iu1 = jnp.triu_indices(L - 1, k=1)
    inter_similarities = sim[iu0, iu1]
    clipped_inter_similarity = jnp.mean(jnp.clip(inter_similarities, 0.0, 1.0))
    inter_loss = clipped_inter_similarity  # uniform_emb=False
    balance_term = 1.0                     # dynamic_balancing=False
    return inter_loss + balance_term * intra_loss  # regularize=False

if __name__ == "__main__":
    import jax
    _d = setup_inputs()
    print(jax.jit(kernel)(*tuple(_d.values())))

</pallas_src>

<mosaic_0001>
#map = affine_map<(d0, d1) -> (0, 0)>
#map1 = affine_map<(d0, d1) -> (0)>
#map2 = affine_map<(d0, d1) -> (0, 0, 0)>
module attributes {stable_mosaic.version = 14 : i64} {
  func.func @kern(%arg0: i32, %arg1: i32, %arg2: memref<32x524288xf32, #tpu.memory_space<hbm>>, %arg3: memref<1048576xi32, #tpu.memory_space<hbm>>, %arg4: memref<32x8x16xf32, #tpu.memory_space<hbm>>, %arg5: memref<32x8x256xf32, #tpu.memory_space<hbm>>, %arg6: memref<32x8x256xf32, #tpu.memory_space<hbm>>, %arg7: memref<2x16x2048xf32, #tpu.memory_space<vmem>>, %arg8: memref<2x2048xi32, #tpu.memory_space<vmem>>, %arg9: memref<8x16xf32, #tpu.memory_space<vmem>>, %arg10: memref<8x256xf32, #tpu.memory_space<vmem>>, %arg11: memref<8x256xf32, #tpu.memory_space<vmem>>, %arg12: memref<!tpu.dma_semaphore, #tpu.memory_space<semaphore_mem>>, %arg13: memref<!tpu.dma_semaphore, #tpu.memory_space<semaphore_mem>>, %arg14: memref<!tpu.dma_semaphore, #tpu.memory_space<semaphore_mem>>, %arg15: memref<!tpu.dma_semaphore, #tpu.memory_space<semaphore_mem>>) attributes {dimension_semantics = [#tpu.dimension_semantics<core_parallel>, #tpu.dimension_semantics<subcore_parallel>], iteration_bounds = array<i64: 2, 16>, scalar_prefetch = 0 : i64, scratch_operands = 9 : i64, tpu.core_type = #tpu.core_type<sc_vector_subcore>, window_params = [{transform_indices = #map}, {transform_indices = #map1}, {transform_indices = #map2}, {transform_indices = #map2}, {transform_indices = #map2}]} {
    %mul3A = arith.constant 2 : i32
    %mul3A_0 = arith.muli %arg1, %mul3A : i32
    %add3A = arith.addi %mul3A_0, %arg0 : i32
    %jit3A = arith.constant 16 : i32
    %div3A = arith.divsi %add3A, %jit3A : i32
    %sign3A = arith.constant 0 : i32
    %sign3A_1 = arith.cmpi sgt, %add3A, %sign3A : i32
    %sign3A_2 = arith.extui %sign3A_1 : i1 to i32
    %sign3A_3 = arith.constant 0 : i32
    %sign3A_4 = arith.cmpi slt, %add3A, %sign3A_3 : i32
    %sign3A_5 = arith.extui %sign3A_4 : i1 to i32
    %sign3A_6 = arith.subi %sign3A_2, %sign3A_5 : i32
    %sign3A_7 = arith.constant 0 : i32
    %sign3A_8 = arith.cmpi sgt, %jit3A, %sign3A_7 : i32
    %sign3A_9 = arith.extui %sign3A_8 : i1 to i32
    %sign3A_10 = arith.constant 0 : i32
    %sign3A_11 = arith.cmpi slt, %jit3A, %sign3A_10 : i32
    %sign3A_12 = arith.extui %sign3A_11 : i1 to i32
    %sign3A_13 = arith.subi %sign3A_9, %sign3A_12 : i32
    %ne3A = arith.cmpi ne, %sign3A_6, %sign3A_13 : i32
    %rem3A = arith.remsi %add3A, %jit3A : i32
    %ne3A_14 = arith.constant 0 : i32
    %ne3A_15 = arith.cmpi ne, %rem3A, %ne3A_14 : i32
    %and3A = arith.andi %ne3A, %ne3A_15 : i1
    %sub3A = arith.constant 1 : i32
    %sub3A_16 = arith.subi %div3A, %sub3A : i32
    %select_n3A = arith.select %and3A, %sub3A_16, %div3A : i32
    %jit3A_17 = arith.constant 16 : i32
    %eq3A = arith.constant 0 : i32
    %eq3A_18 = arith.cmpi eq, %jit3A_17, %eq3A : i32
    %jit3A_19 = arith.constant 1 : i32
    %select_n3A_20 = arith.select %eq3A_18, %jit3A_19, %jit3A_17 : i32
    %rem3A_21 = arith.remsi %add3A, %select_n3A_20 : i32
    %ne3A_22 = arith.constant 0 : i32
    %ne3A_23 = arith.cmpi ne, %rem3A_21, %ne3A_22 : i32
    %lt3A = arith.constant 0 : i32
    %lt3A_24 = arith.cmpi slt, %rem3A_21, %lt3A : i32
    %lt3A_25 = arith.constant 0 : i32
    %lt3A_26 = arith.cmpi slt, %select_n3A_20, %lt3A_25 : i32
    %ne3A_27 = arith.xori %lt3A_24, %lt3A_26 : i1
    %and3A_28 = arith.andi %ne3A_27, %ne3A_23 : i1
    %add3A_29 = arith.addi %rem3A_21, %select_n3A_20 : i32
    %select_n3A_30 = arith.select %and3A_28, %add3A_29, %rem3A_21 : i32
    %mul3A_31 = arith.constant 16 : i32
    %mul3A_32 = arith.muli %select_n3A, %mul3A_31 : i32
    %mul3A_33 = arith.constant 32768 : i32
    %mul3A_34 = arith.muli %select_n3A_30, %mul3A_33 : i32
    %broadcast_in_dim3A = arith.constant 0.000000e+00 : f32
    %broadcast_in_dim3A_35 = vector.broadcast %broadcast_in_dim3A : f32 to vector<16xf32>
    %broadcast_in_dim3A_36 = arith.constant 1.000000e+00 : f32
    %broadcast_in_dim3A_37 = vector.broadcast %broadcast_in_dim3A_36 : f32 to vector<16xf32>
    %iota3A = tpu.iota {dimensions = array<i32: 0>} : vector<16xi32>
    %add3A_38 = arith.constant 0 : i32
    %add3A_39 = vector.broadcast %add3A_38 : i32 to vector<16xi32>
    %add3A_40 = arith.addi %iota3A, %add3A_39 : vector<16xi32>
    %add3A_41 = arith.constant 16 : i32
    %add3A_42 = vector.broadcast %add3A_41 : i32 to vector<16xi32>
    %add3A_43 = arith.addi %iota3A, %add3A_42 : vector<16xi32>
    %add3A_44 = arith.constant 32 : i32
    %add3A_45 = vector.broadcast %add3A_44 : i32 to vector<16xi32>
    %add3A_46 = arith.addi %iota3A, %add3A_45 : vector<16xi32>
    %add3A_47 = arith.constant 48 : i32
    %add3A_48 = vector.broadcast %add3A_47 : i32 to vector<16xi32>
    %add3A_49 = arith.addi %iota3A, %add3A_48 : vector<16xi32>
    %add3A_50 = arith.constant 64 : i32
    %add3A_51 = vector.broadcast %add3A_50 : i32 to vector<16xi32>
    %add3A_52 = arith.addi %iota3A, %add3A_51 : vector<16xi32>
    %add3A_53 = arith.constant 80 : i32
    %add3A_54 = vector.broadcast %add3A_53 : i32 to vector<16xi32>
    %add3A_55 = arith.addi %iota3A, %add3A_54 : vector<16xi32>
    %add3A_56 = arith.constant 96 : i32
    %add3A_57 = vector.broadcast %add3A_56 : i32 to vector<16xi32>
    %add3A_58 = arith.addi %iota3A, %add3A_57 : vector<16xi32>
    %add3A_59 = arith.constant 112 : i32
    %add3A_60 = vector.broadcast %add3A_59 : i32 to vector<16xi32>
    %add3A_61 = arith.addi %iota3A, %add3A_60 : vector<16xi32>
    %add3A_62 = arith.constant 128 : i32
    %add3A_63 = vector.broadcast %add3A_62 : i32 to vector<16xi32>
    %add3A_64 = arith.addi %iota3A, %add3A_63 : vector<16xi32>
    %add3A_65 = arith.constant 144 : i32
    %add3A_66 = vector.broadcast %add3A_65 : i32 to vector<16xi32>
    %add3A_67 = arith.addi %iota3A, %add3A_66 : vector<16xi32>
    %add3A_68 = arith.constant 160 : i32
    %add3A_69 = vector.broadcast %add3A_68 : i32 to vector<16xi32>
    %add3A_70 = arith.addi %iota3A, %add3A_69 : vector<16xi32>
    %add3A_71 = arith.constant 176 : i32
    %add3A_72 = vector.broadcast %add3A_71 : i32 to vector<16xi32>
    %add3A_73 = arith.addi %iota3A, %add3A_72 : vector<16xi32>
    %add3A_74 = arith.constant 192 : i32
    %add3A_75 = vector.broadcast %add3A_74 : i32 to vector<16xi32>
    %add3A_76 = arith.addi %iota3A, %add3A_75 : vector<16xi32>
    %add3A_77 = arith.constant 208 : i32
    %add3A_78 = vector.broadcast %add3A_77 : i32 to vector<16xi32>
    %add3A_79 = arith.addi %iota3A, %add3A_78 : vector<16xi32>
    %add3A_80 = arith.constant 224 : i32
    %add3A_81 = vector.broadcast %add3A_80 : i32 to vector<16xi32>
    %add3A_82 = arith.addi %iota3A, %add3A_81 : vector<16xi32>
    %add3A_83 = arith.constant 240 : i32
    %add3A_84 = vector.broadcast %add3A_83 : i32 to vector<16xi32>
    %add3A_85 = arith.addi %iota3A, %add3A_84 : vector<16xi32>
    %scan3A = arith.constant 0 : i32
    %scan3A_86 = arith.constant 0 : i32
    %scan3A_87 = arith.constant 128 : i32
    %scan3A_88 = arith.addi %scan3A_86, %scan3A_87 : i32
    %scan3A_89 = arith.constant 1 : i32
    %scan3A_90 = scf.for %scan3A_130 = %scan3A_86 to %scan3A_88 step %scan3A_89 iter_args(%scan3A_131 = %scan3A) -> (i32)  : i32 {
      %jit3A_132 = arith.constant 16 : i32
      %div3A_133 = arith.divsi %scan3A_130, %jit3A_132 : i32
      %sign3A_134 = arith.constant 0 : i32
      %sign3A_135 = arith.cmpi sgt, %scan3A_130, %sign3A_134 : i32
      %sign3A_136 = arith.extui %sign3A_135 : i1 to i32
      %sign3A_137 = arith.constant 0 : i32
      %sign3A_138 = arith.cmpi slt, %scan3A_130, %sign3A_137 : i32
      %sign3A_139 = arith.extui %sign3A_138 : i1 to i32
      %sign3A_140 = arith.subi %sign3A_136, %sign3A_139 : i32
      %sign3A_141 = arith.constant 0 : i32
      %sign3A_142 = arith.cmpi sgt, %jit3A_132, %sign3A_141 : i32
      %sign3A_143 = arith.extui %sign3A_142 : i1 to i32
      %sign3A_144 = arith.constant 0 : i32
      %sign3A_145 = arith.cmpi slt, %jit3A_132, %sign3A_144 : i32
      %sign3A_146 = arith.extui %sign3A_145 : i1 to i32
      %sign3A_147 = arith.subi %sign3A_143, %sign3A_146 : i32
      %ne3A_148 = arith.cmpi ne, %sign3A_140, %sign3A_147 : i32
      %rem3A_149 = arith.remsi %scan3A_130, %jit3A_132 : i32
      %ne3A_150 = arith.constant 0 : i32
      %ne3A_151 = arith.cmpi ne, %rem3A_149, %ne3A_150 : i32
      %and3A_152 = arith.andi %ne3A_148, %ne3A_151 : i1
      %sub3A_153 = arith.constant 1 : i32
      %sub3A_154 = arith.subi %div3A_133, %sub3A_153 : i32
      %select_n3A_155 = arith.select %and3A_152, %sub3A_154, %div3A_133 : i32
      %jit3A_156 = arith.constant 16 : i32
      %eq3A_157 = arith.constant 0 : i32
      %eq3A_158 = arith.cmpi eq, %jit3A_156, %eq3A_157 : i32
      %jit3A_159 = arith.constant 1 : i32
      %select_n3A_160 = arith.select %eq3A_158, %jit3A_159, %jit3A_156 : i32
      %rem3A_161 = arith.remsi %scan3A_130, %select_n3A_160 : i32
      %ne3A_162 = arith.constant 0 : i32
      %ne3A_163 = arith.cmpi ne, %rem3A_161, %ne3A_162 : i32
      %lt3A_164 = arith.constant 0 : i32
      %lt3A_165 = arith.cmpi slt, %rem3A_161, %lt3A_164 : i32
      %lt3A_166 = arith.constant 0 : i32
      %lt3A_167 = arith.cmpi slt, %select_n3A_160, %lt3A_166 : i32
      %ne3A_168 = arith.xori %lt3A_165, %lt3A_167 : i1
      %and3A_169 = arith.andi %ne3A_168, %ne3A_163 : i1
      %add3A_170 = arith.addi %rem3A_161, %select_n3A_160 : i32
      %select_n3A_171 = arith.select %and3A_169, %add3A_170, %rem3A_161 : i32
      %mul3A_172 = arith.constant 16 : i32
      %mul3A_173 = arith.muli %select_n3A_171, %mul3A_172 : i32
      %swap3A = arith.index_cast %select_n3A_155 : i32 to index
      %swap3A_174 = arith.index_cast %mul3A_173 : i32 to index
      %swap3A_175 = tpu.vector_load %arg10[%swap3A, %swap3A_174] {strides = array<i32>} : memref<8x256xf32, #tpu.memory_space<vmem>>, vector<16xf32>,
      tpu.vector_store %arg10[%swap3A, %swap3A_174], %broadcast_in_dim3A_35 {strides = array<i32>} : memref<8x256xf32, #tpu.memory_space<vmem>>, vector<16xf32>,
      %mul3A_176 = arith.constant 16 : i32
      %mul3A_177 = arith.muli %select_n3A_171, %mul3A_176 : i32
      %swap3A_178 = arith.index_cast %select_n3A_155 : i32 to index
      %swap3A_179 = arith.index_cast %mul3A_177 : i32 to index
      %swap3A_180 = tpu.vector_load %arg11[%swap3A_178, %swap3A_179] {strides = array<i32>} : memref<8x256xf32, #tpu.memory_space<vmem>>, vector<16xf32>,
      tpu.vector_store %arg11[%swap3A_178, %swap3A_179], %broadcast_in_dim3A_35 {strides = array<i32>} : memref<8x256xf32, #tpu.memory_space<vmem>>, vector<16xf32>,
      %scan3A_181 = arith.constant 0 : i32
      scf.yield %scan3A_181 : i32
    }
    %scan3A_91 = arith.constant 128 : i32
    %scan3A_92 = arith.constant 0 : i32
    %scan3A_93 = arith.constant 0 : i32
    %scan3A_94 = arith.constant 8 : i32
    %scan3A_95 = arith.addi %scan3A_93, %scan3A_94 : i32
    %scan3A_96 = arith.constant 1 : i32
    %scan3A_97 = scf.for %scan3A_130 = %scan3A_93 to %scan3A_95 step %scan3A_96 iter_args(%scan3A_131 = %scan3A_92) -> (i32)  : i32 {
      %swap3A = arith.index_cast %scan3A_130 : i32 to index
      %swap3A_132 = arith.constant 0 : index
      %swap3A_133 = tpu.vector_load %arg9[%swap3A, %swap3A_132] {strides = array<i32>} : memref<8x16xf32, #tpu.memory_space<vmem>>, vector<16xf32>,
      tpu.vector_store %arg9[%swap3A, %swap3A_132], %broadcast_in_dim3A_35 {strides = array<i32>} : memref<8x16xf32, #tpu.memory_space<vmem>>, vector<16xf32>,
      %scan3A_134 = arith.constant 0 : i32
      scf.yield %scan3A_134 : i32
    }
    %scan3A_98 = arith.constant 8 : i32
    %add3A_99 = arith.constant 0 : i32
    %add3A_100 = arith.addi %mul3A_34, %add3A_99 : i32
    %dma_start3A = arith.constant 0 : i32
    %dma_start3A_101 = arith.constant 0 : i32
    %dma_start3A_102 = arith.constant 0 : i32
    %dma_start3A_103 = tpu.memref_slice %arg7[%dma_start3A, %dma_start3A_101, %dma_start3A_102] : memref<2x16x2048xf32, #tpu.memory_space<vmem>> -> memref<1x16x2048xf32, #tpu.memory_space<vmem>>
    %dma_start3A_104 = tpu.memref_squeeze %dma_start3A_103 : memref<1x16x2048xf32, #tpu.memory_space<vmem>> -> memref<16x2048xf32, #tpu.memory_space<vmem>>
    %dma_start3A_105 = tpu.memref_slice %arg2[%mul3A_32, %add3A_100] : memref<32x524288xf32, #tpu.memory_space<hbm>> -> memref<16x2048xf32, #tpu.memory_space<hbm>>
    %dma_start3A_106 = arith.constant 0 : i32
    %dma_start3A_107 = arith.constant 0 : i32
    %dma_start3A_108 = tpu.memref_slice %arg7[%dma_start3A, %dma_start3A_106, %dma_start3A_107] : memref<2x16x2048xf32, #tpu.memory_space<vmem>> -> memref<1x16x2048xf32, #tpu.memory_space<vmem>>
    %dma_start3A_109 = tpu.memref_squeeze %dma_start3A_108 : memref<1x16x2048xf32, #tpu.memory_space<vmem>> -> memref<16x2048xf32, #tpu.memory_space<vmem>>
    %dma_start3A_110 = tpu.memref_slice %arg2[%mul3A_32, %add3A_100] : memref<32x524288xf32, #tpu.memory_space<hbm>> -> memref<16x2048xf32, #tpu.memory_space<hbm>>
    tpu.enqueue_dma source(%dma_start3A_110 : memref<16x2048xf32, #tpu.memory_space<hbm>>) target(%dma_start3A_109 : memref<16x2048xf32, #tpu.memory_space<vmem>>) target_semaphore(%arg12 : memref<!tpu.dma_semaphore, #tpu.memory_space<semaphore_mem>>)
    %mul3A_111 = arith.constant 524288 : i32
    %mul3A_112 = arith.muli %select_n3A, %mul3A_111 : i32
    %add3A_113 = arith.addi %mul3A_112, %add3A_100 : i32
    %dma_start3A_114 = arith.constant 0 : i32
    %dma_start3A_115 = arith.constant 0 : i32
    %dma_start3A_116 = tpu.memref_slice %arg8[%dma_start3A_114, %dma_start3A_115] : memref<2x2048xi32, #tpu.memory_space<vmem>> -> memref<1x2048xi32, #tpu.memory_space<vmem>>
    %dma_start3A_117 = tpu.memref_squeeze %dma_start3A_116 : memref<1x2048xi32, #tpu.memory_space<vmem>> -> memref<2048xi32, #tpu.memory_space<vmem>>
    %dma_start3A_118 = tpu.memref_slice %arg3[%add3A_113] : memref<1048576xi32, #tpu.memory_space<hbm>> -> memref<2048xi32, #tpu.memory_space<hbm>>
    %dma_start3A_119 = arith.constant 0 : i32
    %dma_start3A_120 = tpu.memref_slice %arg8[%dma_start3A_114, %dma_start3A_119] : memref<2x2048xi32, #tpu.memory_space<vmem>> -> memref<1x2048xi32, #tpu.memory_space<vmem>>
    %dma_start3A_121 = tpu.memref_squeeze %dma_start3A_120 : memref<1x2048xi32, #tpu.memory_space<vmem>> -> memref<2048xi32, #tpu.memory_space<vmem>>
    %dma_start3A_122 = tpu.memref_slice %arg3[%add3A_113] : memref<1048576xi32, #tpu.memory_space<hbm>> -> memref<2048xi32, #tpu.memory_space<hbm>>
    tpu.enqueue_dma source(%dma_start3A_122 : memref<2048xi32, #tpu.memory_space<hbm>>) target(%dma_start3A_121 : memref<2048xi32, #tpu.memory_space<vmem>>) target_semaphore(%arg14 : memref<!tpu.dma_semaphore, #tpu.memory_space<semaphore_mem>>)
    %scan3A_123 = arith.constant 0 : i32
    %scan3A_124 = arith.constant 0 : i32
    %scan3A_125 = arith.constant 8 : i32
    %scan3A_126 = arith.addi %scan3A_124, %scan3A_125 : i32
    %scan3A_127 = arith.constant 1 : i32
    %scan3A_128 = scf.for %scan3A_130 = %scan3A_124 to %scan3A_126 step %scan3A_127 iter_args(%scan3A_131 = %scan3A_123) -> (i32)  : i32 {
      %mul3A_132 = arith.constant 2 : i32
      %mul3A_133 = arith.muli %scan3A_130, %mul3A_132 : i32
      %add3A_134 = arith.constant 1 : i32
      %add3A_135 = arith.addi %mul3A_133, %add3A_134 : i32
      %mul3A_136 = arith.constant 2048 : i32
      %mul3A_137 = arith.muli %add3A_135, %mul3A_136 : i32
      %add3A_138 = arith.addi %mul3A_34, %mul3A_137 : i32
      %dma_start3A_139 = arith.constant 1 : i32
      %dma_start3A_140 = arith.constant 0 : i32
      %dma_start3A_141 = arith.constant 0 : i32
      %dma_start3A_142 = tpu.memref_slice %arg7[%dma_start3A_139, %dma_start3A_140, %dma_start3A_141] : memref<2x16x2048xf32, #tpu.memory_space<vmem>> -> memref<1x16x2048xf32, #tpu.memory_space<vmem>>
      %dma_start3A_143 = tpu.memref_squeeze %dma_start3A_142 : memref<1x16x2048xf32, #tpu.memory_space<vmem>> -> memref<16x2048xf32, #tpu.memory_space<vmem>>
      %dma_start3A_144 = tpu.memref_slice %arg2[%mul3A_32, %add3A_138] : memref<32x524288xf32, #tpu.memory_space<hbm>> -> memref<16x2048xf32, #tpu.memory_space<hbm>>
      %dma_start3A_145 = arith.constant 0 : i32
      %dma_start3A_146 = arith.constant 0 : i32
      %dma_start3A_147 = tpu.memref_slice %arg7[%dma_start3A_139, %dma_start3A_145, %dma_start3A_146] : memref<2x16x2048xf32, #tpu.memory_space<vmem>> -> memref<1x16x2048xf32, #tpu.memory_space<vmem>>
      %dma_start3A_148 = tpu.memref_squeeze %dma_start3A_147 : memref<1x16x2048xf32, #tpu.memory_space<vmem>> -> memref<16x2048xf32, #tpu.memory_space<vmem>>
      %dma_start3A_149 = tpu.memref_slice %arg2[%mul3A_32, %add3A_138] : memref<32x524288xf32, #tpu.memory_space<hbm>> -> memref<16x2048xf32, #tpu.memory_space<hbm>>
      tpu.enqueue_dma source(%dma_start3A_149 : memref<16x2048xf32, #tpu.memory_space<hbm>>) target(%dma_start3A_148 : memref<16x2048xf32, #tpu.memory_space<vmem>>) target_semaphore(%arg13 : memref<!tpu.dma_semaphore, #tpu.memory_space<semaphore_mem>>)
      %mul3A_150 = arith.constant 524288 : i32
      %mul3A_151 = arith.muli %select_n3A, %mul3A_150 : i32
      %add3A_152 = arith.addi %mul3A_151, %add3A_138 : i32
      %dma_start3A_153 = arith.constant 1 : i32
      %dma_start3A_154 = arith.constant 0 : i32
      %dma_start3A_155 = tpu.memref_slice %arg8[%dma_start3A_153, %dma_start3A_154] : memref<2x2048xi32, #tpu.memory_space<vmem>> -> memref<1x2048xi32, #tpu.memory_space<vmem>>
      %dma_start3A_156 = tpu.memref_squeeze %dma_start3A_155 : memref<1x2048xi32, #tpu.memory_space<vmem>> -> memref<2048xi32, #tpu.memory_space<vmem>>
      %dma_start3A_157 = tpu.memref_slice %arg3[%add3A_152] : memref<1048576xi32, #tpu.memory_space<hbm>> -> memref<2048xi32, #tpu.memory_space<hbm>>
      %dma_start3A_158 = arith.constant 0 : i32
      %dma_start3A_159 = tpu.memref_slice %arg8[%dma_start3A_153, %dma_start3A_158] : memref<2x2048xi32, #tpu.memory_space<vmem>> -> memref<1x2048xi32, #tpu.memory_space<vmem>>
      %dma_start3A_160 = tpu.memref_squeeze %dma_start3A_159 : memref<1x2048xi32, #tpu.memory_space<vmem>> -> memref<2048xi32, #tpu.memory_space<vmem>>
      %dma_start3A_161 = tpu.memref_slice %arg3[%add3A_152] : memref<1048576xi32, #tpu.memory_space<hbm>> -> memref<2048xi32, #tpu.memory_space<hbm>>
      tpu.enqueue_dma source(%dma_start3A_161 : memref<2048xi32, #tpu.memory_space<hbm>>) target(%dma_start3A_160 : memref<2048xi32, #tpu.memory_space<vmem>>) target_semaphore(%arg15 : memref<!tpu.dma_semaphore, #tpu.memory_space<semaphore_mem>>)
      %mul3A_162 = arith.constant 2048 : i32
      %mul3A_163 = arith.muli %mul3A_133, %mul3A_162 : i32
      %add3A_164 = arith.addi %mul3A_34, %mul3A_163 : i32
      %dma_wait3A = arith.constant 0 : i32
      %dma_wait3A_165 = arith.constant 0 : i32
      %dma_wait3A_166 = arith.constant 0 : i32
      %dma_wait3A_167 = tpu.memref_slice %arg7[%dma_wait3A, %dma_wait3A_165, %dma_wait3A_166] : memref<2x16x2048xf32, #tpu.memory_space<vmem>> -> memref<1x16x2048xf32, #tpu.memory_space<vmem>>
      %dma_wait3A_168 = tpu.memref_squeeze %dma_wait3A_167 : memref<1x16x2048xf32, #tpu.memory_space<vmem>> -> memref<16x2048xf32, #tpu.memory_space<vmem>>
      %dma_wait3A_169 = tpu.memref_slice %arg2[%mul3A_32, %add3A_164] : memref<32x524288xf32, #tpu.memory_space<hbm>> -> memref<16x2048xf32, #tpu.memory_space<hbm>>
      %dma_wait3A_170 = arith.constant 0 : i32
      %dma_wait3A_171 = arith.constant 0 : i32
      %dma_wait3A_172 = tpu.memref_slice %arg7[%dma_wait3A, %dma_wait3A_170, %dma_wait3A_171] : memref<2x16x2048xf32, #tpu.memory_space<vmem>> -> memref<1x16x2048xf32, #tpu.memory_space<vmem>>
      %dma_wait3A_173 = tpu.memref_squeeze %dma_wait3A_172 : memref<1x16x2048xf32, #tpu.memory_space<vmem>> -> memref<16x2048xf32, #tpu.memory_space<vmem>>
      %dma_wait3A_174 = tpu.memref_slice %arg2[%mul3A_32, %add3A_164] : memref<32x524288xf32, #tpu.memory_space<hbm>> -> memref<16x2048xf32, #tpu.memory_space<hbm>>
      tpu.wait_dma2 semaphore(%arg12 : memref<!tpu.dma_semaphore, #tpu.memory_space<semaphore_mem>>) src(%dma_wait3A_174 : memref<16x2048xf32, #tpu.memory_space<hbm>>) dst(%dma_wait3A_173 : memref<16x2048xf32, #tpu.memory_space<vmem>>)
      %mul3A_175 = arith.constant 524288 : i32
      %mul3A_176 = arith.muli %select_n3A, %mul3A_175 : i32
      %add3A_177 = arith.addi %mul3A_176, %add3A_164 : i32
      %dma_wait3A_178 = arith.constant 0 : i32
      %dma_wait3A_179 = arith.constant 0 : i32
      %dma_wait3A_180 = tpu.memref_slice %arg8[%dma_wait3A_178, %dma_wait3A_179] : memref<2x2048xi32, #tpu.memory_space<vmem>> -> memref<1x2048xi32, #tpu.memory_space<vmem>>
      %dma_wait3A_181 = tpu.memref_squeeze %dma_wait3A_180 : memref<1x2048xi32, #tpu.memory_space<vmem>> -> memref<2048xi32, #tpu.memory_space<vmem>>
      %dma_wait3A_182 = tpu.memref_slice %arg3[%add3A_177] : memref<1048576xi32, #tpu.memory_space<hbm>> -> memref<2048xi32, #tpu.memory_space<hbm>>
      %dma_wait3A_183 = arith.constant 0 : i32
      %dma_wait3A_184 = tpu.memref_slice %arg8[%dma_wait3A_178, %dma_wait3A_183] : memref<2x2048xi32, #tpu.memory_space<vmem>> -> memref<1x2048xi32, #tpu.memory_space<vmem>>
      %dma_wait3A_185 = tpu.memref_squeeze %dma_wait3A_184 : memref<1x2048xi32, #tpu.memory_space<vmem>> -> memref<2048xi32, #tpu.memory_space<vmem>>
      %dma_wait3A_186 = tpu.memref_slice %arg3[%add3A_177] : memref<1048576xi32, #tpu.memory_space<hbm>> -> memref<2048xi32, #tpu.memory_space<hbm>>
      tpu.wait_dma2 semaphore(%arg14 : memref<!tpu.dma_semaphore, #tpu.memory_space<semaphore_mem>>) src(%dma_wait3A_186 : memref<2048xi32, #tpu.memory_space<hbm>>) dst(%dma_wait3A_185 : memref<2048xi32, #tpu.memory_space<vmem>>)
      %parallel_loop3A = arith.constant 0 : i32
      %parallel_loop3A_187 = arith.constant 128 : i32
      %parallel_loop3A_188 = arith.constant 1 : i32
      scf.for %parallel_loop3A_224 = %parallel_loop3A to %parallel_loop3A_187 step %parallel_loop3A_188  : i32 {
        %parallel_loop3A_225 = arith.constant 16 : i32
        %parallel_loop3A_226 = arith.muli %parallel_loop3A_224, %parallel_loop3A_225 : i32
        %parallel_loop3A_227 = arith.constant 0 : i32
        %parallel_loop3A_228 = arith.index_cast %parallel_loop3A_227 : i32 to index
        %parallel_loop3A_229 = arith.index_cast %parallel_loop3A_226 : i32 to index
        %parallel_loop3A_230 = tpu.vector_load %arg8[%parallel_loop3A_228, %parallel_loop3A_229] {strides = array<i32>} : memref<2x2048xi32, #tpu.memory_space<vmem>>, vector<16xi32>,
        %parallel_loop3A_231 = arith.constant 0 : i32
        %parallel_loop3A_232 = arith.constant 0 : i32
        %parallel_loop3A_233 = arith.index_cast %parallel_loop3A_231 : i32 to index
        %parallel_loop3A_234 = arith.index_cast %parallel_loop3A_232 : i32 to index
        %parallel_loop3A_235 = arith.index_cast %parallel_loop3A_226 : i32 to index
        %parallel_loop3A_236 = tpu.vector_load %arg7[%parallel_loop3A_233, %parallel_loop3A_234, %parallel_loop3A_235] {strides = array<i32>} : memref<2x16x2048xf32, #tpu.memory_space<vmem>>, vector<16xf32>,
        %parallel_loop3A_237 = arith.mulf %parallel_loop3A_236, %parallel_loop3A_236 : vector<16xf32>
        %parallel_loop3A_238 = arith.constant 0 : i32
        %parallel_loop3A_239 = arith.constant 1 : i32
        %parallel_loop3A_240 = arith.index_cast %parallel_loop3A_238 : i32 to index
        %parallel_loop3A_241 = arith.index_cast %parallel_loop3A_239 : i32 to index
        %parallel_loop3A_242 = arith.index_cast %parallel_loop3A_226 : i32 to index
        %parallel_loop3A_243 = tpu.vector_load %arg7[%parallel_loop3A_240, %parallel_loop3A_241, %parallel_loop3A_242] {strides = array<i32>} : memref<2x16x2048xf32, #tpu.memory_space<vmem>>, vector<16xf32>,
        %parallel_loop3A_244 = arith.mulf %parallel_loop3A_243, %parallel_loop3A_243 : vector<16xf32>
        %parallel_loop3A_245 = arith.constant 0 : i32
        %parallel_loop3A_246 = arith.constant 2 : i32
        %parallel_loop3A_247 = arith.index_cast %parallel_loop3A_245 : i32 to index
        %parallel_loop3A_248 = arith.index_cast %parallel_loop3A_246 : i32 to index
        %parallel_loop3A_249 = arith.index_cast %parallel_loop3A_226 : i32 to index
        %parallel_loop3A_250 = tpu.vector_load %arg7[%parallel_loop3A_247, %parallel_loop3A_248, %parallel_loop3A_249] {strides = array<i32>} : memref<2x16x2048xf32, #tpu.memory_space<vmem>>, vector<16xf32>,
        %parallel_loop3A_251 = arith.mulf %parallel_loop3A_250, %parallel_loop3A_250 : vector<16xf32>
        %parallel_loop3A_252 = arith.constant 0 : i32
        %parallel_loop3A_253 = arith.constant 3 : i32
        %parallel_loop3A_254 = arith.index_cast %parallel_loop3A_252 : i32 to index
        %parallel_loop3A_255 = arith.index_cast %parallel_loop3A_253 : i32 to index
        %parallel_loop3A_256 = arith.index_cast %parallel_loop3A_226 : i32 to index
        %parallel_loop3A_257 = tpu.vector_load %arg7[%parallel_loop3A_254, %parallel_loop3A_255, %parallel_loop3A_256] {strides = array<i32>} : memref<2x16x2048xf32, #tpu.memory_space<vmem>>, vector<16xf32>,
        %parallel_loop3A_258 = arith.mulf %parallel_loop3A_257, %parallel_loop3A_257 : vector<16xf32>
        %parallel_loop3A_259 = arith.constant 0 : i32
        %parallel_loop3A_260 = arith.constant 4 : i32
        %parallel_loop3A_261 = arith.index_cast %parallel_loop3A_259 : i32 to index
        %parallel_loop3A_262 = arith.index_cast %parallel_loop3A_260 : i32 to index
        %parallel_loop3A_263 = arith.index_cast %parallel_loop3A_226 : i32 to index
        %parallel_loop3A_264 = tpu.vector_load %arg7[%parallel_loop3A_261, %parallel_loop3A_262, %parallel_loop3A_263] {strides = array<i32>} : memref<2x16x2048xf32, #tpu.memory_space<vmem>>, vector<16xf32>,
        %parallel_loop3A_265 = arith.mulf %parallel_loop3A_264, %parallel_loop3A_264 : vector<16xf32>
        %parallel_loop3A_266 = arith.constant 0 : i32
        %parallel_loop3A_267 = arith.constant 5 : i32
        %parallel_loop3A_268 = arith.index_cast %parallel_loop3A_266 : i32 to index
        %parallel_loop3A_269 = arith.index_cast %parallel_loop3A_267 : i32 to index
        %parallel_loop3A_270 = arith.index_cast %parallel_loop3A_226 : i32 to index
        %parallel_loop3A_271 = tpu.vector_load %arg7[%parallel_loop3A_268, %parallel_loop3A_269, %parallel_loop3A_270] {strides = array<i32>} : memref<2x16x2048xf32, #tpu.memory_space<vmem>>, vector<16xf32>,
        %parallel_loop3A_272 = arith.mulf %parallel_loop3A_271, %parallel_loop3A_271 : vector<16xf32>
        %parallel_loop3A_273 = arith.constant 0 : i32
        %parallel_loop3A_274 = arith.constant 6 : i32
        %parallel_loop3A_275 = arith.index_cast %parallel_loop3A_273 : i32 to index
        %parallel_loop3A_276 = arith.index_cast %parallel_loop3A_274 : i32 to index
        %parallel_loop3A_277 = arith.index_cast %parallel_loop3A_226 : i32 to index
        %parallel_loop3A_278 = tpu.vector_load %arg7[%parallel_loop3A_275, %parallel_loop3A_276, %parallel_loop3A_277] {strides = array<i32>} : memref<2x16x2048xf32, #tpu.memory_space<vmem>>, vector<16xf32>,
        %parallel_loop3A_279 = arith.mulf %parallel_loop3A_278, %parallel_loop3A_278 : vector<16xf32>
        %parallel_loop3A_280 = arith.constant 0 : i32
        %parallel_loop3A_281 = arith.constant 7 : i32
        %parallel_loop3A_282 = arith.index_cast %parallel_loop3A_280 : i32 to index
        %parallel_loop3A_283 = arith.index_cast %parallel_loop3A_281 : i32 to index
        %parallel_loop3A_284 = arith.index_cast %parallel_loop3A_226 : i32 to index
        %parallel_loop3A_285 = tpu.vector_load %arg7[%parallel_loop3A_282, %parallel_loop3A_283, %parallel_loop3A_284] {strides = array<i32>} : memref<2x16x2048xf32, #tpu.memory_space<vmem>>, vector<16xf32>,
        %parallel_loop3A_286 = arith.mulf %parallel_loop3A_285, %parallel_loop3A_285 : vector<16xf32>
        %parallel_loop3A_287 = arith.constant 0 : i32
        %parallel_loop3A_288 = arith.constant 8 : i32
        %parallel_loop3A_289 = arith.index_cast %parallel_loop3A_287 : i32 to index
        %parallel_loop3A_290 = arith.index_cast %parallel_loop3A_288 : i32 to index
        %parallel_loop3A_291 = arith.index_cast %parallel_loop3A_226 : i32 to index
        %parallel_loop3A_292 = tpu.vector_load %arg7[%parallel_loop3A_289, %parallel_loop3A_290, %parallel_loop3A_291] {strides = array<i32>} : memref<2x16x2048xf32, #tpu.memory_space<vmem>>, vector<16xf32>,
        %parallel_loop3A_293 = arith.mulf %parallel_loop3A_292, %parallel_loop3A_292 : vector<16xf32>
        %parallel_loop3A_294 = arith.constant 0 : i32
        %parallel_loop3A_295 = arith.constant 9 : i32
        %parallel_loop3A_296 = arith.index_cast %parallel_loop3A_294 : i32 to index
        %parallel_loop3A_297 = arith.index_cast %parallel_loop3A_295 : i32 to index
        %parallel_loop3A_298 = arith.index_cast %parallel_loop3A_226 : i32 to index
        %parallel_loop3A_299 = tpu.vector_load %arg7[%parallel_loop3A_296, %parallel_loop3A_297, %parallel_loop3A_298] {strides = array<i32>} : memref<2x16x2048xf32, #tpu.memory_space<vmem>>, vector<16xf32>,
        %parallel_loop3A_300 = arith.mulf %parallel_loop3A_299, %parallel_loop3A_299 : vector<16xf32>
        %parallel_loop3A_301 = arith.constant 0 : i32
        %parallel_loop3A_302 = arith.constant 10 : i32
        %parallel_loop3A_303 = arith.index_cast %parallel_loop3A_301 : i32 to index
        %parallel_loop3A_304 = arith.index_cast %parallel_loop3A_302 : i32 to index
        %parallel_loop3A_305 = arith.index_cast %parallel_loop3A_226 : i32 to index
        %parallel_loop3A_306 = tpu.vector_load %arg7[%parallel_loop3A_303, %parallel_loop3A_304, %parallel_loop3A_305] {strides = array<i32>} : memref<2x16x2048xf32, #tpu.memory_space<vmem>>, vector<16xf32>,
        %parallel_loop3A_307 = arith.mulf %parallel_loop3A_306, %parallel_loop3A_306 : vector<16xf32>
        %parallel_loop3A_308 = arith.constant 0 : i32
        %parallel_loop3A_309 = arith.constant 11 : i32
        %parallel_loop3A_310 = arith.index_cast %parallel_loop3A_308 : i32 to index
        %parallel_loop3A_311 = arith.index_cast %parallel_loop3A_309 : i32 to index
        %parallel_loop3A_312 = arith.index_cast %parallel_loop3A_226 : i32 to index
        %parallel_loop3A_313 = tpu.vector_load %arg7[%parallel_loop3A_310, %parallel_loop3A_311, %parallel_loop3A_312] {strides = array<i32>} : memref<2x16x2048xf32, #tpu.memory_space<vmem>>, vector<16xf32>,
        %parallel_loop3A_314 = arith.mulf %parallel_loop3A_313, %parallel_loop3A_313 : vector<16xf32>
        %parallel_loop3A_315 = arith.constant 0 : i32
        %parallel_loop3A_316 = arith.constant 12 : i32
        %parallel_loop3A_317 = arith.index_cast %parallel_loop3A_315 : i32 to index
        %parallel_loop3A_318 = arith.index_cast %parallel_loop3A_316 : i32 to index
        %parallel_loop3A_319 = arith.index_cast %parallel_loop3A_226 : i32 to index
        %parallel_loop3A_320 = tpu.vector_load %arg7[%parallel_loop3A_317, %parallel_loop3A_318, %parallel_loop3A_319] {strides = array<i32>} : memref<2x16x2048xf32, #tpu.memory_space<vmem>>, vector<16xf32>,
        %parallel_loop3A_321 = arith.mulf %parallel_loop3A_320, %parallel_loop3A_320 : vector<16xf32>
        %parallel_loop3A_322 = arith.constant 0 : i32
        %parallel_loop3A_323 = arith.constant 13 : i32
        %parallel_loop3A_324 = arith.index_cast %parallel_loop3A_322 : i32 to index
        %parallel_loop3A_325 = arith.index_cast %parallel_loop3A_323 : i32 to index
        %parallel_loop3A_326 = arith.index_cast %parallel_loop3A_226 : i32 to index
        %parallel_loop3A_327 = tpu.vector_load %arg7[%parallel_loop3A_324, %parallel_loop3A_325, %parallel_loop3A_326] {strides = array<i32>} : memref<2x16x2048xf32, #tpu.memory_space<vmem>>, vector<16xf32>,
        %parallel_loop3A_328 = arith.mulf %parallel_loop3A_327, %parallel_loop3A_327 : vector<16xf32>
        %parallel_loop3A_329 = arith.constant 0 : i32
        %parallel_loop3A_330 = arith.constant 14 : i32
        %parallel_loop3A_331 = arith.index_cast %parallel_loop3A_329 : i32 to index
        %parallel_loop3A_332 = arith.index_cast %parallel_loop3A_330 : i32 to index
        %parallel_loop3A_333 = arith.index_cast %parallel_loop3A_226 : i32 to index
        %parallel_loop3A_334 = tpu.vector_load %arg7[%parallel_loop3A_331, %parallel_loop3A_332, %parallel_loop3A_333] {strides = array<i32>} : memref<2x16x2048xf32, #tpu.memory_space<vmem>>, vector<16xf32>,
        %parallel_loop3A_335 = arith.mulf %parallel_loop3A_334, %parallel_loop3A_334 : vector<16xf32>
        %parallel_loop3A_336 = arith.constant 0 : i32
        %parallel_loop3A_337 = arith.constant 15 : i32
        %parallel_loop3A_338 = arith.index_cast %parallel_loop3A_336 : i32 to index
        %parallel_loop3A_339 = arith.index_cast %parallel_loop3A_337 : i32 to index
        %parallel_loop3A_340 = arith.index_cast %parallel_loop3A_226 : i32 to index
        %parallel_loop3A_341 = tpu.vector_load %arg7[%parallel_loop3A_338, %parallel_loop3A_339, %parallel_loop3A_340] {strides = array<i32>} : memref<2x16x2048xf32, #tpu.memory_space<vmem>>, vector<16xf32>,
        %parallel_loop3A_342 = arith.mulf %parallel_loop3A_341, %parallel_loop3A_341 : vector<16xf32>
        %parallel_loop3A_343 = arith.addf %parallel_loop3A_237, %parallel_loop3A_244 : vector<16xf32>
        %parallel_loop3A_344 = arith.addf %parallel_loop3A_251, %parallel_loop3A_258 : vector<16xf32>
        %parallel_loop3A_345 = arith.addf %parallel_loop3A_265, %parallel_loop3A_272 : vector<16xf32>
        %parallel_loop3A_346 = arith.addf %parallel_loop3A_279, %parallel_loop3A_286 : vector<16xf32>
        %parallel_loop3A_347 = arith.addf %parallel_loop3A_293, %parallel_loop3A_300 : vector<16xf32>
        %parallel_loop3A_348 = arith.addf %parallel_loop3A_307, %parallel_loop3A_314 : vector<16xf32>
        %parallel_loop3A_349 = arith.addf %parallel_loop3A_321, %parallel_loop3A_328 : vector<16xf32>
        %parallel_loop3A_350 = arith.addf %parallel_loop3A_335, %parallel_loop3A_342 : vector<16xf32>
        %parallel_loop3A_351 = arith.addf %parallel_loop3A_343, %parallel_loop3A_344 : vector<16xf32>
        %parallel_loop3A_352 = arith.addf %parallel_loop3A_345, %parallel_loop3A_346 : vector<16xf32>
        %parallel_loop3A_353 = arith.addf %parallel_loop3A_347, %parallel_loop3A_348 : vector<16xf32>
        %parallel_loop3A_354 = arith.addf %parallel_loop3A_349, %parallel_loop3A_350 : vector<16xf32>
        %parallel_loop3A_355 = arith.addf %parallel_loop3A_351, %parallel_loop3A_352 : vector<16xf32>
        %parallel_loop3A_356 = arith.addf %parallel_loop3A_353, %parallel_loop3A_354 : vector<16xf32>
        %parallel_loop3A_357 = arith.addf %parallel_loop3A_355, %parallel_loop3A_356 : vector<16xf32>
        %parallel_loop3A_358 = tpu.bitcast %parallel_loop3A_357 : vector<16xf32> -> vector<16xi32>
        %parallel_loop3A_359 = arith.constant 1 : i32
        %parallel_loop3A_360 = vector.broadcast %parallel_loop3A_359 : i32 to vector<16xi32>
        %parallel_loop3A_361 = arith.shrsi %parallel_loop3A_358, %parallel_loop3A_360 : vector<16xi32>
        %parallel_loop3A_362 = arith.constant 1597463007 : i32
        %parallel_loop3A_363 = vector.broadcast %parallel_loop3A_362 : i32 to vector<16xi32>
        %parallel_loop3A_364 = arith.subi %parallel_loop3A_363, %parallel_loop3A_361 : vector<16xi32>
        %parallel_loop3A_365 = tpu.bitcast %parallel_loop3A_364 : vector<16xi32> -> vector<16xf32>
        %parallel_loop3A_366 = arith.constant 5.000000e-01 : f32
        %parallel_loop3A_367 = vector.broadcast %parallel_loop3A_366 : f32 to vector<16xf32>
        %parallel_loop3A_368 = arith.mulf %parallel_loop3A_367, %parallel_loop3A_357 : vector<16xf32>
        %parallel_loop3A_369 = arith.mulf %parallel_loop3A_368, %parallel_loop3A_365 : vector<16xf32>
        %parallel_loop3A_370 = arith.mulf %parallel_loop3A_369, %parallel_loop3A_365 : vector<16xf32>
        %parallel_loop3A_371 = arith.constant 1.500000e+00 : f32
        %parallel_loop3A_372 = vector.broadcast %parallel_loop3A_371 : f32 to vector<16xf32>
        %parallel_loop3A_373 = arith.subf %parallel_loop3A_372, %parallel_loop3A_370 : vector<16xf32>
        %parallel_loop3A_374 = arith.mulf %parallel_loop3A_365, %parallel_loop3A_373 : vector<16xf32>
        %parallel_loop3A_375 = arith.constant 5.000000e-01 : f32
        %parallel_loop3A_376 = vector.broadcast %parallel_loop3A_375 : f32 to vector<16xf32>
        %parallel_loop3A_377 = arith.mulf %parallel_loop3A_376, %parallel_loop3A_357 : vector<16xf32>
        %parallel_loop3A_378 = arith.mulf %parallel_loop3A_377, %parallel_loop3A_374 : vector<16xf32>
        %parallel_loop3A_379 = arith.mulf %parallel_loop3A_378, %parallel_loop3A_374 : vector<16xf32>
        %parallel_loop3A_380 = arith.constant 1.500000e+00 : f32
        %parallel_loop3A_381 = vector.broadcast %parallel_loop3A_380 : f32 to vector<16xf32>
        %parallel_loop3A_382 = arith.subf %parallel_loop3A_381, %parallel_loop3A_379 : vector<16xf32>
        %parallel_loop3A_383 = arith.mulf %parallel_loop3A_374, %parallel_loop3A_382 : vector<16xf32>
        %parallel_loop3A_384 = arith.constant 5.000000e-01 : f32
        %parallel_loop3A_385 = vector.broadcast %parallel_loop3A_384 : f32 to vector<16xf32>
        %parallel_loop3A_386 = arith.mulf %parallel_loop3A_385, %parallel_loop3A_357 : vector<16xf32>
        %parallel_loop3A_387 = arith.mulf %parallel_loop3A_386, %parallel_loop3A_383 : vector<16xf32>
        %parallel_loop3A_388 = arith.mulf %parallel_loop3A_387, %parallel_loop3A_383 : vector<16xf32>
        %parallel_loop3A_389 = arith.constant 1.500000e+00 : f32
        %parallel_loop3A_390 = vector.broadcast %parallel_loop3A_389 : f32 to vector<16xf32>
        %parallel_loop3A_391 = arith.subf %parallel_loop3A_390, %parallel_loop3A_388 : vector<16xf32>
        %parallel_loop3A_392 = arith.mulf %parallel_loop3A_383, %parallel_loop3A_391 : vector<16xf32>
        %parallel_loop3A_393 = arith.constant 0.000000e+00 : f32
        %parallel_loop3A_394 = vector.broadcast %parallel_loop3A_393 : f32 to vector<16xf32>
        %parallel_loop3A_395 = arith.cmpf ogt, %parallel_loop3A_357, %parallel_loop3A_394 : vector<16xf32>
        %parallel_loop3A_396 = arith.constant 0.000000e+00 : f32
        %parallel_loop3A_397 = vector.broadcast %parallel_loop3A_396 : f32 to vector<16xf32>
        %parallel_loop3A_398 = arith.select %parallel_loop3A_395, %parallel_loop3A_392, %parallel_loop3A_397 : vector<16xi1>, vector<16xf32>
        tpu.vector_store_idx %arg10[%parallel_loop3A_230, %add3A_40], %parallel_loop3A_236 {add = true} : memref<8x256xf32, #tpu.memory_space<vmem>>[vector<16xi32>, vector<16xi32>], vector<16xf32>,
        %parallel_loop3A_399 = arith.mulf %parallel_loop3A_236, %parallel_loop3A_398 : vector<16xf32>
        tpu.vector_store_idx %arg11[%parallel_loop3A_230, %add3A_40], %parallel_loop3A_399 {add = true} : memref<8x256xf32, #tpu.memory_space<vmem>>[vector<16xi32>, vector<16xi32>], vector<16xf32>,
        tpu.vector_store_idx %arg10[%parallel_loop3A_230, %add3A_43], %parallel_loop3A_243 {add = true} : memref<8x256xf32, #tpu.memory_space<vmem>>[vector<16xi32>, vector<16xi32>], vector<16xf32>,
        %parallel_loop3A_400 = arith.mulf %parallel_loop3A_243, %parallel_loop3A_398 : vector<16xf32>
        tpu.vector_store_idx %arg11[%parallel_loop3A_230, %add3A_43], %parallel_loop3A_400 {add = true} : memref<8x256xf32, #tpu.memory_space<vmem>>[vector<16xi32>, vector<16xi32>], vector<16xf32>,
        tpu.vector_store_idx %arg10[%parallel_loop3A_230, %add3A_46], %parallel_loop3A_250 {add = true} : memref<8x256xf32, #tpu.memory_space<vmem>>[vector<16xi32>, vector<16xi32>], vector<16xf32>,
        %parallel_loop3A_401 = arith.mulf %parallel_loop3A_250, %parallel_loop3A_398 : vector<16xf32>
        tpu.vector_store_idx %arg11[%parallel_loop3A_230, %add3A_46], %parallel_loop3A_401 {add = true} : memref<8x256xf32, #tpu.memory_space<vmem>>[vector<16xi32>, vector<16xi32>], vector<16xf32>,
        tpu.vector_store_idx %arg10[%parallel_loop3A_230, %add3A_49], %parallel_loop3A_257 {add = true} : memref<8x256xf32, #tpu.memory_space<vmem>>[vector<16xi32>, vector<16xi32>], vector<16xf32>,
        %parallel_loop3A_402 = arith.mulf %parallel_loop3A_257, %parallel_loop3A_398 : vector<16xf32>
        tpu.vector_store_idx %arg11[%parallel_loop3A_230, %add3A_49], %parallel_loop3A_402 {add = true} : memref<8x256xf32, #tpu.memory_space<vmem>>[vector<16xi32>, vector<16xi32>], vector<16xf32>,
        tpu.vector_store_idx %arg10[%parallel_loop3A_230, %add3A_52], %parallel_loop3A_264 {add = true} : memref<8x256xf32, #tpu.memory_space<vmem>>[vector<16xi32>, vector<16xi32>], vector<16xf32>,
        %parallel_loop3A_403 = arith.mulf %parallel_loop3A_264, %parallel_loop3A_398 : vector<16xf32>
        tpu.vector_store_idx %arg11[%parallel_loop3A_230, %add3A_52], %parallel_loop3A_403 {add = true} : memref<8x256xf32, #tpu.memory_space<vmem>>[vector<16xi32>, vector<16xi32>], vector<16xf32>,
        tpu.vector_store_idx %arg10[%parallel_loop3A_230, %add3A_55], %parallel_loop3A_271 {add = true} : memref<8x256xf32, #tpu.memory_space<vmem>>[vector<16xi32>, vector<16xi32>], vector<16xf32>,
        %parallel_loop3A_404 = arith.mulf %parallel_loop3A_271, %parallel_loop3A_398 : vector<16xf32>
        tpu.vector_store_idx %arg11[%parallel_loop3A_230, %add3A_55], %parallel_loop3A_404 {add = true} : memref<8x256xf32, #tpu.memory_space<vmem>>[vector<16xi32>, vector<16xi32>], vector<16xf32>,
        tpu.vector_store_idx %arg10[%parallel_loop3A_230, %add3A_58], %parallel_loop3A_278 {add = true} : memref<8x256xf32, #tpu.memory_space<vmem>>[vector<16xi32>, vector<16xi32>], vector<16xf32>,
        %parallel_loop3A_405 = arith.mulf %parallel_loop3A_278, %parallel_loop3A_398 : vector<16xf32>
        tpu.vector_store_idx %arg11[%parallel_loop3A_230, %add3A_58], %parallel_loop3A_405 {add = true} : memref<8x256xf32, #tpu.memory_space<vmem>>[vector<16xi32>, vector<16xi32>], vector<16xf32>,
        tpu.vector_store_idx %arg10[%parallel_loop3A_230, %add3A_61], %parallel_loop3A_285 {add = true} : memref<8x256xf32, #tpu.memory_space<vmem>>[vector<16xi32>, vector<16xi32>], vector<16xf32>,
        %parallel_loop3A_406 = arith.mulf %parallel_loop3A_285, %parallel_loop3A_398 : vector<16xf32>
        tpu.vector_store_idx %arg11[%parallel_loop3A_230, %add3A_61], %parallel_loop3A_406 {add = true} : memref<8x256xf32, #tpu.memory_space<vmem>>[vector<16xi32>, vector<16xi32>], vector<16xf32>,
        tpu.vector_store_idx %arg10[%parallel_loop3A_230, %add3A_64], %parallel_loop3A_292 {add = true} : memref<8x256xf32, #tpu.memory_space<vmem>>[vector<16xi32>, vector<16xi32>], vector<16xf32>,
        %parallel_loop3A_407 = arith.mulf %parallel_loop3A_292, %parallel_loop3A_398 : vector<16xf32>
        tpu.vector_store_idx %arg11[%parallel_loop3A_230, %add3A_64], %parallel_loop3A_407 {add = true} : memref<8x256xf32, #tpu.memory_space<vmem>>[vector<16xi32>, vector<16xi32>], vector<16xf32>,
        tpu.vector_store_idx %arg10[%parallel_loop3A_230, %add3A_67], %parallel_loop3A_299 {add = true} : memref<8x256xf32, #tpu.memory_space<vmem>>[vector<16xi32>, vector<16xi32>], vector<16xf32>,
        %parallel_loop3A_408 = arith.mulf %parallel_loop3A_299, %parallel_loop3A_398 : vector<16xf32>
        tpu.vector_store_idx %arg11[%parallel_loop3A_230, %add3A_67], %parallel_loop3A_408 {add = true} : memref<8x256xf32, #tpu.memory_space<vmem>>[vector<16xi32>, vector<16xi32>], vector<16xf32>,
        tpu.vector_store_idx %arg10[%parallel_loop3A_230, %add3A_70], %parallel_loop3A_306 {add = true} : memref<8x256xf32, #tpu.memory_space<vmem>>[vector<16xi32>, vector<16xi32>], vector<16xf32>,
        %parallel_loop3A_409 = arith.mulf %parallel_loop3A_306, %parallel_loop3A_398 : vector<16xf32>
        tpu.vector_store_idx %arg11[%parallel_loop3A_230, %add3A_70], %parallel_loop3A_409 {add = true} : memref<8x256xf32, #tpu.memory_space<vmem>>[vector<16xi32>, vector<16xi32>], vector<16xf32>,
        tpu.vector_store_idx %arg10[%parallel_loop3A_230, %add3A_73], %parallel_loop3A_313 {add = true} : memref<8x256xf32, #tpu.memory_space<vmem>>[vector<16xi32>, vector<16xi32>], vector<16xf32>,
        %parallel_loop3A_410 = arith.mulf %parallel_loop3A_313, %parallel_loop3A_398 : vector<16xf32>
        tpu.vector_store_idx %arg11[%parallel_loop3A_230, %add3A_73], %parallel_loop3A_410 {add = true} : memref<8x256xf32, #tpu.memory_space<vmem>>[vector<16xi32>, vector<16xi32>], vector<16xf32>,
        tpu.vector_store_idx %arg10[%parallel_loop3A_230, %add3A_76], %parallel_loop3A_320 {add = true} : memref<8x256xf32, #tpu.memory_space<vmem>>[vector<16xi32>, vector<16xi32>], vector<16xf32>,
        %parallel_loop3A_411 = arith.mulf %parallel_loop3A_320, %parallel_loop3A_398 : vector<16xf32>
        tpu.vector_store_idx %arg11[%parallel_loop3A_230, %add3A_76], %parallel_loop3A_411 {add = true} : memref<8x256xf32, #tpu.memory_space<vmem>>[vector<16xi32>, vector<16xi32>], vector<16xf32>,
        tpu.vector_store_idx %arg10[%parallel_loop3A_230, %add3A_79], %parallel_loop3A_327 {add = true} : memref<8x256xf32, #tpu.memory_space<vmem>>[vector<16xi32>, vector<16xi32>], vector<16xf32>,
        %parallel_loop3A_412 = arith.mulf %parallel_loop3A_327, %parallel_loop3A_398 : vector<16xf32>
        tpu.vector_store_idx %arg11[%parallel_loop3A_230, %add3A_79], %parallel_loop3A_412 {add = true} : memref<8x256xf32, #tpu.memory_space<vmem>>[vector<16xi32>, vector<16xi32>], vector<16xf32>,
        tpu.vector_store_idx %arg10[%parallel_loop3A_230, %add3A_82], %parallel_loop3A_334 {add = true} : memref<8x256xf32, #tpu.memory_space<vmem>>[vector<16xi32>, vector<16xi32>], vector<16xf32>,
        %parallel_loop3A_413 = arith.mulf %parallel_loop3A_334, %parallel_loop3A_398 : vector<16xf32>
        tpu.vector_store_idx %arg11[%parallel_loop3A_230, %add3A_82], %parallel_loop3A_413 {add = true} : memref<8x256xf32, #tpu.memory_space<vmem>>[vector<16xi32>, vector<16xi32>], vector<16xf32>,
        tpu.vector_store_idx %arg10[%parallel_loop3A_230, %add3A_85], %parallel_loop3A_341 {add = true} : memref<8x256xf32, #tpu.memory_space<vmem>>[vector<16xi32>, vector<16xi32>], vector<16xf32>,
        %parallel_loop3A_414 = arith.mulf %parallel_loop3A_341, %parallel_loop3A_398 : vector<16xf32>
        tpu.vector_store_idx %arg11[%parallel_loop3A_230, %add3A_85], %parallel_loop3A_414 {add = true} : memref<8x256xf32, #tpu.memory_space<vmem>>[vector<16xi32>, vector<16xi32>], vector<16xf32>,
        tpu.vector_store_idx %arg9[%parallel_loop3A_230, %iota3A], %broadcast_in_dim3A_37 {add = true} : memref<8x16xf32, #tpu.memory_space<vmem>>[vector<16xi32>, vector<16xi32>], vector<16xf32>,
      } {sc.loop_unroll_factor = 2 : i64, sc.parallel_access}
      %lt3A_189 = arith.constant 7 : i32
      %lt3A_190 = arith.cmpi slt, %scan3A_130, %lt3A_189 : i32
      %convert_element_type3A = arith.extui %lt3A_190 : i1 to i32
      %cond3A = arith.constant 0 : i32
      %cond3A_191 = arith.cmpi ne, %convert_element_type3A, %cond3A : i32
      scf.if %cond3A_191 {
        %add3A_224 = arith.constant 2 : i32
        %add3A_225 = arith.addi %mul3A_133, %add3A_224 : i32
        %mul3A_226 = arith.constant 2048 : i32
        %mul3A_227 = arith.muli %add3A_225, %mul3A_226 : i32
        %add3A_228 = arith.addi %mul3A_34, %mul3A_227 : i32
        %dma_start3A_229 = arith.constant 0 : i32
        %dma_start3A_230 = arith.constant 0 : i32
        %dma_start3A_231 = arith.constant 0 : i32
        %dma_start3A_232 = tpu.memref_slice %arg7[%dma_start3A_229, %dma_start3A_230, %dma_start3A_231] : memref<2x16x2048xf32, #tpu.memory_space<vmem>> -> memref<1x16x2048xf32, #tpu.memory_space<vmem>>
        %dma_start3A_233 = tpu.memref_squeeze %dma_start3A_232 : memref<1x16x2048xf32, #tpu.memory_space<vmem>> -> memref<16x2048xf32, #tpu.memory_space<vmem>>
        %dma_start3A_234 = tpu.memref_slice %arg2[%mul3A_32, %add3A_228] : memref<32x524288xf32, #tpu.memory_space<hbm>> -> memref<16x2048xf32, #tpu.memory_space<hbm>>
        %dma_start3A_235 = arith.constant 0 : i32
        %dma_start3A_236 = arith.constant 0 : i32
        %dma_start3A_237 = tpu.memref_slice %arg7[%dma_start3A_229, %dma_start3A_235, %dma_start3A_236] : memref<2x16x2048xf32, #tpu.memory_space<vmem>> -> memref<1x16x2048xf32, #tpu.memory_space<vmem>>
        %dma_start3A_238 = tpu.memref_squeeze %dma_start3A_237 : memref<1x16x2048xf32, #tpu.memory_space<vmem>> -> memref<16x2048xf32, #tpu.memory_space<vmem>>
        %dma_start3A_239 = tpu.memref_slice %arg2[%mul3A_32, %add3A_228] : memref<32x524288xf32, #tpu.memory_space<hbm>> -> memref<16x2048xf32, #tpu.memory_space<hbm>>
        tpu.enqueue_dma source(%dma_start3A_239 : memref<16x2048xf32, #tpu.memory_space<hbm>>) target(%dma_start3A_238 : memref<16x2048xf32, #tpu.memory_space<vmem>>) target_semaphore(%arg12 : memref<!tpu.dma_semaphore, #tpu.memory_space<semaphore_mem>>)
        %mul3A_240 = arith.constant 524288 : i32
        %mul3A_241 = arith.muli %select_n3A, %mul3A_240 : i32
        %add3A_242 = arith.addi %mul3A_241, %add3A_228 : i32
        %dma_start3A_243 = arith.constant 0 : i32
        %dma_start3A_244 = arith.constant 0 : i32
        %dma_start3A_245 = tpu.memref_slice %arg8[%dma_start3A_243, %dma_start3A_244] : memref<2x2048xi32, #tpu.memory_space<vmem>> -> memref<1x2048xi32, #tpu.memory_space<vmem>>
        %dma_start3A_246 = tpu.memref_squeeze %dma_start3A_245 : memref<1x2048xi32, #tpu.memory_space<vmem>> -> memref<2048xi32, #tpu.memory_space<vmem>>
        %dma_start3A_247 = tpu.memref_slice %arg3[%add3A_242] : memref<1048576xi32, #tpu.memory_space<hbm>> -> memref<2048xi32, #tpu.memory_space<hbm>>
        %dma_start3A_248 = arith.constant 0 : i32
        %dma_start3A_249 = tpu.memref_slice %arg8[%dma_start3A_243, %dma_start3A_248] : memref<2x2048xi32, #tpu.memory_space<vmem>> -> memref<1x2048xi32, #tpu.memory_space<vmem>>
        %dma_start3A_250 = tpu.memref_squeeze %dma_start3A_249 : memref<1x2048xi32, #tpu.memory_space<vmem>> -> memref<2048xi32, #tpu.memory_space<vmem>>
        %dma_start3A_251 = tpu.memref_slice %arg3[%add3A_242] : memref<1048576xi32, #tpu.memory_space<hbm>> -> memref<2048xi32, #tpu.memory_space<hbm>>
        tpu.enqueue_dma source(%dma_start3A_251 : memref<2048xi32, #tpu.memory_space<hbm>>) target(%dma_start3A_250 : memref<2048xi32, #tpu.memory_space<vmem>>) target_semaphore(%arg14 : memref<!tpu.dma_semaphore, #tpu.memory_space<semaphore_mem>>)
      } else {
      }
      %add3A_192 = arith.constant 1 : i32
      %add3A_193 = arith.addi %mul3A_133, %add3A_192 : i32
      %mul3A_194 = arith.constant 2048 : i32
      %mul3A_195 = arith.muli %add3A_193, %mul3A_194 : i32
      %add3A_196 = arith.addi %mul3A_34, %mul3A_195 : i32
      %dma_wait3A_197 = arith.constant 1 : i32
      %dma_wait3A_198 = arith.constant 0 : i32
      %dma_wait3A_199 = arith.constant 0 : i32
      %dma_wait3A_200 = tpu.memref_slice %arg7[%dma_wait3A_197, %dma_wait3A_198, %dma_wait3A_199] : memref<2x16x2048xf32, #tpu.memory_space<vmem>> -> memref<1x16x2048xf32, #tpu.memory_space<vmem>>
      %dma_wait3A_201 = tpu.memref_squeeze %dma_wait3A_200 : memref<1x16x2048xf32, #tpu.memory_space<vmem>> -> memref<16x2048xf32, #tpu.memory_space<vmem>>
      %dma_wait3A_202 = tpu.memref_slice %arg2[%mul3A_32, %add3A_196] : memref<32x524288xf32, #tpu.memory_space<hbm>> -> memref<16x2048xf32, #tpu.memory_space<hbm>>
      %dma_wait3A_203 = arith.constant 0 : i32
      %dma_wait3A_204 = arith.constant 0 : i32
      %dma_wait3A_205 = tpu.memref_slice %arg7[%dma_wait3A_197, %dma_wait3A_203, %dma_wait3A_204] : memref<2x16x2048xf32, #tpu.memory_space<vmem>> -> memref<1x16x2048xf32, #tpu.memory_space<vmem>>
      %dma_wait3A_206 = tpu.memref_squeeze %dma_wait3A_205 : memref<1x16x2048xf32, #tpu.memory_space<vmem>> -> memref<16x2048xf32, #tpu.memory_space<vmem>>
      %dma_wait3A_207 = tpu.memref_slice %arg2[%mul3A_32, %add3A_196] : memref<32x524288xf32, #tpu.memory_space<hbm>> -> memref<16x2048xf32, #tpu.memory_space<hbm>>
      tpu.wait_dma2 semaphore(%arg13 : memref<!tpu.dma_semaphore, #tpu.memory_space<semaphore_mem>>) src(%dma_wait3A_207 : memref<16x2048xf32, #tpu.memory_space<hbm>>) dst(%dma_wait3A_206 : memref<16x2048xf32, #tpu.memory_space<vmem>>)
      %mul3A_208 = arith.constant 524288 : i32
      %mul3A_209 = arith.muli %select_n3A, %mul3A_208 : i32
      %add3A_210 = arith.addi %mul3A_209, %add3A_196 : i32
      %dma_wait3A_211 = arith.constant 1 : i32
      %dma_wait3A_212 = arith.constant 0 : i32
      %dma_wait3A_213 = tpu.memref_slice %arg8[%dma_wait3A_211, %dma_wait3A_212] : memref<2x2048xi32, #tpu.memory_space<vmem>> -> memref<1x2048xi32, #tpu.memory_space<vmem>>
      %dma_wait3A_214 = tpu.memref_squeeze %dma_wait3A_213 : memref<1x2048xi32, #tpu.memory_space<vmem>> -> memref<2048xi32, #tpu.memory_space<vmem>>
      %dma_wait3A_215 = tpu.memref_slice %arg3[%add3A_210] : memref<1048576xi32, #tpu.memory_space<hbm>> -> memref<2048xi32, #tpu.memory_space<hbm>>
      %dma_wait3A_216 = arith.constant 0 : i32
      %dma_wait3A_217 = tpu.memref_slice %arg8[%dma_wait3A_211, %dma_wait3A_216] : memref<2x2048xi32, #tpu.memory_space<vmem>> -> memref<1x2048xi32, #tpu.memory_space<vmem>>
      %dma_wait3A_218 = tpu.memref_squeeze %dma_wait3A_217 : memref<1x2048xi32, #tpu.memory_space<vmem>> -> memref<2048xi32, #tpu.memory_space<vmem>>
      %dma_wait3A_219 = tpu.memref_slice %arg3[%add3A_210] : memref<1048576xi32, #tpu.memory_space<hbm>> -> memref<2048xi32, #tpu.memory_space<hbm>>
      tpu.wait_dma2 semaphore(%arg15 : memref<!tpu.dma_semaphore, #tpu.memory_space<semaphore_mem>>) src(%dma_wait3A_219 : memref<2048xi32, #tpu.memory_space<hbm>>) dst(%dma_wait3A_218 : memref<2048xi32, #tpu.memory_space<vmem>>)
      %parallel_loop3A_220 = arith.constant 0 : i32
      %parallel_loop3A_221 = arith.constant 128 : i32
      %parallel_loop3A_222 = arith.constant 1 : i32
      scf.for %parallel_loop3A_224 = %parallel_loop3A_220 to %parallel_loop3A_221 step %parallel_loop3A_222  : i32 {
        %parallel_loop3A_225 = arith.constant 16 : i32
        %parallel_loop3A_226 = arith.muli %parallel_loop3A_224, %parallel_loop3A_225 : i32
        %parallel_loop3A_227 = arith.constant 1 : i32
        %parallel_loop3A_228 = arith.index_cast %parallel_loop3A_227 : i32 to index
        %parallel_loop3A_229 = arith.index_cast %parallel_loop3A_226 : i32 to index
        %parallel_loop3A_230 = tpu.vector_load %arg8[%parallel_loop3A_228, %parallel_loop3A_229] {strides = array<i32>} : memref<2x2048xi32, #tpu.memory_space<vmem>>, vector<16xi32>,
        %parallel_loop3A_231 = arith.constant 1 : i32
        %parallel_loop3A_232 = arith.constant 0 : i32
        %parallel_loop3A_233 = arith.index_cast %parallel_loop3A_231 : i32 to index
        %parallel_loop3A_234 = arith.index_cast %parallel_loop3A_232 : i32 to index
        %parallel_loop3A_235 = arith.index_cast %parallel_loop3A_226 : i32 to index
        %parallel_loop3A_236 = tpu.vector_load %arg7[%parallel_loop3A_233, %parallel_loop3A_234, %parallel_loop3A_235] {strides = array<i32>} : memref<2x16x2048xf32, #tpu.memory_space<vmem>>, vector<16xf32>,
        %parallel_loop3A_237 = arith.mulf %parallel_loop3A_236, %parallel_loop3A_236 : vector<16xf32>
        %parallel_loop3A_238 = arith.constant 1 : i32
        %parallel_loop3A_239 = arith.constant 1 : i32
        %parallel_loop3A_240 = arith.index_cast %parallel_loop3A_238 : i32 to index
        %parallel_loop3A_241 = arith.index_cast %parallel_loop3A_239 : i32 to index
        %parallel_loop3A_242 = arith.index_cast %parallel_loop3A_226 : i32 to index
        %parallel_loop3A_243 = tpu.vector_load %arg7[%parallel_loop3A_240, %parallel_loop3A_241, %parallel_loop3A_242] {strides = array<i32>} : memref<2x16x2048xf32, #tpu.memory_space<vmem>>, vector<16xf32>,
        %parallel_loop3A_244 = arith.mulf %parallel_loop3A_243, %parallel_loop3A_243 : vector<16xf32>
        %parallel_loop3A_245 = arith.constant 1 : i32
        %parallel_loop3A_246 = arith.constant 2 : i32
        %parallel_loop3A_247 = arith.index_cast %parallel_loop3A_245 : i32 to index
        %parallel_loop3A_248 = arith.index_cast %parallel_loop3A_246 : i32 to index
        %parallel_loop3A_249 = arith.index_cast %parallel_loop3A_226 : i32 to index
        %parallel_loop3A_250 = tpu.vector_load %arg7[%parallel_loop3A_247, %parallel_loop3A_248, %parallel_loop3A_249] {strides = array<i32>} : memref<2x16x2048xf32, #tpu.memory_space<vmem>>, vector<16xf32>,
        %parallel_loop3A_251 = arith.mulf %parallel_loop3A_250, %parallel_loop3A_250 : vector<16xf32>
        %parallel_loop3A_252 = arith.constant 1 : i32
        %parallel_loop3A_253 = arith.constant 3 : i32
        %parallel_loop3A_254 = arith.index_cast %parallel_loop3A_252 : i32 to index
        %parallel_loop3A_255 = arith.index_cast %parallel_loop3A_253 : i32 to index
        %parallel_loop3A_256 = arith.index_cast %parallel_loop3A_226 : i32 to index
        %parallel_loop3A_257 = tpu.vector_load %arg7[%parallel_loop3A_254, %parallel_loop3A_255, %parallel_loop3A_256] {strides = array<i32>} : memref<2x16x2048xf32, #tpu.memory_space<vmem>>, vector<16xf32>,
        %parallel_loop3A_258 = arith.mulf %parallel_loop3A_257, %parallel_loop3A_257 : vector<16xf32>
        %parallel_loop3A_259 = arith.constant 1 : i32
        %parallel_loop3A_260 = arith.constant 4 : i32
        %parallel_loop3A_261 = arith.index_cast %parallel_loop3A_259 : i32 to index
        %parallel_loop3A_262 = arith.index_cast %parallel_loop3A_260 : i32 to index
        %parallel_loop3A_263 = arith.index_cast %parallel_loop3A_226 : i32 to index
        %parallel_loop3A_264 = tpu.vector_load %arg7[%parallel_loop3A_261, %parallel_loop3A_262, %parallel_loop3A_263] {strides = array<i32>} : memref<2x16x2048xf32, #tpu.memory_space<vmem>>, vector<16xf32>,
        %parallel_loop3A_265 = arith.mulf %parallel_loop3A_264, %parallel_loop3A_264 : vector<16xf32>
        %parallel_loop3A_266 = arith.constant 1 : i32
        %parallel_loop3A_267 = arith.constant 5 : i32
        %parallel_loop3A_268 = arith.index_cast %parallel_loop3A_266 : i32 to index
        %parallel_loop3A_269 = arith.index_cast %parallel_loop3A_267 : i32 to index
        %parallel_loop3A_270 = arith.index_cast %parallel_loop3A_226 : i32 to index
        %parallel_loop3A_271 = tpu.vector_load %arg7[%parallel_loop3A_268, %parallel_loop3A_269, %parallel_loop3A_270] {strides = array<i32>} : memref<2x16x2048xf32, #tpu.memory_space<vmem>>, vector<16xf32>,
        %parallel_loop3A_272 = arith.mulf %parallel_loop3A_271, %parallel_loop3A_271 : vector<16xf32>
        %parallel_loop3A_273 = arith.constant 1 : i32
        %parallel_loop3A_274 = arith.constant 6 : i32
        %parallel_loop3A_275 = arith.index_cast %parallel_loop3A_273 : i32 to index
        %parallel_loop3A_276 = arith.index_cast %parallel_loop3A_274 : i32 to index
        %parallel_loop3A_277 = arith.index_cast %parallel_loop3A_226 : i32 to index
        %parallel_loop3A_278 = tpu.vector_load %arg7[%parallel_loop3A_275, %parallel_loop3A_276, %parallel_loop3A_277] {strides = array<i32>} : memref<2x16x2048xf32, #tpu.memory_space<vmem>>, vector<16xf32>,
        %parallel_loop3A_279 = arith.mulf %parallel_loop3A_278, %parallel_loop3A_278 : vector<16xf32>
        %parallel_loop3A_280 = arith.constant 1 : i32
        %parallel_loop3A_281 = arith.constant 7 : i32
        %parallel_loop3A_282 = arith.index_cast %parallel_loop3A_280 : i32 to index
        %parallel_loop3A_283 = arith.index_cast %parallel_loop3A_281 : i32 to index
        %parallel_loop3A_284 = arith.index_cast %parallel_loop3A_226 : i32 to index
        %parallel_loop3A_285 = tpu.vector_load %arg7[%parallel_loop3A_282, %parallel_loop3A_283, %parallel_loop3A_284] {strides = array<i32>} : memref<2x16x2048xf32, #tpu.memory_space<vmem>>, vector<16xf32>,
        %parallel_loop3A_286 = arith.mulf %parallel_loop3A_285, %parallel_loop3A_285 : vector<16xf32>
        %parallel_loop3A_287 = arith.constant 1 : i32
        %parallel_loop3A_288 = arith.constant 8 : i32
        %parallel_loop3A_289 = arith.index_cast %parallel_loop3A_287 : i32 to index
        %parallel_loop3A_290 = arith.index_cast %parallel_loop3A_288 : i32 to index
        %parallel_loop3A_291 = arith.index_cast %parallel_loop3A_226 : i32 to index
        %parallel_loop3A_292 = tpu.vector_load %arg7[%parallel_loop3A_289, %parallel_loop3A_290, %parallel_loop3A_291] {strides = array<i32>} : memref<2x16x2048xf32, #tpu.memory_space<vmem>>, vector<16xf32>,
        %parallel_loop3A_293 = arith.mulf %parallel_loop3A_292, %parallel_loop3A_292 : vector<16xf32>
        %parallel_loop3A_294 = arith.constant 1 : i32
        %parallel_loop3A_295 = arith.constant 9 : i32
        %parallel_loop3A_296 = arith.index_cast %parallel_loop3A_294 : i32 to index
        %parallel_loop3A_297 = arith.index_cast %parallel_loop3A_295 : i32 to index
        %parallel_loop3A_298 = arith.index_cast %parallel_loop3A_226 : i32 to index
        %parallel_loop3A_299 = tpu.vector_load %arg7[%parallel_loop3A_296, %parallel_loop3A_297, %parallel_loop3A_298] {strides = array<i32>} : memref<2x16x2048xf32, #tpu.memory_space<vmem>>, vector<16xf32>,
        %parallel_loop3A_300 = arith.mulf %parallel_loop3A_299, %parallel_loop3A_299 : vector<16xf32>
        %parallel_loop3A_301 = arith.constant 1 : i32
        %parallel_loop3A_302 = arith.constant 10 : i32
        %parallel_loop3A_303 = arith.index_cast %parallel_loop3A_301 : i32 to index
        %parallel_loop3A_304 = arith.index_cast %parallel_loop3A_302 : i32 to index
        %parallel_loop3A_305 = arith.index_cast %parallel_loop3A_226 : i32 to index
        %parallel_loop3A_306 = tpu.vector_load %arg7[%parallel_loop3A_303, %parallel_loop3A_304, %parallel_loop3A_305] {strides = array<i32>} : memref<2x16x2048xf32, #tpu.memory_space<vmem>>, vector<16xf32>,
        %parallel_loop3A_307 = arith.mulf %parallel_loop3A_306, %parallel_loop3A_306 : vector<16xf32>
        %parallel_loop3A_308 = arith.constant 1 : i32
        %parallel_loop3A_309 = arith.constant 11 : i32
        %parallel_loop3A_310 = arith.index_cast %parallel_loop3A_308 : i32 to index
        %parallel_loop3A_311 = arith.index_cast %parallel_loop3A_309 : i32 to index
        %parallel_loop3A_312 = arith.index_cast %parallel_loop3A_226 : i32 to index
        %parallel_loop3A_313 = tpu.vector_load %arg7[%parallel_loop3A_310, %parallel_loop3A_311, %parallel_loop3A_312] {strides = array<i32>} : memref<2x16x2048xf32, #tpu.memory_space<vmem>>, vector<16xf32>,
        %parallel_loop3A_314 = arith.mulf %parallel_loop3A_313, %parallel_loop3A_313 : vector<16xf32>
        %parallel_loop3A_315 = arith.constant 1 : i32
        %parallel_loop3A_316 = arith.constant 12 : i32
        %parallel_loop3A_317 = arith.index_cast %parallel_loop3A_315 : i32 to index
        %parallel_loop3A_318 = arith.index_cast %parallel_loop3A_316 : i32 to index
        %parallel_loop3A_319 = arith.index_cast %parallel_loop3A_226 : i32 to index
        %parallel_loop3A_320 = tpu.vector_load %arg7[%parallel_loop3A_317, %parallel_loop3A_318, %parallel_loop3A_319] {strides = array<i32>} : memref<2x16x2048xf32, #tpu.memory_space<vmem>>, vector<16xf32>,
        %parallel_loop3A_321 = arith.mulf %parallel_loop3A_320, %parallel_loop3A_320 : vector<16xf32>
        %parallel_loop3A_322 = arith.constant 1 : i32
        %parallel_loop3A_323 = arith.constant 13 : i32
        %parallel_loop3A_324 = arith.index_cast %parallel_loop3A_322 : i32 to index
        %parallel_loop3A_325 = arith.index_cast %parallel_loop3A_323 : i32 to index
        %parallel_loop3A_326 = arith.index_cast %parallel_loop3A_226 : i32 to index
        %parallel_loop3A_327 = tpu.vector_load %arg7[%parallel_loop3A_324, %parallel_loop3A_325, %parallel_loop3A_326] {strides = array<i32>} : memref<2x16x2048xf32, #tpu.memory_space<vmem>>, vector<16xf32>,
        %parallel_loop3A_328 = arith.mulf %parallel_loop3A_327, %parallel_loop3A_327 : vector<16xf32>
        %parallel_loop3A_329 = arith.constant 1 : i32
        %parallel_loop3A_330 = arith.constant 14 : i32
        %parallel_loop3A_331 = arith.index_cast %parallel_loop3A_329 : i32 to index
        %parallel_loop3A_332 = arith.index_cast %parallel_loop3A_330 : i32 to index
        %parallel_loop3A_333 = arith.index_cast %parallel_loop3A_226 : i32 to index
        %parallel_loop3A_334 = tpu.vector_load %arg7[%parallel_loop3A_331, %parallel_loop3A_332, %parallel_loop3A_333] {strides = array<i32>} : memref<2x16x2048xf32, #tpu.memory_space<vmem>>, vector<16xf32>,
        %parallel_loop3A_335 = arith.mulf %parallel_loop3A_334, %parallel_loop3A_334 : vector<16xf32>
        %parallel_loop3A_336 = arith.constant 1 : i32
        %parallel_loop3A_337 = arith.constant 15 : i32
        %parallel_loop3A_338 = arith.index_cast %parallel_loop3A_336 : i32 to index
        %parallel_loop3A_339 = arith.index_cast %parallel_loop3A_337 : i32 to index
        %parallel_loop3A_340 = arith.index_cast %parallel_loop3A_226 : i32 to index
        %parallel_loop3A_341 = tpu.vector_load %arg7[%parallel_loop3A_338, %parallel_loop3A_339, %parallel_loop3A_340] {strides = array<i32>} : memref<2x16x2048xf32, #tpu.memory_space<vmem>>, vector<16xf32>,
        %parallel_loop3A_342 = arith.mulf %parallel_loop3A_341, %parallel_loop3A_341 : vector<16xf32>
        %parallel_loop3A_343 = arith.addf %parallel_loop3A_237, %parallel_loop3A_244 : vector<16xf32>
        %parallel_loop3A_344 = arith.addf %parallel_loop3A_251, %parallel_loop3A_258 : vector<16xf32>
        %parallel_loop3A_345 = arith.addf %parallel_loop3A_265, %parallel_loop3A_272 : vector<16xf32>
        %parallel_loop3A_346 = arith.addf %parallel_loop3A_279, %parallel_loop3A_286 : vector<16xf32>
        %parallel_loop3A_347 = arith.addf %parallel_loop3A_293, %parallel_loop3A_300 : vector<16xf32>
        %parallel_loop3A_348 = arith.addf %parallel_loop3A_307, %parallel_loop3A_314 : vector<16xf32>
        %parallel_loop3A_349 = arith.addf %parallel_loop3A_321, %parallel_loop3A_328 : vector<16xf32>
        %parallel_loop3A_350 = arith.addf %parallel_loop3A_335, %parallel_loop3A_342 : vector<16xf32>
        %parallel_loop3A_351 = arith.addf %parallel_loop3A_343, %parallel_loop3A_344 : vector<16xf32>
        %parallel_loop3A_352 = arith.addf %parallel_loop3A_345, %parallel_loop3A_346 : vector<16xf32>
        %parallel_loop3A_353 = arith.addf %parallel_loop3A_347, %parallel_loop3A_348 : vector<16xf32>
        %parallel_loop3A_354 = arith.addf %parallel_loop3A_349, %parallel_loop3A_350 : vector<16xf32>
        %parallel_loop3A_355 = arith.addf %parallel_loop3A_351, %parallel_loop3A_352 : vector<16xf32>
        %parallel_loop3A_356 = arith.addf %parallel_loop3A_353, %parallel_loop3A_354 : vector<16xf32>
        %parallel_loop3A_357 = arith.addf %parallel_loop3A_355, %parallel_loop3A_356 : vector<16xf32>
        %parallel_loop3A_358 = tpu.bitcast %parallel_loop3A_357 : vector<16xf32> -> vector<16xi32>
        %parallel_loop3A_359 = arith.constant 1 : i32
        %parallel_loop3A_360 = vector.broadcast %parallel_loop3A_359 : i32 to vector<16xi32>
        %parallel_loop3A_361 = arith.shrsi %parallel_loop3A_358, %parallel_loop3A_360 : vector<16xi32>
        %parallel_loop3A_362 = arith.constant 1597463007 : i32
        %parallel_loop3A_363 = vector.broadcast %parallel_loop3A_362 : i32 to vector<16xi32>
        %parallel_loop3A_364 = arith.subi %parallel_loop3A_363, %parallel_loop3A_361 : vector<16xi32>
        %parallel_loop3A_365 = tpu.bitcast %parallel_loop3A_364 : vector<16xi32> -> vector<16xf32>
        %parallel_loop3A_366 = arith.constant 5.000000e-01 : f32
        %parallel_loop3A_367 = vector.broadcast %parallel_loop3A_366 : f32 to vector<16xf32>
        %parallel_loop3A_368 = arith.mulf %parallel_loop3A_367, %parallel_loop3A_357 : vector<16xf32>
        %parallel_loop3A_369 = arith.mulf %parallel_loop3A_368, %parallel_loop3A_365 : vector<16xf32>
        %parallel_loop3A_370 = arith.mulf %parallel_loop3A_369, %parallel_loop3A_365 : vector<16xf32>
        %parallel_loop3A_371 = arith.constant 1.500000e+00 : f32
        %parallel_loop3A_372 = vector.broadcast %parallel_loop3A_371 : f32 to vector<16xf32>
        %parallel_loop3A_373 = arith.subf %parallel_loop3A_372, %parallel_loop3A_370 : vector<16xf32>
        %parallel_loop3A_374 = arith.mulf %parallel_loop3A_365, %parallel_loop3A_373 : vector<16xf32>
        %parallel_loop3A_375 = arith.constant 5.000000e-01 : f32
        %parallel_loop3A_376 = vector.broadcast %parallel_loop3A_375 : f32 to vector<16xf32>
        %parallel_loop3A_377 = arith.mulf %parallel_loop3A_376, %parallel_loop3A_357 : vector<16xf32>
        %parallel_loop3A_378 = arith.mulf %parallel_loop3A_377, %parallel_loop3A_374 : vector<16xf32>
        %parallel_loop3A_379 = arith.mulf %parallel_loop3A_378, %parallel_loop3A_374 : vector<16xf32>
        %parallel_loop3A_380 = arith.constant 1.500000e+00 : f32
        %parallel_loop3A_381 = vector.broadcast %parallel_loop3A_380 : f32 to vector<16xf32>
        %parallel_loop3A_382 = arith.subf %parallel_loop3A_381, %parallel_loop3A_379 : vector<16xf32>
        %parallel_loop3A_383 = arith.mulf %parallel_loop3A_374, %parallel_loop3A_382 : vector<16xf32>
        %parallel_loop3A_384 = arith.constant 5.000000e-01 : f32
        %parallel_loop3A_385 = vector.broadcast %parallel_loop3A_384 : f32 to vector<16xf32>
        %parallel_loop3A_386 = arith.mulf %parallel_loop3A_385, %parallel_loop3A_357 : vector<16xf32>
        %parallel_loop3A_387 = arith.mulf %parallel_loop3A_386, %parallel_loop3A_383 : vector<16xf32>
        %parallel_loop3A_388 = arith.mulf %parallel_loop3A_387, %parallel_loop3A_383 : vector<16xf32>
        %parallel_loop3A_389 = arith.constant 1.500000e+00 : f32
        %parallel_loop3A_390 = vector.broadcast %parallel_loop3A_389 : f32 to vector<16xf32>
        %parallel_loop3A_391 = arith.subf %parallel_loop3A_390, %parallel_loop3A_388 : vector<16xf32>
        %parallel_loop3A_392 = arith.mulf %parallel_loop3A_383, %parallel_loop3A_391 : vector<16xf32>
        %parallel_loop3A_393 = arith.constant 0.000000e+00 : f32
        %parallel_loop3A_394 = vector.broadcast %parallel_loop3A_393 : f32 to vector<16xf32>
        %parallel_loop3A_395 = arith.cmpf ogt, %parallel_loop3A_357, %parallel_loop3A_394 : vector<16xf32>
        %parallel_loop3A_396 = arith.constant 0.000000e+00 : f32
        %parallel_loop3A_397 = vector.broadcast %parallel_loop3A_396 : f32 to vector<16xf32>
        %parallel_loop3A_398 = arith.select %parallel_loop3A_395, %parallel_loop3A_392, %parallel_loop3A_397 : vector<16xi1>, vector<16xf32>
        tpu.vector_store_idx %arg10[%parallel_loop3A_230, %add3A_40], %parallel_loop3A_236 {add = true} : memref<8x256xf32, #tpu.memory_space<vmem>>[vector<16xi32>, vector<16xi32>], vector<16xf32>,
        %parallel_loop3A_399 = arith.mulf %parallel_loop3A_236, %parallel_loop3A_398 : vector<16xf32>
        tpu.vector_store_idx %arg11[%parallel_loop3A_230, %add3A_40], %parallel_loop3A_399 {add = true} : memref<8x256xf32, #tpu.memory_space<vmem>>[vector<16xi32>, vector<16xi32>], vector<16xf32>,
        tpu.vector_store_idx %arg10[%parallel_loop3A_230, %add3A_43], %parallel_loop3A_243 {add = true} : memref<8x256xf32, #tpu.memory_space<vmem>>[vector<16xi32>, vector<16xi32>], vector<16xf32>,
        %parallel_loop3A_400 = arith.mulf %parallel_loop3A_243, %parallel_loop3A_398 : vector<16xf32>
        tpu.vector_store_idx %arg11[%parallel_loop3A_230, %add3A_43], %parallel_loop3A_400 {add = true} : memref<8x256xf32, #tpu.memory_space<vmem>>[vector<16xi32>, vector<16xi32>], vector<16xf32>,
        tpu.vector_store_idx %arg10[%parallel_loop3A_230, %add3A_46], %parallel_loop3A_250 {add = true} : memref<8x256xf32, #tpu.memory_space<vmem>>[vector<16xi32>, vector<16xi32>], vector<16xf32>,
        %parallel_loop3A_401 = arith.mulf %parallel_loop3A_250, %parallel_loop3A_398 : vector<16xf32>
        tpu.vector_store_idx %arg11[%parallel_loop3A_230, %add3A_46], %parallel_loop3A_401 {add = true} : memref<8x256xf32, #tpu.memory_space<vmem>>[vector<16xi32>, vector<16xi32>], vector<16xf32>,
        tpu.vector_store_idx %arg10[%parallel_loop3A_230, %add3A_49], %parallel_loop3A_257 {add = true} : memref<8x256xf32, #tpu.memory_space<vmem>>[vector<16xi32>, vector<16xi32>], vector<16xf32>,
        %parallel_loop3A_402 = arith.mulf %parallel_loop3A_257, %parallel_loop3A_398 : vector<16xf32>
        tpu.vector_store_idx %arg11[%parallel_loop3A_230, %add3A_49], %parallel_loop3A_402 {add = true} : memref<8x256xf32, #tpu.memory_space<vmem>>[vector<16xi32>, vector<16xi32>], vector<16xf32>,
        tpu.vector_store_idx %arg10[%parallel_loop3A_230, %add3A_52], %parallel_loop3A_264 {add = true} : memref<8x256xf32, #tpu.memory_space<vmem>>[vector<16xi32>, vector<16xi32>], vector<16xf32>,
        %parallel_loop3A_403 = arith.mulf %parallel_loop3A_264, %parallel_loop3A_398 : vector<16xf32>
        tpu.vector_store_idx %arg11[%parallel_loop3A_230, %add3A_52], %parallel_loop3A_403 {add = true} : memref<8x256xf32, #tpu.memory_space<vmem>>[vector<16xi32>, vector<16xi32>], vector<16xf32>,
        tpu.vector_store_idx %arg10[%parallel_loop3A_230, %add3A_55], %parallel_loop3A_271 {add = true} : memref<8x256xf32, #tpu.memory_space<vmem>>[vector<16xi32>, vector<16xi32>], vector<16xf32>,
        %parallel_loop3A_404 = arith.mulf %parallel_loop3A_271, %parallel_loop3A_398 : vector<16xf32>
        tpu.vector_store_idx %arg11[%parallel_loop3A_230, %add3A_55], %parallel_loop3A_404 {add = true} : memref<8x256xf32, #tpu.memory_space<vmem>>[vector<16xi32>, vector<16xi32>], vector<16xf32>,
        tpu.vector_store_idx %arg10[%parallel_loop3A_230, %add3A_58], %parallel_loop3A_278 {add = true} : memref<8x256xf32, #tpu.memory_space<vmem>>[vector<16xi32>, vector<16xi32>], vector<16xf32>,
        %parallel_loop3A_405 = arith.mulf %parallel_loop3A_278, %parallel_loop3A_398 : vector<16xf32>
        tpu.vector_store_idx %arg11[%parallel_loop3A_230, %add3A_58], %parallel_loop3A_405 {add = true} : memref<8x256xf32, #tpu.memory_space<vmem>>[vector<16xi32>, vector<16xi32>], vector<16xf32>,
        tpu.vector_store_idx %arg10[%parallel_loop3A_230, %add3A_61], %parallel_loop3A_285 {add = true} : memref<8x256xf32, #tpu.memory_space<vmem>>[vector<16xi32>, vector<16xi32>], vector<16xf32>,
        %parallel_loop3A_406 = arith.mulf %parallel_loop3A_285, %parallel_loop3A_398 : vector<16xf32>
        tpu.vector_store_idx %arg11[%parallel_loop3A_230, %add3A_61], %parallel_loop3A_406 {add = true} : memref<8x256xf32, #tpu.memory_space<vmem>>[vector<16xi32>, vector<16xi32>], vector<16xf32>,
        tpu.vector_store_idx %arg10[%parallel_loop3A_230, %add3A_64], %parallel_loop3A_292 {add = true} : memref<8x256xf32, #tpu.memory_space<vmem>>[vector<16xi32>, vector<16xi32>], vector<16xf32>,
        %parallel_loop3A_407 = arith.mulf %parallel_loop3A_292, %parallel_loop3A_398 : vector<16xf32>
        tpu.vector_store_idx %arg11[%parallel_loop3A_230, %add3A_64], %parallel_loop3A_407 {add = true} : memref<8x256xf32, #tpu.memory_space<vmem>>[vector<16xi32>, vector<16xi32>], vector<16xf32>,
        tpu.vector_store_idx %arg10[%parallel_loop3A_230, %add3A_67], %parallel_loop3A_299 {add = true} : memref<8x256xf32, #tpu.memory_space<vmem>>[vector<16xi32>, vector<16xi32>], vector<16xf32>,
        %parallel_loop3A_408 = arith.mulf %parallel_loop3A_299, %parallel_loop3A_398 : vector<16xf32>
        tpu.vector_store_idx %arg11[%parallel_loop3A_230, %add3A_67], %parallel_loop3A_408 {add = true} : memref<8x256xf32, #tpu.memory_space<vmem>>[vector<16xi32>, vector<16xi32>], vector<16xf32>,
        tpu.vector_store_idx %arg10[%parallel_loop3A_230, %add3A_70], %parallel_loop3A_306 {add = true} : memref<8x256xf32, #tpu.memory_space<vmem>>[vector<16xi32>, vector<16xi32>], vector<16xf32>,
        %parallel_loop3A_409 = arith.mulf %parallel_loop3A_306, %parallel_loop3A_398 : vector<16xf32>
        tpu.vector_store_idx %arg11[%parallel_loop3A_230, %add3A_70], %parallel_loop3A_409 {add = true} : memref<8x256xf32, #tpu.memory_space<vmem>>[vector<16xi32>, vector<16xi32>], vector<16xf32>,
        tpu.vector_store_idx %arg10[%parallel_loop3A_230, %add3A_73], %parallel_loop3A_313 {add = true} : memref<8x256xf32, #tpu.memory_space<vmem>>[vector<16xi32>, vector<16xi32>], vector<16xf32>,
        %parallel_loop3A_410 = arith.mulf %parallel_loop3A_313, %parallel_loop3A_398 : vector<16xf32>
        tpu.vector_store_idx %arg11[%parallel_loop3A_230, %add3A_73], %parallel_loop3A_410 {add = true} : memref<8x256xf32, #tpu.memory_space<vmem>>[vector<16xi32>, vector<16xi32>], vector<16xf32>,
        tpu.vector_store_idx %arg10[%parallel_loop3A_230, %add3A_76], %parallel_loop3A_320 {add = true} : memref<8x256xf32, #tpu.memory_space<vmem>>[vector<16xi32>, vector<16xi32>], vector<16xf32>,
        %parallel_loop3A_411 = arith.mulf %parallel_loop3A_320, %parallel_loop3A_398 : vector<16xf32>
        tpu.vector_store_idx %arg11[%parallel_loop3A_230, %add3A_76], %parallel_loop3A_411 {add = true} : memref<8x256xf32, #tpu.memory_space<vmem>>[vector<16xi32>, vector<16xi32>], vector<16xf32>,
        tpu.vector_store_idx %arg10[%parallel_loop3A_230, %add3A_79], %parallel_loop3A_327 {add = true} : memref<8x256xf32, #tpu.memory_space<vmem>>[vector<16xi32>, vector<16xi32>], vector<16xf32>,
        %parallel_loop3A_412 = arith.mulf %parallel_loop3A_327, %parallel_loop3A_398 : vector<16xf32>
        tpu.vector_store_idx %arg11[%parallel_loop3A_230, %add3A_79], %parallel_loop3A_412 {add = true} : memref<8x256xf32, #tpu.memory_space<vmem>>[vector<16xi32>, vector<16xi32>], vector<16xf32>,
        tpu.vector_store_idx %arg10[%parallel_loop3A_230, %add3A_82], %parallel_loop3A_334 {add = true} : memref<8x256xf32, #tpu.memory_space<vmem>>[vector<16xi32>, vector<16xi32>], vector<16xf32>,
        %parallel_loop3A_413 = arith.mulf %parallel_loop3A_334, %parallel_loop3A_398 : vector<16xf32>
        tpu.vector_store_idx %arg11[%parallel_loop3A_230, %add3A_82], %parallel_loop3A_413 {add = true} : memref<8x256xf32, #tpu.memory_space<vmem>>[vector<16xi32>, vector<16xi32>], vector<16xf32>,
        tpu.vector_store_idx %arg10[%parallel_loop3A_230, %add3A_85], %parallel_loop3A_341 {add = true} : memref<8x256xf32, #tpu.memory_space<vmem>>[vector<16xi32>, vector<16xi32>], vector<16xf32>,
        %parallel_loop3A_414 = arith.mulf %parallel_loop3A_341, %parallel_loop3A_398 : vector<16xf32>
        tpu.vector_store_idx %arg11[%parallel_loop3A_230, %add3A_85], %parallel_loop3A_414 {add = true} : memref<8x256xf32, #tpu.memory_space<vmem>>[vector<16xi32>, vector<16xi32>], vector<16xf32>,
        tpu.vector_store_idx %arg9[%parallel_loop3A_230, %iota3A], %broadcast_in_dim3A_37 {add = true} : memref<8x16xf32, #tpu.memory_space<vmem>>[vector<16xi32>, vector<16xi32>], vector<16xf32>,
      } {sc.loop_unroll_factor = 2 : i64, sc.parallel_access}
      %scan3A_223 = arith.constant 0 : i32
      scf.yield %scan3A_223 : i32
    }
    %scan3A_129 = arith.constant 8 : i32
    "tpu.region"() ({
      %run_scoped3A = tpu.sem_alloc : memref<!tpu.dma_semaphore, #tpu.memory_space<semaphore_mem>>
      %dma_start3A_130 = arith.constant 0 : i32
      %dma_start3A_131 = arith.constant 0 : i32
      %dma_start3A_132 = tpu.memref_slice %arg4[%add3A, %dma_start3A_130, %dma_start3A_131] : memref<32x8x16xf32, #tpu.memory_space<hbm>> -> memref<1x8x16xf32, #tpu.memory_space<hbm>>
      %dma_start3A_133 = tpu.memref_squeeze %dma_start3A_132 : memref<1x8x16xf32, #tpu.memory_space<hbm>> -> memref<8x16xf32, #tpu.memory_space<hbm>>
      %dma_start3A_134 = arith.constant 0 : i32
      %dma_start3A_135 = arith.constant 0 : i32
      %dma_start3A_136 = tpu.memref_slice %arg4[%add3A, %dma_start3A_134, %dma_start3A_135] : memref<32x8x16xf32, #tpu.memory_space<hbm>> -> memref<1x8x16xf32, #tpu.memory_space<hbm>>
      %dma_start3A_137 = tpu.memref_squeeze %dma_start3A_136 : memref<1x8x16xf32, #tpu.memory_space<hbm>> -> memref<8x16xf32, #tpu.memory_space<hbm>>
      tpu.enqueue_dma source(%arg9 : memref<8x16xf32, #tpu.memory_space<vmem>>) target(%dma_start3A_137 : memref<8x16xf32, #tpu.memory_space<hbm>>) target_semaphore(%run_scoped3A : memref<!tpu.dma_semaphore, #tpu.memory_space<semaphore_mem>>)
      %dma_wait3A = arith.constant 0 : i32
      %dma_wait3A_138 = arith.constant 0 : i32
      %dma_wait3A_139 = tpu.memref_slice %arg4[%add3A, %dma_wait3A, %dma_wait3A_138] : memref<32x8x16xf32, #tpu.memory_space<hbm>> -> memref<1x8x16xf32, #tpu.memory_space<hbm>>
      %dma_wait3A_140 = tpu.memref_squeeze %dma_wait3A_139 : memref<1x8x16xf32, #tpu.memory_space<hbm>> -> memref<8x16xf32, #tpu.memory_space<hbm>>
      %dma_wait3A_141 = arith.constant 0 : i32
      %dma_wait3A_142 = arith.constant 0 : i32
      %dma_wait3A_143 = tpu.memref_slice %arg4[%add3A, %dma_wait3A_141, %dma_wait3A_142] : memref<32x8x16xf32, #tpu.memory_space<hbm>> -> memref<1x8x16xf32, #tpu.memory_space<hbm>>
      %dma_wait3A_144 = tpu.memref_squeeze %dma_wait3A_143 : memref<1x8x16xf32, #tpu.memory_space<hbm>> -> memref<8x16xf32, #tpu.memory_space<hbm>>
      tpu.wait_dma2 semaphore(%run_scoped3A : memref<!tpu.dma_semaphore, #tpu.memory_space<semaphore_mem>>) src(%arg9 : memref<8x16xf32, #tpu.memory_space<vmem>>) dst(%dma_wait3A_144 : memref<8x16xf32, #tpu.memory_space<hbm>>)
      tpu.yield
    }) : () -> ()
    "tpu.region"() ({
      %run_scoped3A = tpu.sem_alloc : memref<!tpu.dma_semaphore, #tpu.memory_space<semaphore_mem>>
      %dma_start3A_130 = arith.constant 0 : i32
      %dma_start3A_131 = arith.constant 0 : i32
      %dma_start3A_132 = tpu.memref_slice %arg5[%add3A, %dma_start3A_130, %dma_start3A_131] : memref<32x8x256xf32, #tpu.memory_space<hbm>> -> memref<1x8x256xf32, #tpu.memory_space<hbm>>
      %dma_start3A_133 = tpu.memref_squeeze %dma_start3A_132 : memref<1x8x256xf32, #tpu.memory_space<hbm>> -> memref<8x256xf32, #tpu.memory_space<hbm>>
      %dma_start3A_134 = arith.constant 0 : i32
      %dma_start3A_135 = arith.constant 0 : i32
      %dma_start3A_136 = tpu.memref_slice %arg5[%add3A, %dma_start3A_134, %dma_start3A_135] : memref<32x8x256xf32, #tpu.memory_space<hbm>> -> memref<1x8x256xf32, #tpu.memory_space<hbm>>
      %dma_start3A_137 = tpu.memref_squeeze %dma_start3A_136 : memref<1x8x256xf32, #tpu.memory_space<hbm>> -> memref<8x256xf32, #tpu.memory_space<hbm>>
      tpu.enqueue_dma source(%arg10 : memref<8x256xf32, #tpu.memory_space<vmem>>) target(%dma_start3A_137 : memref<8x256xf32, #tpu.memory_space<hbm>>) target_semaphore(%run_scoped3A : memref<!tpu.dma_semaphore, #tpu.memory_space<semaphore_mem>>)
      %dma_wait3A = arith.constant 0 : i32
      %dma_wait3A_138 = arith.constant 0 : i32
      %dma_wait3A_139 = tpu.memref_slice %arg5[%add3A, %dma_wait3A, %dma_wait3A_138] : memref<32x8x256xf32, #tpu.memory_space<hbm>> -> memref<1x8x256xf32, #tpu.memory_space<hbm>>
      %dma_wait3A_140 = tpu.memref_squeeze %dma_wait3A_139 : memref<1x8x256xf32, #tpu.memory_space<hbm>> -> memref<8x256xf32, #tpu.memory_space<hbm>>
      %dma_wait3A_141 = arith.constant 0 : i32
      %dma_wait3A_142 = arith.constant 0 : i32
      %dma_wait3A_143 = tpu.memref_slice %arg5[%add3A, %dma_wait3A_141, %dma_wait3A_142] : memref<32x8x256xf32, #tpu.memory_space<hbm>> -> memref<1x8x256xf32, #tpu.memory_space<hbm>>
      %dma_wait3A_144 = tpu.memref_squeeze %dma_wait3A_143 : memref<1x8x256xf32, #tpu.memory_space<hbm>> -> memref<8x256xf32, #tpu.memory_space<hbm>>
      tpu.wait_dma2 semaphore(%run_scoped3A : memref<!tpu.dma_semaphore, #tpu.memory_space<semaphore_mem>>) src(%arg10 : memref<8x256xf32, #tpu.memory_space<vmem>>) dst(%dma_wait3A_144 : memref<8x256xf32, #tpu.memory_space<hbm>>)
      tpu.yield
    }) : () -> ()
    "tpu.region"() ({
      %run_scoped3A = tpu.sem_alloc : memref<!tpu.dma_semaphore, #tpu.memory_space<semaphore_mem>>
      %dma_start3A_130 = arith.constant 0 : i32
      %dma_start3A_131 = arith.constant 0 : i32
      %dma_start3A_132 = tpu.memref_slice %arg6[%add3A, %dma_start3A_130, %dma_start3A_131] : memref<32x8x256xf32, #tpu.memory_space<hbm>> -> memref<1x8x256xf32, #tpu.memory_space<hbm>>
      %dma_start3A_133 = tpu.memref_squeeze %dma_start3A_132 : memref<1x8x256xf32, #tpu.memory_space<hbm>> -> memref<8x256xf32, #tpu.memory_space<hbm>>
      %dma_start3A_134 = arith.constant 0 : i32
      %dma_start3A_135 = arith.constant 0 : i32
      %dma_start3A_136 = tpu.memref_slice %arg6[%add3A, %dma_start3A_134, %dma_start3A_135] : memref<32x8x256xf32, #tpu.memory_space<hbm>> -> memref<1x8x256xf32, #tpu.memory_space<hbm>>
      %dma_start3A_137 = tpu.memref_squeeze %dma_start3A_136 : memref<1x8x256xf32, #tpu.memory_space<hbm>> -> memref<8x256xf32, #tpu.memory_space<hbm>>
      tpu.enqueue_dma source(%arg11 : memref<8x256xf32, #tpu.memory_space<vmem>>) target(%dma_start3A_137 : memref<8x256xf32, #tpu.memory_space<hbm>>) target_semaphore(%run_scoped3A : memref<!tpu.dma_semaphore, #tpu.memory_space<semaphore_mem>>)
      %dma_wait3A = arith.constant 0 : i32
      %dma_wait3A_138 = arith.constant 0 : i32
      %dma_wait3A_139 = tpu.memref_slice %arg6[%add3A, %dma_wait3A, %dma_wait3A_138] : memref<32x8x256xf32, #tpu.memory_space<hbm>> -> memref<1x8x256xf32, #tpu.memory_space<hbm>>
      %dma_wait3A_140 = tpu.memref_squeeze %dma_wait3A_139 : memref<1x8x256xf32, #tpu.memory_space<hbm>> -> memref<8x256xf32, #tpu.memory_space<hbm>>
      %dma_wait3A_141 = arith.constant 0 : i32
      %dma_wait3A_142 = arith.constant 0 : i32
      %dma_wait3A_143 = tpu.memref_slice %arg6[%add3A, %dma_wait3A_141, %dma_wait3A_142] : memref<32x8x256xf32, #tpu.memory_space<hbm>> -> memref<1x8x256xf32, #tpu.memory_space<hbm>>
      %dma_wait3A_144 = tpu.memref_squeeze %dma_wait3A_143 : memref<1x8x256xf32, #tpu.memory_space<hbm>> -> memref<8x256xf32, #tpu.memory_space<hbm>>
      tpu.wait_dma2 semaphore(%run_scoped3A : memref<!tpu.dma_semaphore, #tpu.memory_space<semaphore_mem>>) src(%arg11 : memref<8x256xf32, #tpu.memory_space<vmem>>) dst(%dma_wait3A_144 : memref<8x256xf32, #tpu.memory_space<hbm>>)
      tpu.yield
    }) : () -> ()
    return
  }
}

module attributes {stable_mosaic.version = 14 : i64} {
  func.func @_finalize_body(%arg0: memref<256x16xf32, #tpu.memory_space<vmem>>, %arg1: memref<256x256xf32, #tpu.memory_space<vmem>>, %arg2: memref<256x256xf32, #tpu.memory_space<vmem>>, %arg3: memref<1x1xf32, #tpu.memory_space<vmem>>) attributes {dimension_semantics = [], scalar_prefetch = 0 : i64, scratch_operands = 0 : i64, tpu.core_type = #tpu.core_type<tc>} {
    %iota3A = tpu.iota {dimensions = array<i32: 0>} : vector<8x256xi32>
    %iota3A_0 = tpu.iota {dimensions = array<i32: 1>} : vector<8x256xi32>
    %jit3A = arith.constant 8 : i32
    %eq3A = arith.constant 0 : i32
    %eq3A_1 = arith.cmpi eq, %jit3A, %eq3A : i32
    %jit3A_2 = arith.constant 1 : i32
    %select_n3A = arith.select %eq3A_1, %jit3A_2, %jit3A : i32
    %rem3A = vector.broadcast %select_n3A : i32 to vector<8x256xi32>
    %rem3A_3 = arith.remsi %iota3A_0, %rem3A : vector<8x256xi32>
    %ne3A = arith.constant 0 : i32
    %ne3A_4 = vector.broadcast %ne3A : i32 to vector<8x256xi32>
    %ne3A_5 = arith.cmpi ne, %rem3A_3, %ne3A_4 : vector<8x256xi32>
    %lt3A = arith.constant 0 : i32
    %lt3A_6 = vector.broadcast %lt3A : i32 to vector<8x256xi32>
    %lt3A_7 = arith.cmpi slt, %rem3A_3, %lt3A_6 : vector<8x256xi32>
    %lt3A_8 = arith.constant 0 : i32
    %lt3A_9 = arith.cmpi slt, %select_n3A, %lt3A_8 : i32
    %ne3A_10 = vector.broadcast %lt3A_9 : i1 to vector<8x256xi1>
    %ne3A_11 = vector.broadcast %ne3A_10 : vector<8x256xi1> to vector<8x256xi1>
    %ne3A_12 = arith.xori %lt3A_7, %ne3A_11 : vector<8x256xi1>
    %and3A = arith.andi %ne3A_12, %ne3A_5 : vector<8x256xi1>
    %add3A = vector.broadcast %select_n3A : i32 to vector<8x256xi32>
    %add3A_13 = arith.addi %rem3A_3, %add3A : vector<8x256xi32>
    %select_n3A_14 = arith.select %and3A, %add3A_13, %rem3A_3 : vector<8x256xi1>, vector<8x256xi32>
    %eq3A_15 = arith.cmpi eq, %select_n3A_14, %iota3A : vector<8x256xi32>
    %convert_element_type3A = arith.extui %eq3A_15 : vector<8x256xi1> to vector<8x256xi32>
    %convert_element_type3A_16 = arith.sitofp %convert_element_type3A : vector<8x256xi32> to vector<8x256xf32>
    %iota3A_17 = tpu.iota {dimensions = array<i32: 0>} : vector<256x16xi32>
    %iota3A_18 = tpu.iota {dimensions = array<i32: 1>} : vector<256x16xi32>
    %jit3A_19 = arith.constant 16 : i32
    %div3A = vector.broadcast %jit3A_19 : i32 to vector<256x16xi32>
    %div3A_20 = arith.divsi %iota3A_17, %div3A : vector<256x16xi32>
    %sign3A = arith.constant 0 : i32
    %sign3A_21 = vector.broadcast %sign3A : i32 to vector<256x16xi32>
    %sign3A_22 = arith.cmpi sgt, %iota3A_17, %sign3A_21 : vector<256x16xi32>
    %sign3A_23 = arith.extui %sign3A_22 : vector<256x16xi1> to vector<256x16xi32>
    %sign3A_24 = arith.constant 0 : i32
    %sign3A_25 = vector.broadcast %sign3A_24 : i32 to vector<256x16xi32>
    %sign3A_26 = arith.cmpi slt, %iota3A_17, %sign3A_25 : vector<256x16xi32>
    %sign3A_27 = arith.extui %sign3A_26 : vector<256x16xi1> to vector<256x16xi32>
    %sign3A_28 = arith.subi %sign3A_23, %sign3A_27 : vector<256x16xi32>
    %sign3A_29 = arith.constant 0 : i32
    %sign3A_30 = arith.cmpi sgt, %jit3A_19, %sign3A_29 : i32
    %sign3A_31 = arith.extui %sign3A_30 : i1 to i32
    %sign3A_32 = arith.constant 0 : i32
    %sign3A_33 = arith.cmpi slt, %jit3A_19, %sign3A_32 : i32
    %sign3A_34 = arith.extui %sign3A_33 : i1 to i32
    %sign3A_35 = arith.subi %sign3A_31, %sign3A_34 : i32
    %ne3A_36 = vector.broadcast %sign3A_35 : i32 to vector<256x16xi32>
    %ne3A_37 = arith.cmpi ne, %sign3A_28, %ne3A_36 : vector<256x16xi32>
    %rem3A_38 = vector.broadcast %jit3A_19 : i32 to vector<256x16xi32>
    %rem3A_39 = arith.remsi %iota3A_17, %rem3A_38 : vector<256x16xi32>
    %ne3A_40 = arith.constant 0 : i32
    %ne3A_41 = vector.broadcast %ne3A_40 : i32 to vector<256x16xi32>
    %ne3A_42 = arith.cmpi ne, %rem3A_39, %ne3A_41 : vector<256x16xi32>
    %and3A_43 = arith.andi %ne3A_37, %ne3A_42 : vector<256x16xi1>
    %sub3A = arith.constant 1 : i32
    %sub3A_44 = vector.broadcast %sub3A : i32 to vector<256x16xi32>
    %sub3A_45 = arith.subi %div3A_20, %sub3A_44 : vector<256x16xi32>
    %select_n3A_46 = arith.select %and3A_43, %sub3A_45, %div3A_20 : vector<256x16xi1>, vector<256x16xi32>
    %eq3A_47 = arith.cmpi eq, %select_n3A_46, %iota3A_18 : vector<256x16xi32>
    %convert_element_type3A_48 = arith.extui %eq3A_47 : vector<256x16xi1> to vector<256x16xi32>
    %convert_element_type3A_49 = arith.sitofp %convert_element_type3A_48 : vector<256x16xi32> to vector<256x16xf32>
    %get3A = arith.constant 0 : index
    %get3A_50 = arith.constant 0 : index
    %get3A_51 = vector.load %arg0[%get3A, %get3A_50] : memref<256x16xf32, #tpu.memory_space<vmem>>, vector<256x16xf32>
    %dot_general3A = arith.constant dense<0.000000e+00> : vector<8x16xf32>
    %dot_general3A_52 = tpu.matmul %convert_element_type3A_16, %get3A_51, %dot_general3A {dimension_numbers = #tpu.dot_dimension_numbers<[1], [0], [0], [1], [0, 0, 1, 1], [], []>, transpose_lhs_hint = false} : vector<8x256xf32>, vector<256x16xf32>, vector<8x16xf32> -> vector<8x16xf32>
    %reduce_sum3A = arith.constant dense<0.000000e+00> : vector<8xf32>
    %reduce_sum3A_53 = vector.multi_reduction <add>, %dot_general3A_52, %reduce_sum3A [1] : vector<8x16xf32> to vector<8xf32>
    %broadcast_in_dim3A = vector.shape_cast %reduce_sum3A_53 : vector<8xf32> to vector<8x1xf32>
    %get3A_54 = arith.constant 0 : index
    %get3A_55 = arith.constant 0 : index
    %get3A_56 = vector.load %arg1[%get3A_54, %get3A_55] : memref<256x256xf32, #tpu.memory_space<vmem>>, vector<256x256xf32>
    %dot_general3A_57 = arith.constant dense<0.000000e+00> : vector<8x256xf32>
    %dot_general3A_58 = tpu.matmul %convert_element_type3A_16, %get3A_56, %dot_general3A_57 {dimension_numbers = #tpu.dot_dimension_numbers<[1], [0], [0], [1], [0, 0, 1, 1], [], []>, transpose_lhs_hint = false} : vector<8x256xf32>, vector<256x256xf32>, vector<8x256xf32> -> vector<8x256xf32>
    %dot_general3A_59 = arith.constant dense<0.000000e+00> : vector<8x16xf32>
    %dot_general3A_60 = tpu.matmul %dot_general3A_58, %convert_element_type3A_49, %dot_general3A_59 {dimension_numbers = #tpu.dot_dimension_numbers<[1], [0], [0], [1], [0, 0, 1, 1], [], []>, transpose_lhs_hint = false} : vector<8x256xf32>, vector<256x16xf32>, vector<8x16xf32> -> vector<8x16xf32>
    %get3A_61 = arith.constant 0 : index
    %get3A_62 = arith.constant 0 : index
    %get3A_63 = vector.load %arg2[%get3A_61, %get3A_62] : memref<256x256xf32, #tpu.memory_space<vmem>>, vector<256x256xf32>
    %dot_general3A_64 = arith.constant dense<0.000000e+00> : vector<8x256xf32>
    %dot_general3A_65 = tpu.matmul %convert_element_type3A_16, %get3A_63, %dot_general3A_64 {dimension_numbers = #tpu.dot_dimension_numbers<[1], [0], [0], [1], [0, 0, 1, 1], [], []>, transpose_lhs_hint = false} : vector<8x256xf32>, vector<256x256xf32>, vector<8x256xf32> -> vector<8x256xf32>
    %dot_general3A_66 = arith.constant dense<0.000000e+00> : vector<8x16xf32>
    %dot_general3A_67 = tpu.matmul %dot_general3A_65, %convert_element_type3A_49, %dot_general3A_66 {dimension_numbers = #tpu.dot_dimension_numbers<[1], [0], [0], [1], [0, 0, 1, 1], [], []>, transpose_lhs_hint = false} : vector<8x256xf32>, vector<256x16xf32>, vector<8x16xf32> -> vector<8x16xf32>
    %max3A = arith.constant 1.000000e+00 : f32
    %max3A_68 = vector.broadcast %max3A : f32 to vector<8x1xf32>
    %max3A_69 = arith.maximumf %broadcast_in_dim3A, %max3A_68 : vector<8x1xf32>
    %div3A_70 = vector.broadcast %max3A_69 : vector<8x1xf32> to vector<8x16xf32>
    %div3A_71 = arith.divf %dot_general3A_60, %div3A_70 : vector<8x16xf32>
    %mul3A = arith.mulf %dot_general3A_60, %dot_general3A_60 : vector<8x16xf32>
    %reduce_sum3A_72 = arith.constant dense<0.000000e+00> : vector<8xf32>
    %reduce_sum3A_73 = vector.multi_reduction <add>, %mul3A, %reduce_sum3A_72 [1] : vector<8x16xf32> to vector<8xf32>
    %broadcast_in_dim3A_74 = vector.shape_cast %reduce_sum3A_73 : vector<8xf32> to vector<8x1xf32>
    %sqrt3A = math.sqrt %broadcast_in_dim3A_74 : vector<8x1xf32>
    %mul3A_75 = arith.mulf %dot_general3A_60, %dot_general3A_67 : vector<8x16xf32>
    %reduce_sum3A_76 = arith.constant dense<0.000000e+00> : vector<8xf32>
    %reduce_sum3A_77 = vector.multi_reduction <add>, %mul3A_75, %reduce_sum3A_76 [1] : vector<8x16xf32> to vector<8xf32>
    %broadcast_in_dim3A_78 = vector.shape_cast %reduce_sum3A_77 : vector<8xf32> to vector<8x1xf32>
    %max3A_79 = arith.constant 1.000000e-30 : f32
    %max3A_80 = vector.broadcast %max3A_79 : f32 to vector<8x1xf32>
    %max3A_81 = arith.maximumf %sqrt3A, %max3A_80 : vector<8x1xf32>
    %div3A_82 = arith.divf %broadcast_in_dim3A_78, %max3A_81 : vector<8x1xf32>
    %div3A_83 = arith.divf %div3A_82, %max3A_69 : vector<8x1xf32>
    %iota3A_84 = tpu.iota {dimensions = array<i32: 0>} : vector<8x1xi32>
    %gt3A = arith.constant 0 : i32
    %gt3A_85 = vector.broadcast %gt3A : i32 to vector<8x1xi32>
    %gt3A_86 = arith.cmpi sgt, %iota3A_84, %gt3A_85 : vector<8x1xi32>
    %convert_element_type3A_87 = arith.extui %gt3A_86 : vector<8x1xi1> to vector<8x1xi32>
    %convert_element_type3A_88 = arith.sitofp %convert_element_type3A_87 : vector<8x1xi32> to vector<8x1xf32>
    %mul3A_89 = arith.mulf %div3A_83, %convert_element_type3A_88 : vector<8x1xf32>
    %reduce_sum3A_90 = vector.shape_cast %mul3A_89 : vector<8x1xf32> to vector<1x8x1xf32>
    %reduce_sum3A_91 = arith.constant dense<0.000000e+00> : vector<1xf32>
    %reduce_sum3A_92 = vector.multi_reduction <add>, %reduce_sum3A_90, %reduce_sum3A_91 [1, 2] : vector<1x8x1xf32> to vector<1xf32>
    %reduce_sum3A_93 = vector.shape_cast %reduce_sum3A_92 : vector<1xf32> to vector<1x1x1xf32>
    %reduce_sum3A_94 = vector.extract %reduce_sum3A_93[0, 0, 0] : f32 from vector<1x1x1xf32>
    %broadcast_in_dim3A_95 = vector.broadcast %reduce_sum3A_94 : f32 to vector<1x1xf32>
    %div3A_96 = arith.constant 7.000000e+00 : f32
    %div3A_97 = vector.broadcast %div3A_96 : f32 to vector<1x1xf32>
    %div3A_98 = arith.divf %broadcast_in_dim3A_95, %div3A_97 : vector<1x1xf32>
    %mul3A_99 = arith.mulf %div3A_71, %div3A_71 : vector<8x16xf32>
    %reduce_sum3A_100 = arith.constant dense<0.000000e+00> : vector<8xf32>
    %reduce_sum3A_101 = vector.multi_reduction <add>, %mul3A_99, %reduce_sum3A_100 [1] : vector<8x16xf32> to vector<8xf32>
    %broadcast_in_dim3A_102 = vector.shape_cast %reduce_sum3A_101 : vector<8xf32> to vector<8x1xf32>
    %sqrt3A_103 = math.sqrt %broadcast_in_dim3A_102 : vector<8x1xf32>
    %max3A_104 = arith.constant 9.99999993E-9 : f32
    %max3A_105 = vector.broadcast %max3A_104 : f32 to vector<8x1xf32>
    %max3A_106 = arith.maximumf %sqrt3A_103, %max3A_105 : vector<8x1xf32>
    %div3A_107 = vector.broadcast %max3A_106 : vector<8x1xf32> to vector<8x16xf32>
    %div3A_108 = arith.divf %div3A_71, %div3A_107 : vector<8x16xf32>
    %broadcast_in_dim3A_109 = arith.constant 0.000000e+00 : f32
    %broadcast_in_dim3A_110 = vector.broadcast %broadcast_in_dim3A_109 : f32 to vector<1x1xf32>
    %slice3A = vector.extract_strided_slice %div3A_108 {offsets = [1, 0], sizes = [1, 16], strides = [1, 1]} : vector<8x16xf32> to vector<1x16xf32>
    %mul3A_111 = vector.broadcast %slice3A : vector<1x16xf32> to vector<8x16xf32>
    %mul3A_112 = arith.mulf %div3A_108, %mul3A_111 : vector<8x16xf32>
    %reduce_sum3A_113 = arith.constant dense<0.000000e+00> : vector<8xf32>
    %reduce_sum3A_114 = vector.multi_reduction <add>, %mul3A_112, %reduce_sum3A_113 [1] : vector<8x16xf32> to vector<8xf32>
    %broadcast_in_dim3A_115 = vector.shape_cast %reduce_sum3A_114 : vector<8xf32> to vector<8x1xf32>
    %gt3A_116 = arith.constant 1 : i32
    %gt3A_117 = vector.broadcast %gt3A_116 : i32 to vector<8x1xi32>
    %gt3A_118 = arith.cmpi sgt, %iota3A_84, %gt3A_117 : vector<8x1xi32>
    %convert_element_type3A_119 = arith.extui %gt3A_118 : vector<8x1xi1> to vector<8x1xi32>
    %convert_element_type3A_120 = arith.sitofp %convert_element_type3A_119 : vector<8x1xi32> to vector<8x1xf32>
    %jit3A_121 = arith.constant 0.000000e+00 : f32
    %jit3A_122 = arith.constant 1.000000e+00 : f32
    %max3A_123 = vector.broadcast %jit3A_121 : f32 to vector<8x1xf32>
    %max3A_124 = arith.maximumf %max3A_123, %broadcast_in_dim3A_115 : vector<8x1xf32>
    %min3A = vector.broadcast %jit3A_122 : f32 to vector<8x1xf32>
    %min3A_125 = arith.minimumf %min3A, %max3A_124 : vector<8x1xf32>
    %mul3A_126 = arith.mulf %min3A_125, %convert_element_type3A_120 : vector<8x1xf32>
    %reduce_sum3A_127 = vector.shape_cast %mul3A_126 : vector<8x1xf32> to vector<1x8x1xf32>
    %reduce_sum3A_128 = arith.constant dense<0.000000e+00> : vector<1xf32>
    %reduce_sum3A_129 = vector.multi_reduction <add>, %reduce_sum3A_127, %reduce_sum3A_128 [1, 2] : vector<1x8x1xf32> to vector<1xf32>
    %reduce_sum3A_130 = vector.shape_cast %reduce_sum3A_129 : vector<1xf32> to vector<1x1x1xf32>
    %reduce_sum3A_131 = vector.extract %reduce_sum3A_130[0, 0, 0] : f32 from vector<1x1x1xf32>
    %broadcast_in_dim3A_132 = vector.broadcast %reduce_sum3A_131 : f32 to vector<1x1xf32>
    %add3A_133 = arith.addf %broadcast_in_dim3A_110, %broadcast_in_dim3A_132 : vector<1x1xf32>
    %slice3A_134 = vector.extract_strided_slice %div3A_108 {offsets = [2, 0], sizes = [1, 16], strides = [1, 1]} : vector<8x16xf32> to vector<1x16xf32>
    %mul3A_135 = vector.broadcast %slice3A_134 : vector<1x16xf32> to vector<8x16xf32>
    %mul3A_136 = arith.mulf %div3A_108, %mul3A_135 : vector<8x16xf32>
    %reduce_sum3A_137 = arith.constant dense<0.000000e+00> : vector<8xf32>
    %reduce_sum3A_138 = vector.multi_reduction <add>, %mul3A_136, %reduce_sum3A_137 [1] : vector<8x16xf32> to vector<8xf32>
    %broadcast_in_dim3A_139 = vector.shape_cast %reduce_sum3A_138 : vector<8xf32> to vector<8x1xf32>
    %gt3A_140 = arith.constant 2 : i32
    %gt3A_141 = vector.broadcast %gt3A_140 : i32 to vector<8x1xi32>
    %gt3A_142 = arith.cmpi sgt, %iota3A_84, %gt3A_141 : vector<8x1xi32>
    %convert_element_type3A_143 = arith.extui %gt3A_142 : vector<8x1xi1> to vector<8x1xi32>
    %convert_element_type3A_144 = arith.sitofp %convert_element_type3A_143 : vector<8x1xi32> to vector<8x1xf32>
    %jit3A_145 = arith.constant 0.000000e+00 : f32
    %jit3A_146 = arith.constant 1.000000e+00 : f32
    %max3A_147 = vector.broadcast %jit3A_145 : f32 to vector<8x1xf32>
    %max3A_148 = arith.maximumf %max3A_147, %broadcast_in_dim3A_139 : vector<8x1xf32>
    %min3A_149 = vector.broadcast %jit3A_146 : f32 to vector<8x1xf32>
    %min3A_150 = arith.minimumf %min3A_149, %max3A_148 : vector<8x1xf32>
    %mul3A_151 = arith.mulf %min3A_150, %convert_element_type3A_144 : vector<8x1xf32>
    %reduce_sum3A_152 = vector.shape_cast %mul3A_151 : vector<8x1xf32> to vector<1x8x1xf32>
    %reduce_sum3A_153 = arith.constant dense<0.000000e+00> : vector<1xf32>
    %reduce_sum3A_154 = vector.multi_reduction <add>, %reduce_sum3A_152, %reduce_sum3A_153 [1, 2] : vector<1x8x1xf32> to vector<1xf32>
    %reduce_sum3A_155 = vector.shape_cast %reduce_sum3A_154 : vector<1xf32> to vector<1x1x1xf32>
    %reduce_sum3A_156 = vector.extract %reduce_sum3A_155[0, 0, 0] : f32 from vector<1x1x1xf32>
    %broadcast_in_dim3A_157 = vector.broadcast %reduce_sum3A_156 : f32 to vector<1x1xf32>
    %add3A_158 = arith.addf %add3A_133, %broadcast_in_dim3A_157 : vector<1x1xf32>
    %slice3A_159 = vector.extract_strided_slice %div3A_108 {offsets = [3, 0], sizes = [1, 16], strides = [1, 1]} : vector<8x16xf32> to vector<1x16xf32>
    %mul3A_160 = vector.broadcast %slice3A_159 : vector<1x16xf32> to vector<8x16xf32>
    %mul3A_161 = arith.mulf %div3A_108, %mul3A_160 : vector<8x16xf32>
    %reduce_sum3A_162 = arith.constant dense<0.000000e+00> : vector<8xf32>
    %reduce_sum3A_163 = vector.multi_reduction <add>, %mul3A_161, %reduce_sum3A_162 [1] : vector<8x16xf32> to vector<8xf32>
    %broadcast_in_dim3A_164 = vector.shape_cast %reduce_sum3A_163 : vector<8xf32> to vector<8x1xf32>
    %gt3A_165 = arith.constant 3 : i32
    %gt3A_166 = vector.broadcast %gt3A_165 : i32 to vector<8x1xi32>
    %gt3A_167 = arith.cmpi sgt, %iota3A_84, %gt3A_166 : vector<8x1xi32>
    %convert_element_type3A_168 = arith.extui %gt3A_167 : vector<8x1xi1> to vector<8x1xi32>
    %convert_element_type3A_169 = arith.sitofp %convert_element_type3A_168 : vector<8x1xi32> to vector<8x1xf32>
    %jit3A_170 = arith.constant 0.000000e+00 : f32
    %jit3A_171 = arith.constant 1.000000e+00 : f32
    %max3A_172 = vector.broadcast %jit3A_170 : f32 to vector<8x1xf32>
    %max3A_173 = arith.maximumf %max3A_172, %broadcast_in_dim3A_164 : vector<8x1xf32>
    %min3A_174 = vector.broadcast %jit3A_171 : f32 to vector<8x1xf32>
    %min3A_175 = arith.minimumf %min3A_174, %max3A_173 : vector<8x1xf32>
    %mul3A_176 = arith.mulf %min3A_175, %convert_element_type3A_169 : vector<8x1xf32>
    %reduce_sum3A_177 = vector.shape_cast %mul3A_176 : vector<8x1xf32> to vector<1x8x1xf32>
    %reduce_sum3A_178 = arith.constant dense<0.000000e+00> : vector<1xf32>
    %reduce_sum3A_179 = vector.multi_reduction <add>, %reduce_sum3A_177, %reduce_sum3A_178 [1, 2] : vector<1x8x1xf32> to vector<1xf32>
    %reduce_sum3A_180 = vector.shape_cast %reduce_sum3A_179 : vector<1xf32> to vector<1x1x1xf32>
    %reduce_sum3A_181 = vector.extract %reduce_sum3A_180[0, 0, 0] : f32 from vector<1x1x1xf32>
    %broadcast_in_dim3A_182 = vector.broadcast %reduce_sum3A_181 : f32 to vector<1x1xf32>
    %add3A_183 = arith.addf %add3A_158, %broadcast_in_dim3A_182 : vector<1x1xf32>
    %slice3A_184 = vector.extract_strided_slice %div3A_108 {offsets = [4, 0], sizes = [1, 16], strides = [1, 1]} : vector<8x16xf32> to vector<1x16xf32>
    %mul3A_185 = vector.broadcast %slice3A_184 : vector<1x16xf32> to vector<8x16xf32>
    %mul3A_186 = arith.mulf %div3A_108, %mul3A_185 : vector<8x16xf32>
    %reduce_sum3A_187 = arith.constant dense<0.000000e+00> : vector<8xf32>
    %reduce_sum3A_188 = vector.multi_reduction <add>, %mul3A_186, %reduce_sum3A_187 [1] : vector<8x16xf32> to vector<8xf32>
    %broadcast_in_dim3A_189 = vector.shape_cast %reduce_sum3A_188 : vector<8xf32> to vector<8x1xf32>
    %gt3A_190 = arith.constant 4 : i32
    %gt3A_191 = vector.broadcast %gt3A_190 : i32 to vector<8x1xi32>
    %gt3A_192 = arith.cmpi sgt, %iota3A_84, %gt3A_191 : vector<8x1xi32>
    %convert_element_type3A_193 = arith.extui %gt3A_192 : vector<8x1xi1> to vector<8x1xi32>
    %convert_element_type3A_194 = arith.sitofp %convert_element_type3A_193 : vector<8x1xi32> to vector<8x1xf32>
    %jit3A_195 = arith.constant 0.000000e+00 : f32
    %jit3A_196 = arith.constant 1.000000e+00 : f32
    %max3A_197 = vector.broadcast %jit3A_195 : f32 to vector<8x1xf32>
    %max3A_198 = arith.maximumf %max3A_197, %broadcast_in_dim3A_189 : vector<8x1xf32>
    %min3A_199 = vector.broadcast %jit3A_196 : f32 to vector<8x1xf32>
    %min3A_200 = arith.minimumf %min3A_199, %max3A_198 : vector<8x1xf32>
    %mul3A_201 = arith.mulf %min3A_200, %convert_element_type3A_194 : vector<8x1xf32>
    %reduce_sum3A_202 = vector.shape_cast %mul3A_201 : vector<8x1xf32> to vector<1x8x1xf32>
    %reduce_sum3A_203 = arith.constant dense<0.000000e+00> : vector<1xf32>
    %reduce_sum3A_204 = vector.multi_reduction <add>, %reduce_sum3A_202, %reduce_sum3A_203 [1, 2] : vector<1x8x1xf32> to vector<1xf32>
    %reduce_sum3A_205 = vector.shape_cast %reduce_sum3A_204 : vector<1xf32> to vector<1x1x1xf32>
    %reduce_sum3A_206 = vector.extract %reduce_sum3A_205[0, 0, 0] : f32 from vector<1x1x1xf32>
    %broadcast_in_dim3A_207 = vector.broadcast %reduce_sum3A_206 : f32 to vector<1x1xf32>
    %add3A_208 = arith.addf %add3A_183, %broadcast_in_dim3A_207 : vector<1x1xf32>
    %slice3A_209 = vector.extract_strided_slice %div3A_108 {offsets = [5, 0], sizes = [1, 16], strides = [1, 1]} : vector<8x16xf32> to vector<1x16xf32>
    %mul3A_210 = vector.broadcast %slice3A_209 : vector<1x16xf32> to vector<8x16xf32>
    %mul3A_211 = arith.mulf %div3A_108, %mul3A_210 : vector<8x16xf32>
    %reduce_sum3A_212 = arith.constant dense<0.000000e+00> : vector<8xf32>
    %reduce_sum3A_213 = vector.multi_reduction <add>, %mul3A_211, %reduce_sum3A_212 [1] : vector<8x16xf32> to vector<8xf32>
    %broadcast_in_dim3A_214 = vector.shape_cast %reduce_sum3A_213 : vector<8xf32> to vector<8x1xf32>
    %gt3A_215 = arith.constant 5 : i32
    %gt3A_216 = vector.broadcast %gt3A_215 : i32 to vector<8x1xi32>
    %gt3A_217 = arith.cmpi sgt, %iota3A_84, %gt3A_216 : vector<8x1xi32>
    %convert_element_type3A_218 = arith.extui %gt3A_217 : vector<8x1xi1> to vector<8x1xi32>
    %convert_element_type3A_219 = arith.sitofp %convert_element_type3A_218 : vector<8x1xi32> to vector<8x1xf32>
    %jit3A_220 = arith.constant 0.000000e+00 : f32
    %jit3A_221 = arith.constant 1.000000e+00 : f32
    %max3A_222 = vector.broadcast %jit3A_220 : f32 to vector<8x1xf32>
    %max3A_223 = arith.maximumf %max3A_222, %broadcast_in_dim3A_214 : vector<8x1xf32>
    %min3A_224 = vector.broadcast %jit3A_221 : f32 to vector<8x1xf32>
    %min3A_225 = arith.minimumf %min3A_224, %max3A_223 : vector<8x1xf32>
    %mul3A_226 = arith.mulf %min3A_225, %convert_element_type3A_219 : vector<8x1xf32>
    %reduce_sum3A_227 = vector.shape_cast %mul3A_226 : vector<8x1xf32> to vector<1x8x1xf32>
    %reduce_sum3A_228 = arith.constant dense<0.000000e+00> : vector<1xf32>
    %reduce_sum3A_229 = vector.multi_reduction <add>, %reduce_sum3A_227, %reduce_sum3A_228 [1, 2] : vector<1x8x1xf32> to vector<1xf32>
    %reduce_sum3A_230 = vector.shape_cast %reduce_sum3A_229 : vector<1xf32> to vector<1x1x1xf32>
    %reduce_sum3A_231 = vector.extract %reduce_sum3A_230[0, 0, 0] : f32 from vector<1x1x1xf32>
    %broadcast_in_dim3A_232 = vector.broadcast %reduce_sum3A_231 : f32 to vector<1x1xf32>
    %add3A_233 = arith.addf %add3A_208, %broadcast_in_dim3A_232 : vector<1x1xf32>
    %slice3A_234 = vector.extract_strided_slice %div3A_108 {offsets = [6, 0], sizes = [1, 16], strides = [1, 1]} : vector<8x16xf32> to vector<1x16xf32>
    %mul3A_235 = vector.broadcast %slice3A_234 : vector<1x16xf32> to vector<8x16xf32>
    %mul3A_236 = arith.mulf %div3A_108, %mul3A_235 : vector<8x16xf32>
    %reduce_sum3A_237 = arith.constant dense<0.000000e+00> : vector<8xf32>
    %reduce_sum3A_238 = vector.multi_reduction <add>, %mul3A_236, %reduce_sum3A_237 [1] : vector<8x16xf32> to vector<8xf32>
    %broadcast_in_dim3A_239 = vector.shape_cast %reduce_sum3A_238 : vector<8xf32> to vector<8x1xf32>
    %gt3A_240 = arith.constant 6 : i32
    %gt3A_241 = vector.broadcast %gt3A_240 : i32 to vector<8x1xi32>
    %gt3A_242 = arith.cmpi sgt, %iota3A_84, %gt3A_241 : vector<8x1xi32>
    %convert_element_type3A_243 = arith.extui %gt3A_242 : vector<8x1xi1> to vector<8x1xi32>
    %convert_element_type3A_244 = arith.sitofp %convert_element_type3A_243 : vector<8x1xi32> to vector<8x1xf32>
    %jit3A_245 = arith.constant 0.000000e+00 : f32
    %jit3A_246 = arith.constant 1.000000e+00 : f32
    %max3A_247 = vector.broadcast %jit3A_245 : f32 to vector<8x1xf32>
    %max3A_248 = arith.maximumf %max3A_247, %broadcast_in_dim3A_239 : vector<8x1xf32>
    %min3A_249 = vector.broadcast %jit3A_246 : f32 to vector<8x1xf32>
    %min3A_250 = arith.minimumf %min3A_249, %max3A_248 : vector<8x1xf32>
    %mul3A_251 = arith.mulf %min3A_250, %convert_element_type3A_244 : vector<8x1xf32>
    %reduce_sum3A_252 = vector.shape_cast %mul3A_251 : vector<8x1xf32> to vector<1x8x1xf32>
    %reduce_sum3A_253 = arith.constant dense<0.000000e+00> : vector<1xf32>
    %reduce_sum3A_254 = vector.multi_reduction <add>, %reduce_sum3A_252, %reduce_sum3A_253 [1, 2] : vector<1x8x1xf32> to vector<1xf32>
    %reduce_sum3A_255 = vector.shape_cast %reduce_sum3A_254 : vector<1xf32> to vector<1x1x1xf32>
    %reduce_sum3A_256 = vector.extract %reduce_sum3A_255[0, 0, 0] : f32 from vector<1x1x1xf32>
    %broadcast_in_dim3A_257 = vector.broadcast %reduce_sum3A_256 : f32 to vector<1x1xf32>
    %add3A_258 = arith.addf %add3A_233, %broadcast_in_dim3A_257 : vector<1x1xf32>
    %div3A_259 = arith.constant 2.100000e+01 : f32
    %div3A_260 = vector.broadcast %div3A_259 : f32 to vector<1x1xf32>
    %div3A_261 = arith.divf %add3A_258, %div3A_260 : vector<1x1xf32>
    %sub3A_262 = arith.subf %div3A_261, %div3A_98 : vector<1x1xf32>
    %swap3A = arith.constant 0 : index
    %swap3A_263 = arith.constant 0 : index
    %swap3A_264 = vector.load %arg3[%swap3A, %swap3A_263] : memref<1x1xf32, #tpu.memory_space<vmem>>, vector<1x1xf32>
    tpu.vector_store %arg3[%swap3A, %swap3A_263], %sub3A_262 {strides = array<i32>} : memref<1x1xf32, #tpu.memory_space<vmem>>, vector<1x1xf32>,
    return
  }
}

</mosaic_0001>

<sc_bundles>
// kernel: kernel.4.cloned.1.call-start
scs
__scs_entry_jumppad:
0x0: {  	(pc) =	sbr.rel $0x88, $3  }
0x1: {  	(tag) =	ssettag $0x0;
	lr =	simm.s32 $0x1  }
0x2: {  	[smem:$0x3F9F] =	sst lr;
	_ =	strace $0xD0000000  }
0x3: {  	_ = 	snop  }
0x4: {  	_ = 	snop  }
0x5: {  	_ = 	snop  }
0x6: {  	_ = 	snop  }
0x7: {  	_ = 	snop  }
__scs_overlays_trampoline_lowered:
0x8: {  	[smem:$0x3FAE] =	sst s0  }
0x9: {  	[smem:$0x3FAF] =	sst s1  }
0xa: {  	[smem:$0x3FB0] =	sst s2  }
0xb: {  	[smem:$0x3FB1] =	sst s3  }
0xc: {  	[smem:$0x3FB2] =	sst s4  }
0xd: {  	[smem:$0x3FB3] =	sst s5  }
0xe: {  	[smem:$0x3FB4] =	sst s6  }
0xf: {  	[smem:$0x3FB5] =	sst s7  }
0x10: {  	[smem:$0x3FB6] =	sst s8  }
0x11: {  	[smem:$0x3FB7] =	sst s9;
	s0 =	simm.s32 @!p0 $0x0  }
0x12: {  	s1 =	sld [smem:$0x3F9D];
	s0 =	simm.s32 @p0 $0x1  }
0x13: {  	[smem:$0x3FB8] =	sst s0;
	s0 =	simm.s32 @!p1 $0x0  }
0x14: {  	s2 =	sld [smem:$0x3F9C];
	s0 =	simm.s32 @p1 $0x1  }
0x15: {  	[smem:$0x3FB9] =	sst s0;
	s0 =	simm.s32 @!p2 $0x0  }
0x16: {  	s3 =	sld [smem:$0x3FDB];
	s0 =	simm.s32 @p2 $0x1  }
0x17: {  	s4 =	simm.s32 $0x1BF5;
	[smem:$0x3FBB] =	sst s0  }
0x18: {  	s0 =	sld [smem:$0x3F9E];
	_ =	swait.ge [sflag:s4], $0x0  }
0x19: {  	s7 =	sld [smem:$0x3F9F]  }
0x1a: {  	s8 =	sadd.s32 $0xFFFFE003, lr  }
0x1b: {  	s9 =	sadd.s32 $0xFFFFFEF7, lr;
	s5 =	simm.s32 $0xFFFFFFFF;
	p2 =	slt.u32 s8, $0xFFFFF086  }
0x1c: {  	p1 =	slt.u32 s9, $0xF7A;
	s5 =	simm.s32 @!p2 $0x0  }
0x1d: {  	s5 =	simm.s32 @p1 $0x1;
	p0 =	seq.s32 s7, s2  }
0x1e: {  	s7 =	smul.u32 @!p0 $0xF7A, s2;
	p2 =	seq.s32 @!p0 s5, $0x0  }
0x1f: {  	s9 =	smul.u32 $0xF7A, s1;
	s8 =	simm.s32 @!p0 $0x1BF5;
	p2 =	por !p2, p0  }
0x20: {  	[sflag:s8] =	ssyncset.s32 @!p0 $0xFFFFF086;
	s6 =	sadd.s32 @!p0 s3, s7;
	s7 =	simm.s32 @!p0 $0x108  }
0x21: {  	s3 =	sadd.s32 s3, s9;
	s6 =	sadd.s32 @!p0 $0x88, s6;
	s7 =	simm.s32 @p2 $0x1082  }
0x22: {  	[simem:s7], [sflag:s8] =	dma.local @!p0 [hbm:s6], $0xF7A  }
0x23: {  	s9 =	sor.u32 $0xD0000000, s2;
	s6 =	simm.s32 $0x108;
	_ =	swait.ge @!p0 [sflag:s8], $0x0  }
0x24: {  	s3 =	sadd.s32 $0x88, s3;
	s6 =	simm.s32 @!p1 $0x1082;
	[sflag:s4] =	ssyncset.s32 $0xFFFFF086  }
0x25: {  	[simem:s6], [sflag:s4] =	dma.local [hbm:s3], $0xF7A  }
0x26: {  	[smem:$0x3F9F] =	sst s1;
	(tag) =	ssettag s2;
	_ =	strace s9  }
0x27: {  	s1 =	sld [smem:$0x3FAF]  }
0x28: {  	s2 =	sld [smem:$0x3FB0]  }
0x29: {  	s4 =	sld [smem:$0x3FB2]  }
0x2a: {  	p0 =	seq.s32 s5, $0x0;
	s5 =	sld [smem:$0x3FB3]  }
0x2b: {  	s6 =	sld [smem:$0x3FB4]  }
0x2c: {  	s7 =	sld [smem:$0x3FB5]  }
0x2d: {  	s3 =	simm.s32 $0x108;
	s8 =	sld [smem:$0x3FB6]  }
0x2e: {  	s3 =	simm.s32 @!p0 $0x1082;
	s9 =	sld [smem:$0x3FB7]  }
0x2f: {  	lr =	sadd.s32 s0, s3;
	s0 =	sld [smem:$0x3FAE]  }
0x30: {  	s3 =	sld [smem:$0x3FB1]  }
0x31: {  	[smem:$0x3FBA] =	sst s10  }
0x32: {  	s10 =	sld [smem:$0x3FB8];
	_ =	sdelay $0x3  }
0x33: {  	p0 =	seq.s32 s10, $0x1;
	s10 =	sld [smem:$0x3FBA];
	_ =	sdelay $0x3  }
0x34: {  	[smem:$0x3FBA] =	sst s10  }
0x35: {  	s10 =	sld [smem:$0x3FB9];
	_ =	sdelay $0x3  }
0x36: {  	p1 =	seq.s32 s10, $0x1;
	s10 =	sld [smem:$0x3FBA];
	_ =	sdelay $0x3  }
0x37: {  	[smem:$0x3FBA] =	sst s10  }
0x38: {  	s10 =	sld [smem:$0x3FBB]  }
0x39: {  	_ = 	snop;
	(pc) =	sbr.ind lr, $3  }
0x3a: {  	_ = 	snop  }
0x3b: {  	_ = 	snop  }
0x3c: {  	p2 =	seq.s32 s10, $0x1;
	s10 =	sld [smem:$0x3FBA]  }
0x3d: {  	_ =	shalt  }
0x3e: {  	_ =	shalt  }
0x3f: {  	_ =	shalt  }
0x40: {  	_ =	shalt  }
0x41: {  	_ =	shalt  }
0x42: {  	_ =	shalt  }
0x43: {  	_ =	shalt  }
0x44: {  	_ =	shalt  }
0x45: {  	_ =	shalt  }
0x46: {  	_ =	shalt  }
0x47: {  	_ =	shalt  }
0x48: {  	_ =	shalt  }
0x49: {  	_ =	shalt  }
0x4a: {  	_ =	shalt  }
0x4b: {  	_ =	shalt  }
0x4c: {  	_ =	shalt  }
0x4d: {  	_ =	shalt  }
0x4e: {  	_ =	shalt  }
0x4f: {  	_ =	shalt  }
0x50: {  	_ =	shalt  }
0x51: {  	_ =	shalt  }
0x52: {  	_ =	shalt  }
0x53: {  	_ =	shalt  }
0x54: {  	_ =	shalt  }
0x55: {  	_ =	shalt  }
0x56: {  	_ =	shalt  }
0x57: {  	_ =	shalt  }
0x58: {  	_ =	shalt  }
0x59: {  	_ =	shalt  }
0x5a: {  	_ =	shalt  }
0x5b: {  	_ =	shalt  }
0x5c: {  	_ =	shalt  }
0x5d: {  	_ =	shalt  }
0x5e: {  	_ =	shalt  }
0x5f: {  	_ =	shalt  }
0x60: {  	_ =	shalt  }
0x61: {  	_ =	shalt  }
0x62: {  	_ =	shalt  }
0x63: {  	_ =	shalt  }
0x64: {  	_ =	shalt  }
0x65: {  	_ =	shalt  }
0x66: {  	_ =	shalt  }
0x67: {  	_ =	shalt  }
0x68: {  	_ =	shalt  }
0x69: {  	_ =	shalt  }
0x6a: {  	_ =	shalt  }
0x6b: {  	_ =	shalt  }
0x6c: {  	_ =	shalt  }
0x6d: {  	_ =	shalt  }
0x6e: {  	_ =	shalt  }
0x6f: {  	_ =	shalt  }
0x70: {  	_ =	shalt  }
0x71: {  	_ =	shalt  }
0x72: {  	_ =	shalt  }
0x73: {  	_ =	shalt  }
0x74: {  	_ =	shalt  }
0x75: {  	_ =	shalt  }
0x76: {  	_ =	shalt  }
0x77: {  	_ =	shalt  }
0x78: {  	_ =	shalt  }
0x79: {  	_ =	shalt  }
0x7a: {  	_ =	shalt  }
0x7b: {  	_ =	shalt  }
0x7c: {  	_ =	shalt  }
0x7d: {  	_ =	shalt  }
0x7e: {  	_ =	shalt  }
0x7f: {  	_ =	shalt  }
0x80: {  	_ =	shalt  }
0x81: {  	_ =	shalt  }
0x82: {  	_ =	shalt  }
0x83: {  	_ =	shalt  }
0x84: {  	_ =	shalt  }
0x85: {  	_ =	shalt  }
0x86: {  	_ =	shalt  }
0x87: {  	_ =	shalt  }
.Lfunc_end0:
.L_simem_size_0:
called_computation_lowered:
.L_overlay_start_0:
0x88: {  	s2 =	sld [smem:$0x3FD9]  }
0x89: {  	s3 =	sld [smem:$0x3FFE];
	_ =	sdelay $0x1  }
0x8a: {  	s1 =	srdreg.scid  }
0x8b: {  	s0 =	sand.u32 $0x1, s1  }
0x8c: {  	s17 =	sshll.u32 s0, $0xA;
	s2 =	sadd.s32 s3, s2  }
0x8d: {  	s2 =	sadd.s32 s2, s17  }
0x8e: {  	[smem:$0x3FC6] =	sst s2  }
0x8f: {  	_ = 	snop  }
0x90: {  	s2 =	sld [smem:$0x3FC8];
	(tm) =	ssettm $0x1  }
0x91: {  	s18 =	sld [smem:$0x3FFB];
	_ =	sdelay $0x3  }
0x92: {  	_ =	strace s18  }
0x93: {  	s3 =	sld [smem:$0x3FFC];
	_ =	sdelay $0x3  }
0x94: {  	_ =	strace s3  }
0x95: {  	s3 =	sld [smem:$0x3FFD];
	_ =	sdelay $0x3  }
0x96: {  	_ =	strace s3  }
0x97: {  	_ =	strace $0x8FFFFFFF  }
0x98: {  	s19 =	sld [smem:$0x3FDB];
	_ =	sdelay $0x1  }
0x99: {  	s4 =	simm.s32 $_scs_section_size  }
0x9a: {  	s5 =	simm.s32 $_size__tile_overlayer_lowered;
	s6 =	simm.s32 $_tile_overlayer_lowered  }
0x9b: {  	s22 =	simm.s32 $0x1BFF;
	s21 =	sshll.u32 s6, $0x1;
	s3 =	sadd.s32 s4, s19  }
0x9c: {  	s7 =	simm.s32 $0x0;
	s20 =	sshll.u32 s5, $0x1;
	s5 =	sadd.s32 s21, s3  }
0x9d: {  	[timem:s7], [sflag:s22] =	dma.local [hbm:s5], s20  }
0x9e: {  	_ =	swait.ge [sflag:s22], s20  }
0x9f: {  	s4 =	ssub.s32 $0x0, s20;
	[sflag:s22] =	ssyncset.done $0x0  }
0xa0: {  	[sflag:s22] =	ssyncadd.s32 s4;
	_ =	sdelay $0x1  }
0xa1: {  	s23 =	simm.s32 $0x1B8B  }
0xa2: {  	_ =	swait.ge [sflag:s23], $0x1  }
0xa3: {  	[sflag:s23] =	ssyncset.done $0x0  }
0xa4: {  	s25 =	simm.s32 $0x1B8E;
	s24 =	sld [smem:$0x3FFE];
	[sflag:s23] =	ssyncadd.s32 $0xFFFFFFFF  }
0xa5: {  	s26 =	simm.s32 $execute0_lowered;
	[smem:$0x3FD2] =	sst s25  }
0xa6: {  	s5 =	sshll.u32 s26, $0x1;
	_ =	strace $0x80000046;
	[dreg:$0x1] =	wrdreg $0xFFFFFFFF  }
0xa7: {  	s28 =	simm.s32 $_size_execute0_lowered;
	s3 =	sadd.s32 s3, s5;
	[dreg:$0x0] =	wrdreg $0x0  }
0xa8: {  	s5 =	sshll.u32 s28, $0x1;
	[dreg:$0x2] =	wrdreg s3  }
0xa9: {  	[dreg:$0x3] =	wrdreg s5  }
0xaa: {  	[dreg:$0x4] =	wrdreg $0xC0  }
0xab: {  	_ =	task [dreg:s7], $0x5FFFF  }
0xac: {  	[dreg:$0x1] =	wrdreg $0xFFFFFFFF  }
0xad: {  	[dreg:$0x0] =	wrdreg $0x60  }
0xae: {  	[dreg:$0x2] =	wrdreg s24  }
0xaf: {  	[dreg:$0x3] =	wrdreg s2  }
0xb0: {  	[dreg:$0x4] =	wrdreg $0x9  }
0xb1: {  	_ =	task.clear_ibuf [dreg:s7], $0x5FFFF;
	_ =	strace $0x90000046  }
0xb2: {  	s29 =	simm.s32 $0x9;
	_ =	strace $0x80000048  }
0xb3: {  	_ =	swait.ge [sflag:s29], $0x1  }
0xb4: {  	[sflag:s29] =	ssyncadd.s32 $0xFFFFFFFF  }
0xb5: {  	_ =	strace $0x90000048  }
0xb6: {  	_ =	sfence  }
0xb7: {  	s30 =	sld [smem:$0x0];
	_ =	sdelay $0x2  }
0xb8: {  	s31 =	sshll.u32 s1, $0xD;
	s1 =	sshrl.u32 s1, $0x2  }
0xb9: {  	s3 =	sand.u32 $0x4000, s31;
	s1 =	sadd.s32 s1, s30  }
0xba: {  	s0 =	sor.u32 s3, s0;
	s1 =	sshll.u32 s1, $0x11  }
0xbb: {  	s0 =	sor.u32 s1, s0  }
0xbc: {  	s0 =	sadd.s32 $0x8F2B, s0  }
0xbd: {  	[sflag:s0] =	ssyncadd.remote.s32 $0x1  }
0xbe: {  	_ =	sfence.sel $0xFFFF  }
0xbf: {  	[dreg:$0x0] =	wrdreg $0xFFFFFFFF;
	(pc) =	sbr.abs _section_cstart, $3  }
0xc0: {  	[dreg:$0x1] =	wrdreg $0xFFFFFFFF  }
0xc1: {  	_ =	task.clear_ibuf [dreg:s7], $0x2FFFF;
	_ =	strace $0x9FFFFFFF  }
0xc2: {  	(tm) =	ssettm $0x7FFFFFFF  }
0xc3: {  	_ =	shalt  }
tec
execute0_lowered:
.L_overlay_start_1:
0x0: {  	(tag) =	ssettag $0x1  }
0x1: {  	s0 =	rddreg [dreg:$0x0]  }
0x2: {  	s24 =	rddreg [dreg:$0x1];
	s8 =	simm.s32 $0x0;
	s3 =	stileid.u32  }
0x3: {  	s1 =	srdreg.scid;
	[smem:$0x7FF] =	sst s8;
	s2 =	sshrl.u32 s3, $0x3  }
0x4: {  	s1 =	sand.u32 $0x1, s1;
	s3 =	sshll.u32 s3, $0x1;
	s4 =	sshll.u32 s2, $0x14  }
0x5: {  	_ =	strace $0x80000047;
	s3 =	sor.u32 s1, s3;
	s5 =	sadd.s32 s4, s0  }
0x6: {  	s22 =	sshll.u32 s3, $0x7;
	s6 =	sshll.u32 s3, $0x8;
	s3 =	sshll.u32 s3, $0xF  }
0x7: {  	s1 =	ssub.s32 $0x2, s1;
	s3 =	sand.u32 $0x78000, s3;
	s5 =	sadd.s32 $0xE00, s5  }
0x8: {  	s4 =	sshll.u32 s2, $0x13;
	s26 =	sadd.s32 s3, s5;
	[dreg:$0x3] =	wrdreg s5  }
0x9: {  	s7 =	sadd.s32 s22, s0;
	s31 =	sor.u32 $0x1000, s3;
	[dreg:$0x4] =	wrdreg s26  }
0xa: {  	s0 =	sadd.s32 s6, s0;
	s9 =	sadd.s32 $0x204E00, s7;
	[dreg:$0x6] =	wrdreg s31  }
0xb: {  	s23 =	sshrl.u32 s1, $0x1;
	s10 =	sadd.s32 $0x200E00, s0;
	[dreg:$0x7] =	wrdreg s9  }
0xc: {  	s1 =	ssub.s32 s1, s23;
	s0 =	sadd.s32 $0x202E00, s0;
	[dreg:$0x8] =	wrdreg s10  }
0xd: {  	s25 =	sor.u32 s4, s3;
	s11 =	smax.u32 s1, $0x1;
	[dreg:$0x9] =	wrdreg s0  }
0xe: {  	s30 =	sshrl.u32 s25, $0x3;
	[dreg:$0xa] =	wrdreg s11;
	s25 =	sor.u32 $0x800, s3  }
0xf: {  	v0 =	vlaneseq.u32;
	s2 =	sadd.s32 s24, s30;
	[dreg:$0x17] =	wrdreg s25  }
0x10: {  	v2 =	vor.u32 $0x10, v0;
	s12 =	sadd.s32 $0x10, s2;
	[dreg:$0x5] =	wrdreg s2  }
0x11: {  	v62 =	vor.u32 $0x70, v0;
	[tilespmem:$0x1FF10] =	vst v2;
	s13 =	sadd.s32 $0x20, s2;
	[dreg:$0xb] =	wrdreg s12  }
0x12: {  	v29 =	vor.u32 $0x400, v0;
	[tilespmem:$0x1FF70] =	vst v62;
	s14 =	sadd.s32 $0x30, s2;
	[dreg:$0xc] =	wrdreg s13  }
0x13: {  	v60 =	vor.u32 $0x410, v0;
	[tilespmem:$0x1FF80] =	vst v29;
	s15 =	sadd.s32 $0x40, s2;
	[dreg:$0xd] =	wrdreg s14  }
0x14: {  	v59 =	vor.u32 $0x420, v0;
	[tilespmem:$0x1FF90] =	vst v60;
	s16 =	sadd.s32 $0x50, s2;
	[dreg:$0xe] =	wrdreg s15  }
0x15: {  	v58 =	vor.u32 $0x430, v0;
	[tilespmem:$0x1FFA0] =	vst v59;
	s17 =	sadd.s32 $0x60, s2;
	[dreg:$0xf] =	wrdreg s16  }
0x16: {  	v55 =	vor.u32 $0x450, v0;
	[tilespmem:$0x1FFB0] =	vst v58;
	s18 =	sadd.s32 $0x70, s2;
	[dreg:$0x10] =	wrdreg s17  }
0x17: {  	v56 =	vor.u32 $0x460, v0;
	[tilespmem:$0x1FFC0] =	vst v55;
	s19 =	sadd.s32 $0x80, s2;
	[dreg:$0x11] =	wrdreg s18  }
0x18: {  	v63 =	vor.u32 $0x60, v0;
	[tilespmem:$0x1FFD0] =	vst v56;
	s20 =	sadd.s32 $0x90, s2;
	[dreg:$0x12] =	wrdreg s19  }
0x19: {  	v57 =	vor.u32 $0x50, v0;
	[tilespmem:$0x1FFE0] =	vst v63;
	s21 =	sadd.s32 $0xA0, s2;
	[dreg:$0x13] =	wrdreg s20  }
0x1a: {  	v2 =	vor.u32 $0x20, v0;
	[tilespmem:$0x1FFF0] =	vst v57;
	s22 =	sadd.s32 $0xB0, s2;
	[dreg:$0x14] =	wrdreg s21  }
0x1b: {  	[tilespmem:$0x1FF20] =	vst v2;
	v2 =	vor.u32 $0x30, v0;
	s23 =	sadd.s32 $0xC0, s2;
	[dreg:$0x15] =	wrdreg s22  }
0x1c: {  	[tilespmem:$0x1FF30] =	vst v2;
	v2 =	vor.u32 $0x40, v0;
	s26 =	sadd.s32 $0xD0, s2;
	[dreg:$0x16] =	wrdreg s23  }
0x1d: {  	s28 =	simm.s32 $0x11C00;
	[tilespmem:$0x1FF40] =	vst v2;
	v2 =	vor.u32 $0x440, v0;
	s30 =	sadd.s32 $0xE0, s2;
	[dreg:$0x18] =	wrdreg s26  }
0x1e: {  	s29 =	simm.s32 $0x11000;
	v0 =	vor.u32 $0x470, v0;
	[tilespmem:$0x1FF50] =	vst v2;
	s31 =	sadd.s32 $0xF0, s2;
	[dreg:$0x19] =	wrdreg s30  }
0x1f: {  	v1 =	vimm.f32 $0.0e+00;
	[tilespmem:$0x1FF60] =	vst v0;
	s2 =	simm.s32 $0x0;
	[dreg:$0x1a] =	wrdreg s31;
	s26 =	simm.s32 $0x11400  }
.LBB2_1:
0x20: {  	s0 =	sand.u32 $0x380, s8;
	s1 =	sand.u32 $0x400, s8  }
0x21: {  	s31 =	sand.u32 $0x70, s8;
	s0 =	sor.u32 s0, s1  }
0x22: {  	s1 =	sor.u32 s31, s0  }
0x23: {  	[dreg:$0x1b] =	wrdreg s2;
	[tilespmem:s1+$0x11C00] =	vst v1  }
0x24: {  	s2 =	simm.s32 $0x0;
	s0 =	simm.s32 $0x8;
	[tilespmem:s1+$0x11400] =	vst v1;
	s1 =	simm.s32 $0x0  }
.LBB2_2:
0x25: {  	s6 =	sand.u32 $0x380, s0  }
0x26: {  	s1 =	sadd.s32 $0x10, s1;
	s2 =	sadd.s32 $0x80, s2;
	p0 =	sne.s32 s0, $0x3F8  }
.Ltmp0:
0x27: {  	s0 =	sadd.s32 $0x8, s0;
	s8 =	sand.u32 $0x400, s2;
	(pc) =	sbr.rel @p0 .LBB2_2-.Ltmp0, $4  }
0x28: {  	s9 =	sand.u32 $0x70, s1;
	s6 =	sor.u32 s6, s8  }
0x29: {  	s6 =	sor.u32 s9, s6  }
0x2a: {  	[tilespmem:s6+$0x11C00] =	vst v1  }
0x2b: {  	[tilespmem:s6+$0x11400] =	vst v1  }
0x2c: {  	[tilespmem:$0x11000] =	vst v1  }
0x2d: {  	[tilespmem:$0x11080] =	vst v1  }
0x2e: {  	[tilespmem:$0x11100] =	vst v1  }
0x2f: {  	[tilespmem:$0x11180] =	vst v1  }
0x30: {  	[tilespmem:$0x11200] =	vst v1  }
0x31: {  	[tilespmem:$0x11280] =	vst v1  }
0x32: {  	[tilespmem:$0x11300] =	vst v1;
	s0 =	simm.s32 $0x0  }
0x33: {  	[tilespmem:$0x11380] =	vst v1;
	s1 =	rddreg [dreg:$0x4];
	s2 =	simm.s32 $0x4000;
	s3 =	simm.s32 $0x400000  }
0x34: {  	[tilespmem:s0], [sflag:$0x1] =	stream.strided.gather [hbm4b:s1+s2], $0x8000, s3, s2, $0x38;
	[tilespmem:$0x12400] =	vst v63  }
0x35: {  	s17 =	rddreg [dreg:$0x5];
	s18 =	simm.s32 $0x10000  }
0x36: {  	[tilespmem:s18], [sflag:$0x3] =	stream.linear.gather [hbm4b:s17+s0], $0x80, $0x38;
	[tilespmem:$0x12400] =	vst v63  }
0x37: {  	s19 =	rddreg [dreg:$0xb];
	s20 =	simm.s32 $0x10100  }
0x38: {  	[tilespmem:s20], [sflag:$0x3] =	stream.linear.gather [hbm4b:s19+s0], $0x80, $0x38;
	[tilespmem:$0x12400] =	vst v63  }
0x39: {  	s21 =	rddreg [dreg:$0xc];
	s22 =	simm.s32 $0x10200  }
0x3a: {  	[tilespmem:s22], [sflag:$0x3] =	stream.linear.gather [hbm4b:s21+s0], $0x80, $0x38;
	[tilespmem:$0x12400] =	vst v63  }
0x3b: {  	s23 =	rddreg [dreg:$0xd];
	s25 =	simm.s32 $0x10300  }
0x3c: {  	[tilespmem:s25], [sflag:$0x3] =	stream.linear.gather [hbm4b:s23+s0], $0x80, $0x38;
	[tilespmem:$0x12400] =	vst v63  }
0x3d: {  	s30 =	rddreg [dreg:$0xe];
	s31 =	simm.s32 $0x10400  }
0x3e: {  	[tilespmem:s31], [sflag:$0x3] =	stream.linear.gather [hbm4b:s30+s0], $0x80, $0x38;
	[tilespmem:$0x12400] =	vst v63  }
0x3f: {  	s6 =	simm.s32 $0x10500;
	s3 =	rddreg [dreg:$0xf]  }
0x40: {  	[tilespmem:s6], [sflag:$0x3] =	stream.linear.gather [hbm4b:s3+s0], $0x80, $0x38;
	[tilespmem:$0x12400] =	vst v63  }
0x41: {  	s7 =	rddreg [dreg:$0x10];
	s8 =	simm.s32 $0x10600  }
0x42: {  	[tilespmem:s8], [sflag:$0x3] =	stream.linear.gather [hbm4b:s7+s0], $0x80, $0x38;
	[tilespmem:$0x12400] =	vst v63  }
0x43: {  	s9 =	rddreg [dreg:$0x11];
	s10 =	simm.s32 $0x10700  }
0x44: {  	[tilespmem:s10], [sflag:$0x3] =	stream.linear.gather [hbm4b:s9+s0], $0x80, $0x38;
	[tilespmem:$0x12400] =	vst v63  }
0x45: {  	s11 =	rddreg [dreg:$0x12];
	s12 =	simm.s32 $0x10800  }
0x46: {  	[tilespmem:s12], [sflag:$0x3] =	stream.linear.gather [hbm4b:s11+s0], $0x80, $0x38;
	[tilespmem:$0x12400] =	vst v63  }
0x47: {  	s13 =	rddreg [dreg:$0x13];
	s14 =	simm.s32 $0x10900  }
0x48: {  	[tilespmem:s14], [sflag:$0x3] =	stream.linear.gather [hbm4b:s13+s0], $0x80, $0x38;
	[tilespmem:$0x12400] =	vst v63  }
0x49: {  	s15 =	rddreg [dreg:$0x14];
	s16 =	simm.s32 $0x10A00  }
0x4a: {  	[tilespmem:s16], [sflag:$0x3] =	stream.linear.gather [hbm4b:s15+s0], $0x80, $0x38;
	[tilespmem:$0x12400] =	vst v63  }
0x4b: {  	s17 =	rddreg [dreg:$0x15];
	s18 =	simm.s32 $0x10B00  }
0x4c: {  	[tilespmem:s18], [sflag:$0x3] =	stream.linear.gather [hbm4b:s17+s0], $0x80, $0x38;
	[tilespmem:$0x12400] =	vst v63  }
0x4d: {  	s19 =	rddreg [dreg:$0x16];
	s20 =	simm.s32 $0x10C00  }
0x4e: {  	[tilespmem:s20], [sflag:$0x3] =	stream.linear.gather [hbm4b:s19+s0], $0x80, $0x38;
	[tilespmem:$0x12400] =	vst v63  }
0x4f: {  	s21 =	rddreg [dreg:$0x18];
	s22 =	simm.s32 $0x10D00  }
0x50: {  	[tilespmem:s22], [sflag:$0x3] =	stream.linear.gather [hbm4b:s21+s0], $0x80, $0x38;
	[tilespmem:$0x12400] =	vst v63  }
0x51: {  	s23 =	rddreg [dreg:$0x19];
	s25 =	simm.s32 $0x10E00  }
0x52: {  	[tilespmem:s25], [sflag:$0x3] =	stream.linear.gather [hbm4b:s23+s0], $0x80, $0x38;
	[tilespmem:$0x12400] =	vst v63  }
0x53: {  	s1 =	simm.s32 $0x0;
	s30 =	rddreg [dreg:$0x1a];
	s31 =	simm.s32 $0x10F00  }
0x54: {  	[tilespmem:s31], [sflag:$0x3] =	stream.linear.gather [hbm4b:s30+s0], $0x80, $0x38;
	[tilespmem:$0x12400] =	vst v63  }
.LBB2_4:
0x55: {  	s6 =	sshll.u32 s1, $0xC;
	s2 =	rddreg [dreg:$0x17]  }
0x56: {  	s3 =	simm.s32 $0x4000;
	s7 =	simm.s32 $0x400000;
	s2 =	sor.u32 s2, s6  }
0x57: {  	s9 =	simm.s32 $0x8000;
	s8 =	sadd.s32 s2, s5;
	s2 =	sor.u32 s4, s2  }
0x58: {  	[tilespmem:s9], [sflag:$0x2] =	stream.strided.gather [hbm4b:s8+s3], $0x8000, s7, s3, $0x38;
	[tilespmem:$0x12400] =	vst v63  }
0x59: {  	s2 =	sshrl.u32 s2, $0x3  }
0x5a: {  	s31 =	simm.s32 $0x10080;
	s2 =	sadd.s32 s24, s2  }
0x5b: {  	[tilespmem:s31], [sflag:$0x4] =	stream.linear.gather [hbm4b:s2+s0], $0x80, $0x38;
	[tilespmem:$0x12400] =	vst v63  }
0x5c: {  	s7 =	simm.s32 $0x10180;
	s3 =	sadd.s32 $0x10, s2  }
0x5d: {  	[tilespmem:s7], [sflag:$0x4] =	stream.linear.gather [hbm4b:s3+s0], $0x80, $0x38;
	[tilespmem:$0x12400] =	vst v63  }
0x5e: {  	s10 =	simm.s32 $0x10280;
	s9 =	sadd.s32 $0x20, s2  }
0x5f: {  	[tilespmem:s10], [sflag:$0x4] =	stream.linear.gather [hbm4b:s9+s0], $0x80, $0x38;
	[tilespmem:$0x12400] =	vst v63  }
0x60: {  	s12 =	simm.s32 $0x10380;
	s11 =	sadd.s32 $0x30, s2  }
0x61: {  	[tilespmem:s12], [sflag:$0x4] =	stream.linear.gather [hbm4b:s11+s0], $0x80, $0x38;
	[tilespmem:$0x12400] =	vst v63  }
0x62: {  	s14 =	simm.s32 $0x10480;
	s13 =	sadd.s32 $0x40, s2  }
0x63: {  	[tilespmem:s14], [sflag:$0x4] =	stream.linear.gather [hbm4b:s13+s0], $0x80, $0x38;
	[tilespmem:$0x12400] =	vst v63  }
0x64: {  	s16 =	simm.s32 $0x10580;
	s15 =	sadd.s32 $0x50, s2  }
0x65: {  	[tilespmem:s16], [sflag:$0x4] =	stream.linear.gather [hbm4b:s15+s0], $0x80, $0x38;
	[tilespmem:$0x12400] =	vst v63  }
0x66: {  	s18 =	simm.s32 $0x10680;
	s17 =	sadd.s32 $0x60, s2  }
0x67: {  	[tilespmem:s18], [sflag:$0x4] =	stream.linear.gather [hbm4b:s17+s0], $0x80, $0x38;
	[tilespmem:$0x12400] =	vst v63  }
0x68: {  	s20 =	simm.s32 $0x10780;
	s19 =	sadd.s32 $0x70, s2  }
0x69: {  	[tilespmem:s20], [sflag:$0x4] =	stream.linear.gather [hbm4b:s19+s0], $0x80, $0x38;
	[tilespmem:$0x12400] =	vst v63  }
0x6a: {  	s22 =	simm.s32 $0x10880;
	s21 =	sadd.s32 $0x80, s2  }
0x6b: {  	[tilespmem:s22], [sflag:$0x4] =	stream.linear.gather [hbm4b:s21+s0], $0x80, $0x38;
	[tilespmem:$0x12400] =	vst v63  }
0x6c: {  	s25 =	simm.s32 $0x10980;
	s23 =	sadd.s32 $0x90, s2  }
0x6d: {  	[tilespmem:s25], [sflag:$0x4] =	stream.linear.gather [hbm4b:s23+s0], $0x80, $0x38;
	[tilespmem:$0x12400] =	vst v63  }
0x6e: {  	s30 =	sadd.s32 $0xA0, s2;
	s31 =	simm.s32 $0x10A80  }
0x6f: {  	[tilespmem:s31], [sflag:$0x4] =	stream.linear.gather [hbm4b:s30+s0], $0x80, $0x38;
	[tilespmem:$0x12400] =	vst v63  }
0x70: {  	s7 =	sadd.s32 $0xB0, s2;
	s9 =	simm.s32 $0x10B80  }
0x71: {  	[tilespmem:s9], [sflag:$0x4] =	stream.linear.gather [hbm4b:s7+s0], $0x80, $0x38;
	[tilespmem:$0x12400] =	vst v63  }
0x72: {  	s10 =	sadd.s32 $0xC0, s2;
	s11 =	simm.s32 $0x10C80  }
0x73: {  	[tilespmem:s11], [sflag:$0x4] =	stream.linear.gather [hbm4b:s10+s0], $0x80, $0x38;
	[tilespmem:$0x12400] =	vst v63  }
0x74: {  	s12 =	sadd.s32 $0xD0, s2;
	s13 =	simm.s32 $0x10D80  }
0x75: {  	[tilespmem:s13], [sflag:$0x4] =	stream.linear.gather [hbm4b:s12+s0], $0x80, $0x38;
	[tilespmem:$0x12400] =	vst v63  }
0x76: {  	s14 =	sadd.s32 $0xE0, s2;
	s15 =	simm.s32 $0x10E80  }
0x77: {  	[tilespmem:s15], [sflag:$0x4] =	stream.linear.gather [hbm4b:s14+s0], $0x80, $0x38;
	[tilespmem:$0x12400] =	vst v63  }
0x78: {  	s2 =	sadd.s32 $0xF0, s2;
	s16 =	simm.s32 $0x10F80;
	s17 =	simm.s32 $0x1  }
0x79: {  	[tilespmem:s16], [sflag:$0x4] =	stream.linear.gather [hbm4b:s2+s0], $0x80, $0x38;
	[tilespmem:$0x12400] =	vst v63  }
0x7a: {  	_ =	swait.ge [sflag:s17], $0x8000  }
0x7b: {  	[sflag:s17] =	ssyncset.done $0x0  }
0x7c: {  	s18 =	simm.s32 $0x3;
	[sflag:s17] =	ssyncadd.s32 $0xFFFF8000  }
0x7d: {  	s9 =	sand.u32 $0x60, s0;
	_ =	swait.ge [sflag:s18], $0x800  }
0x7e: {  	s11 =	sand.u32 $0x3C00, s0;
	s10 =	sor.u32 $0x10, s9;
	[sflag:s18] =	ssyncset.done $0x0  }
0x7f: {  	s19 =	sor.u32 s10, s11;
	[sflag:s18] =	ssyncadd.s32 $0xFFFFF800  }
0x80: {  	v42 =	vld [tilespmem:s19+$0x0]  }
0x81: {  	v36 =	vld [tilespmem:s19+$0x80]  }
0x82: {  	v35 =	vld [tilespmem:s19+$0x100]  }
0x83: {  	v34 =	vld [tilespmem:s19+$0x180]  }
0x84: {  	v33 =	vld [tilespmem:s19+$0x200]  }
0x85: {  	v32 =	vld [tilespmem:s19+$0x280]  }
0x86: {  	s20 =	sor.u32 $0x4000, s11;
	v31 =	vld [tilespmem:s19+$0x300]  }
0x87: {  	s12 =	sor.u32 $0x4080, s11;
	s21 =	sor.u32 s10, s20;
	v30 =	vld [tilespmem:s19+$0x380]  }
0x88: {  	s13 =	sor.u32 $0x4100, s11;
	s22 =	sor.u32 s10, s12;
	v28 =	vld [tilespmem:s21+$0x0]  }
0x89: {  	s23 =	sor.u32 s10, s13;
	s14 =	sor.u32 $0x4180, s11;
	v17 =	vld [tilespmem:s22+$0x0]  }
0x8a: {  	s15 =	sor.u32 $0x4200, s11;
	s25 =	sor.u32 s10, s14;
	v5 =	vld [tilespmem:s23+$0x0]  }
0x8b: {  	s30 =	sor.u32 s10, s15;
	s16 =	sor.u32 $0x4280, s11;
	v4 =	vld [tilespmem:s25+$0x0]  }
0x8c: {  	s31 =	sor.u32 s10, s16;
	s17 =	sor.u32 $0x4300, s11;
	v3 =	vld [tilespmem:s30+$0x0];
	v6 =	vmul.f32 v42, v42;
	v7 =	vmul.f32 v36, v36  }
0x8d: {  	s3 =	sor.u32 s10, s17;
	s18 =	sor.u32 $0x4380, s11;
	v2 =	vld [tilespmem:s31+$0x0];
	v8 =	vmul.f32 v35, v35;
	v9 =	vmul.f32 v34, v34  }
0x8e: {  	v1 =	vld [tilespmem:s3+$0x0];
	s7 =	sor.u32 s10, s18;
	v10 =	vmul.f32 v33, v33;
	v18 =	vmul.f32 v32, v32  }
0x8f: {  	v0 =	vld [tilespmem:s7+$0x0];
	v19 =	vmul.f32 v31, v31;
	v20 =	vmul.f32 v30, v30  }
0x90: {  	v21 =	vmul.f32 v28, v28;
	v22 =	vmul.f32 v17, v17  }
0x91: {  	v23 =	vmul.f32 v5, v5;
	v24 =	vmul.f32 v4, v4  }
0x92: {  	v25 =	vmul.f32 v3, v3;
	v26 =	vmul.f32 v2, v2  }
0x93: {  	v27 =	vmul.f32 v1, v1;
	v6 =	vadd.f32 v7, v6;
	v7 =	vadd.f32 v9, v8  }
0x94: {  	v8 =	vmul.f32 v0, v0;
	v9 =	vadd.f32 v18, v10;
	v10 =	vadd.f32 v20, v19  }
0x95: {  	v18 =	vadd.f32 v22, v21;
	v19 =	vadd.f32 v24, v23  }
0x96: {  	v54 =	vadd.f32 v26, v25;
	v8 =	vadd.f32 v8, v27  }
0x97: {  	v6 =	vadd.f32 v7, v6;
	v7 =	vadd.f32 v10, v9  }
0x98: {  	v9 =	vadd.f32 v19, v18;
	v8 =	vadd.f32 v8, v54;
	_ =	sdelay $0x1  }
0x99: {  	v6 =	vadd.f32 v7, v6;
	v7 =	vadd.f32 v8, v9;
	_ =	sdelay $0x1  }
0x9a: {  	v7 =	vadd.f32 v7, v6;
	_ =	sdelay $0x1  }
0x9b: {  	v6 =	vshra.s32 v7, $0x1;
	v8 =	vmul.f32 $5.000000000e-01, v7  }
0x9c: {  	v6 =	vsub.s32 $0x5F3759DF, v6  }
0x9d: {  	v9 =	vmul.f32 v6, v8  }
0x9e: {  	s22 =	sor.u32 s9, s16  }
0x9f: {  	s25 =	sor.u32 s9, s18;
	v37 =	vld [tilespmem:s22+$0x0];
	v9 =	vmul.f32 v6, v9  }
0xa0: {  	s30 =	sor.u32 s9, s11;
	s31 =	sshrl.u32 s11, $0x2;
	v16 =	vld [tilespmem:s25+$0x0]  }
0xa1: {  	v41 =	vld [tilespmem:s30+$0x0];
	s2 =	sor.u32 $0x10000, s31;
	v9 =	vsub.f32 $1.500000000e+00, v9  }
0xa2: {  	v12 =	vld [tilespmem:s30+$0x280];
	s10 =	sor.u32 s10, s2  }
0xa3: {  	s12 =	sor.u32 s9, s12;
	v46 =	vld [tilespmem:s10+$0x0];
	v6 =	vmul.f32 v6, v9  }
0xa4: {  	s19 =	sor.u32 s9, s13;
	v20 =	vld [tilespmem:s12+$0x0]  }
0xa5: {  	s23 =	sor.u32 s9, s17;
	v23 =	vld [tilespmem:s19+$0x0];
	v9 =	vmul.f32 v6, v8  }
0xa6: {  	s21 =	sor.u32 s9, s15;
	v54 =	vld [tilespmem:s23+$0x0]  }
0xa7: {  	s8 =	sor.u32 s9, s20;
	s20 =	sor.u32 s9, s14;
	v25 =	vld [tilespmem:s21+$0x0];
	v9 =	vmul.f32 v9, v6  }
0xa8: {  	v24 =	vld [tilespmem:s20+$0x0]  }
0xa9: {  	v45 =	vmul.f32 v37, v37;
	v19 =	vld [tilespmem:s8+$0x0];
	v9 =	vsub.f32 $1.500000000e+00, v9  }
0xaa: {  	v48 =	vmul.f32 v16, v16;
	v49 =	vmul.f32 v41, v41;
	v22 =	vld [tilespmem:s30+$0x200]  }
0xab: {  	v11 =	vlaneseq.u32;
	v47 =	vmul.f32 v54, v54;
	v9 =	vmul.f32 v9, v6  }
0xac: {  	v40 =	vld [tilespmem:s30+$0x80];
	v52 =	vshll.u32 v46, $0x8;
	v26 =	vmul.f32 v20, v20;
	v44 =	vmul.f32 v25, v25  }
0xad: {  	v39 =	vld [tilespmem:s30+$0x100];
	v6 =	vmul.f32 v9, v8;
	v8 =	vadd.f32 v48, v47;
	v48 =	vmul.f32 v12, v12  }
0xae: {  	v38 =	vld [tilespmem:s30+$0x180];
	v52 =	vand.u32 $0xFFFFF800, v52;
	v27 =	vmul.f32 v23, v23;
	v10 =	vmul.f32 v19, v19  }
0xaf: {  	v14 =	vld [tilespmem:s30+$0x300];
	v43 =	vmul.f32 v24, v24;
	v44 =	vadd.f32 v45, v44;
	v47 =	vmul.f32 v22, v22  }
0xb0: {  	v10 =	vadd.f32 v26, v10;
	v26 =	vld [tilespmem:s30+$0x380];
	v51 =	vmul.f32 v6, v9;
	v6 =	vshll.u32 v46, $0x7  }
0xb1: {  	v45 =	vmul.f32 v40, v40;
	v47 =	vadd.f32 v48, v47;
	v53 =	vand.u32 $0x380, v6;
	v48 =	vmovc v12;
	v12 =	vld [tilespmem:$0x1FF10]  }
0xb2: {  	v50 =	vmul.f32 v39, v39;
	v52 =	vor.u32 v53, v52;
	v51 =	vsub.f32 $1.500000000e+00, v51  }
0xb3: {  	v43 =	vadd.f32 v43, v27;
	v45 =	vadd.f32 v45, v49;
	v49 =	vor.u32 v11, v52  }
0xb4: {  	v61 =	vmul.f32 v14, v14;
	v9 =	vmul.f32 v51, v9  }
0xb5: {  	vm0 =	vgt.f32 v7, $0.0e+00;
	v10 =	vadd.f32 v43, v10;
	v13 =	vmul.f32 v26, v26  }
0xb6: {  	v43 =	vmul.f32 v38, v38;
	v9 =	vnsel vm0, $0x0, v9;
	v7 =	vor.u32 v12, v52  }
0xb7: {  	v46 =	vadd.f32 v13, v61;
	v13 =	vld [tilespmem:$0x1FF20];
	v53 =	vmul.f32 v9, v42  }
0xb8: {  	v43 =	vadd.f32 v43, v50;
	[tilespmem:v49+s26+$0x0] =	vst.idx.add.f32.msk $0xffff, v42  }
0xb9: {  	[tilespmem:v49+s28+$0x0] =	vst.idx.add.f32.msk $0xffff, v53  }
0xba: {  	v43 =	vadd.f32 v43, v45;
	v45 =	vmov v14;
	v50 =	vmul.f32 v9, v36;
	v14 =	vld [tilespmem:$0x1FF30]  }
0xbb: {  	[tilespmem:v7+s26+$0x0] =	vst.idx.add.f32.msk $0xffff, v36  }
0xbc: {  	[tilespmem:v7+s28+$0x0] =	vst.idx.add.f32.msk $0xffff, v50  }
0xbd: {  	v15 =	vld [tilespmem:$0x1FF40]  }
0xbe: {  	v8 =	vadd.f32 v8, v44;
	v51 =	vadd.f32 v46, v47;
	v61 =	vor.u32 v13, v52;
	_ =	sdelay $0x1  }
0xbf: {  	v8 =	vadd.f32 v8, v10;
	v10 =	vadd.f32 v51, v43;
	v51 =	vor.u32 v14, v52  }
0xc0: {  	s2 =	sor.u32 s9, s2  }
0xc1: {  	v8 =	vadd.f32 v8, v10;
	v49 =	vld [tilespmem:s2+$0x0];
	v7 =	vmul.f32 v9, v35;
	v10 =	vor.u32 v15, v52  }
0xc2: {  	[tilespmem:v61+s26+$0x0] =	vst.idx.add.f32.msk $0xffff, v35  }
0xc3: {  	[tilespmem:v61+s28+$0x0] =	vst.idx.add.f32.msk $0xffff, v7;
	v7 =	vmul.f32 v9, v34;
	v61 =	vor.u32 v57, v52  }
0xc4: {  	[tilespmem:v51+s26+$0x0] =	vst.idx.add.f32.msk $0xffff, v34  }
0xc5: {  	v47 =	vor.u32 v63, v52;
	[tilespmem:v51+s28+$0x0] =	vst.idx.add.f32.msk $0xffff, v7;
	v7 =	vmul.f32 v9, v33  }
0xc6: {  	[tilespmem:v10+s26+$0x0] =	vst.idx.add.f32.msk $0xffff, v33  }
0xc7: {  	[tilespmem:v10+s28+$0x0] =	vst.idx.add.f32.msk $0xffff, v7;
	v7 =	vmul.f32 v9, v32;
	v10 =	vor.u32 v62, v52  }
0xc8: {  	[tilespmem:v61+s26+$0x0] =	vst.idx.add.f32.msk $0xffff, v32  }
0xc9: {  	v51 =	vor.u32 v29, v52;
	[tilespmem:v61+s28+$0x0] =	vst.idx.add.f32.msk $0xffff, v7;
	v7 =	vmul.f32 v9, v31  }
0xca: {  	[tilespmem:v47+s26+$0x0] =	vst.idx.add.f32.msk $0xffff, v31  }
0xcb: {  	v53 =	vshra.s32 v8, $0x1;
	[tilespmem:v47+s28+$0x0] =	vst.idx.add.f32.msk $0xffff, v7;
	v7 =	vmul.f32 v9, v30  }
0xcc: {  	v35 =	vsub.s32 $0x5F3759DF, v53;
	v53 =	vor.u32 v60, v52;
	[tilespmem:v10+s26+$0x0] =	vst.idx.add.f32.msk $0xffff, v30  }
0xcd: {  	[tilespmem:v10+s28+$0x0] =	vst.idx.add.f32.msk $0xffff, v7;
	v7 =	vmul.f32 v9, v28  }
0xce: {  	v36 =	vmul.f32 $5.000000000e-01, v8;
	v33 =	vshll.u32 v49, $0x7;
	[tilespmem:v51+s26+$0x0] =	vst.idx.add.f32.msk $0xffff, v28  }
0xcf: {  	v18 =	vor.u32 v11, v33;
	[tilespmem:v51+s28+$0x0] =	vst.idx.add.f32.msk $0xffff, v7  }
0xd0: {  	v46 =	vmul.f32 v35, v36;
	v7 =	vmul.f32 v9, v17;
	[tilespmem:$0x1FEE0] =	vst v18  }
0xd1: {  	[tilespmem:v53+s26+$0x0] =	vst.idx.add.f32.msk $0xffff, v17  }
0xd2: {  	v34 =	vmul.f32 v35, v46;
	[tilespmem:v53+s28+$0x0] =	vst.idx.add.f32.msk $0xffff, v7  }
0xd3: {  	v18 =	vld [tilespmem:$0x1FF50]  }
0xd4: {  	v50 =	vsub.f32 $1.500000000e+00, v34;
	v31 =	vshll.u32 v49, $0x8;
	v10 =	vor.u32 v59, v52  }
0xd5: {  	v31 =	vand.u32 $0xFFFFF800, v31;
	v30 =	vand.u32 $0x380, v33  }
0xd6: {  	v32 =	vmul.f32 v35, v50;
	v44 =	vor.u32 v30, v31;
	v31 =	vor.u32 v58, v52;
	_ =	sdelay $0x1  }
0xd7: {  	v61 =	vmul.f32 v32, v36;
	v7 =	vmul.f32 v9, v5;
	v47 =	vor.u32 v18, v52  }
0xd8: {  	[tilespmem:v10+s26+$0x0] =	vst.idx.add.f32.msk $0xffff, v5  }
0xd9: {  	v30 =	vmul.f32 v61, v32;
	v5 =	vmul.f32 v9, v4;
	[tilespmem:v10+s28+$0x0] =	vst.idx.add.f32.msk $0xffff, v7  }
0xda: {  	[tilespmem:v31+s26+$0x0] =	vst.idx.add.f32.msk $0xffff, v4  }
0xdb: {  	v30 =	vsub.f32 $1.500000000e+00, v30;
	v4 =	vmul.f32 v9, v3;
	[tilespmem:v31+s28+$0x0] =	vst.idx.add.f32.msk $0xffff, v5  }
0xdc: {  	[tilespmem:v47+s26+$0x0] =	vst.idx.add.f32.msk $0xffff, v3  }
0xdd: {  	v30 =	vmul.f32 v30, v32;
	[tilespmem:v47+s28+$0x0] =	vst.idx.add.f32.msk $0xffff, v4  }
0xde: {  	v49 =	vor.u32 v12, v44;
	v7 =	vor.u32 v55, v52;
	v12 =	vld [tilespmem:$0x1FF60]  }
0xdf: {  	v17 =	vor.u32 v11, v44;
	v32 =	vmul.f32 v30, v36;
	_ =	sdelay $0x1  }
0xe0: {  	v32 =	vmul.f32 v32, v30;
	v31 =	vor.u32 v56, v52;
	_ =	sdelay $0x1  }
0xe1: {  	v32 =	vsub.f32 $1.500000000e+00, v32;
	v3 =	vmul.f32 v9, v2;
	[tilespmem:v7+s26+$0x0] =	vst.idx.add.f32.msk $0xffff, v2;
	v4 =	vor.u32 v12, v52  }
0xe2: {  	v6 =	vor.u32 v11, v6;
	[tilespmem:v17+s26+$0x0] =	vst.idx.add.f32.msk $0xffff, v41  }
0xe3: {  	v2 =	vmul.f32 v9, v1;
	[tilespmem:v7+s28+$0x0] =	vst.idx.add.f32.msk $0xffff, v3;
	v3 =	vmul.f32 v32, v30  }
0xe4: {  	vm15 =	vgt.f32 v8, $0.0e+00;
	v50 =	vor.u32 v14, v44;
	v61 =	vor.u32 v15, v44;
	[tilespmem:v31+s26+$0x0] =	vst.idx.add.f32.msk $0xffff, v1  }
0xe5: {  	v34 =	vor.u32 v63, v44;
	v1 =	vmul.f32 v9, v0;
	[tilespmem:v31+s28+$0x0] =	vst.idx.add.f32.msk $0xffff, v2;
	v2 =	vnsel vm15, $0x0, v3  }
0xe6: {  	v10 =	vor.u32 v13, v44;
	[tilespmem:v4+s26+$0x0] =	vst.idx.add.f32.msk $0xffff, v0;
	v0 =	vmul.f32 v2, v41  }
0xe7: {  	v35 =	vor.u32 v62, v44;
	v33 =	vor.u32 v60, v44;
	[tilespmem:v4+s28+$0x0] =	vst.idx.add.f32.msk $0xffff, v1  }
0xe8: {  	v53 =	vor.u32 v55, v44;
	v3 =	vmul.f32 v2, v40;
	[tilespmem:v17+s28+$0x0] =	vst.idx.add.f32.msk $0xffff, v0  }
0xe9: {  	v36 =	vor.u32 v29, v44;
	v5 =	vor.u32 v57, v44;
	[tilespmem:v49+s26+$0x0] =	vst.idx.add.f32.msk $0xffff, v40  }
0xea: {  	v32 =	vor.u32 v59, v44;
	v7 =	vmul.f32 v2, v39;
	[tilespmem:v49+s28+$0x0] =	vst.idx.add.f32.msk $0xffff, v3  }
0xeb: {  	v30 =	vor.u32 v18, v44;
	v8 =	vmul.f32 v2, v38;
	[tilespmem:v10+s26+$0x0] =	vst.idx.add.f32.msk $0xffff, v39  }
0xec: {  	v27 =	vmov v19;
	v63 =	vmul.f32 v2, v45;
	v62 =	vmul.f32 v2, v26;
	[tilespmem:v10+s28+$0x0] =	vst.idx.add.f32.msk $0xffff, v7  }
0xed: {  	v43 =	vmov v24;
	v60 =	vmul.f32 v2, v24;
	v47 =	vmul.f32 v2, v37;
	[tilespmem:v50+s26+$0x0] =	vst.idx.add.f32.msk $0xffff, v38  }
0xee: {  	v21 =	vimm.f32 $1.000000000e+00;
	v46 =	vmovc v25;
	v11 =	vmul.f32 v2, v16;
	v52 =	vmul.f32 v2, v25;
	[tilespmem:v50+s28+$0x0] =	vst.idx.add.f32.msk $0xffff, v8  }
0xef: {  	v31 =	vor.u32 v58, v44;
	v1 =	vmul.f32 v2, v22;
	v4 =	vmul.f32 v2, v20;
	[tilespmem:$0x1FEF0] =	vst v54  }
0xf0: {  	v41 =	vmov v23;
	v0 =	vmul.f32 v2, v48;
	v17 =	vmul.f32 v2, v19;
	[tilespmem:v6+s29+$0x0] =	vst.idx.add.f32.msk $0xffff, v21  }
0xf1: {  	v40 =	vmovc v26;
	v3 =	vmul.f32 v2, v23;
	v49 =	vmul.f32 v2, v54;
	v39 =	vmov v20;
	[tilespmem:$0x1FF00] =	vst v16  }
0xf2: {  	s11 =	simm.s32 $0x0;
	s9 =	simm.s32 $0x0;
	s10 =	simm.s32 $0x20;
	v38 =	vmov v37;
	v50 =	vor.u32 v56, v44;
	v44 =	vor.u32 v12, v44;
	[tilespmem:v61+s26+$0x0] =	vst.idx.add.f32.msk $0xffff, v22  }
.LBB2_5:
0xf3: {  	s12 =	sand.u32 $0x60, s10;
	s11 =	sadd.s32 $0x100, s11;
	[tilespmem:v61+s28+$0x0] =	vst.idx.add.f32.msk $0xffff, v1  }
0xf4: {  	s14 =	sand.u32 $0x3C00, s11;
	s13 =	sor.u32 $0x10, s12;
	[tilespmem:v5+s26+$0x0] =	vst.idx.add.f32.msk $0xffff, v48  }
0xf5: {  	s2 =	sor.u32 s13, s14;
	[tilespmem:v5+s28+$0x0] =	vst.idx.add.f32.msk $0xffff, v0  }
0xf6: {  	v61 =	vld [tilespmem:s2+$0x0]  }
0xf7: {  	v5 =	vld [tilespmem:s2+$0x80]  }
0xf8: {  	v2 =	vld [tilespmem:s2+$0x100]  }
0xf9: {  	v0 =	vld [tilespmem:s2+$0x180]  }
0xfa: {  	v1 =	vld [tilespmem:s2+$0x200]  }
0xfb: {  	v57 =	vld [tilespmem:s2+$0x280]  }
0xfc: {  	s8 =	sor.u32 $0x4000, s14;
	v51 =	vld [tilespmem:s2+$0x300]  }
0xfd: {  	s17 =	sor.u32 $0x4080, s14;
	v20 =	vld [tilespmem:s2+$0x380];
	s20 =	sor.u32 s13, s8  }
0xfe: {  	s18 =	sor.u32 $0x4100, s14;
	s21 =	sor.u32 s13, s17;
	v15 =	vld [tilespmem:s20+$0x0]  }
0xff: {  	s19 =	sor.u32 $0x4180, s14;
	s22 =	sor.u32 s13, s18;
	v12 =	vld [tilespmem:s21+$0x0]  }
0x100: {  	s23 =	sor.u32 s13, s19;
	v13 =	vld [tilespmem:s22+$0x0]  }
0x101: {  	s16 =	sor.u32 s12, s8;
	v14 =	vld [tilespmem:s23+$0x0]  }
0x102: {  	[tilespmem:$0x1FE40] =	vst v11;
	s8 =	sor.u32 s12, s17;
	s17 =	sor.u32 s12, s18;
	s18 =	sor.u32 s12, s19;
	v11 =	vld [tilespmem:s16+$0x0]  }
0x103: {  	s15 =	sor.u32 s12, s14;
	s20 =	sor.u32 $0x4200, s14;
	v28 =	vld [tilespmem:s18+$0x0]  }
0x104: {  	s21 =	sor.u32 $0x4280, s14;
	v25 =	vld [tilespmem:s15+$0x380];
	s25 =	sor.u32 s13, s20  }
0x105: {  	s22 =	sor.u32 $0x4300, s14;
	s30 =	sor.u32 s13, s21;
	v16 =	vld [tilespmem:s25+$0x0]  }
0x106: {  	s23 =	sor.u32 $0x4380, s14;
	s3 =	sor.u32 s13, s22;
	v18 =	vld [tilespmem:s30+$0x0];
	v6 =	vmul.f32 v61, v61  }
0x107: {  	v19 =	vld [tilespmem:s3+$0x0];
	s25 =	sor.u32 s13, s23;
	[tilespmem:$0x1FE50] =	vst v20;
	v7 =	vmul.f32 v5, v5;
	v8 =	vmul.f32 v2, v2  }
0x108: {  	v21 =	vld [tilespmem:s25+$0x0];
	v9 =	vmul.f32 v0, v0;
	v10 =	vmul.f32 v1, v1;
	[tilespmem:$0x1FE60] =	vst v15  }
0x109: {  	v29 =	vmul.f32 v57, v57;
	[tilespmem:$0x1FE70] =	vst v12;
	v58 =	vmul.f32 v12, v12;
	v12 =	vld [tilespmem:s8+$0x0]  }
0x10a: {  	s19 =	sor.u32 s12, s20;
	v54 =	vmul.f32 v51, v51;
	[tilespmem:$0x1FE90] =	vst v14;
	v42 =	vmul.f32 v14, v14;
	v14 =	vld [tilespmem:s17+$0x0]  }
0x10b: {  	s20 =	sor.u32 s12, s21;
	v55 =	vmul.f32 v20, v20;
	[tilespmem:$0x1FE80] =	vst v13;
	v56 =	vmul.f32 v15, v15;
	v20 =	vadd.f32 v9, v8;
	v9 =	vld [tilespmem:s19+$0x0]  }
0x10c: {  	v59 =	vmul.f32 v13, v13;
	v10 =	vadd.f32 v29, v10;
	v8 =	vld [tilespmem:s20+$0x0];
	[tilespmem:$0x1FEA0] =	vst v16;
	v15 =	vmul.f32 v16, v16  }
0x10d: {  	v29 =	vadd.f32 v55, v54;
	v54 =	vld [tilespmem:s15+$0x0];
	[tilespmem:$0x1FEB0] =	vst v18;
	v16 =	vmul.f32 v18, v18;
	v18 =	vmul.f32 v19, v19  }
0x10e: {  	s31 =	sor.u32 s12, s22;
	v55 =	vld [tilespmem:s15+$0x80];
	[tilespmem:$0x1FEC0] =	vst v19;
	v19 =	vadd.f32 v7, v6;
	v48 =	vadd.f32 v58, v56;
	v6 =	vmul.f32 v21, v21  }
0x10f: {  	v13 =	vadd.f32 v42, v59;
	v7 =	vld [tilespmem:s31+$0x0];
	[tilespmem:$0x1FED0] =	vst v21;
	v21 =	vmul.f32 v11, v11;
	v15 =	vadd.f32 v16, v15  }
0x110: {  	v56 =	vld [tilespmem:s15+$0x100];
	v19 =	vadd.f32 v20, v19;
	v20 =	vmul.f32 v28, v28;
	v16 =	vadd.f32 v6, v18  }
0x111: {  	v58 =	vld [tilespmem:s15+$0x180];
	v10 =	vadd.f32 v29, v10;
	v37 =	vmul.f32 v12, v12;
	v18 =	vmul.f32 v14, v14  }
0x112: {  	s7 =	sor.u32 s12, s23;
	v59 =	vld [tilespmem:s15+$0x200];
	v13 =	vadd.f32 v13, v48;
	v15 =	vadd.f32 v16, v15  }
0x113: {  	v6 =	vld [tilespmem:s7+$0x0];
	v21 =	vadd.f32 v37, v21;
	v18 =	vadd.f32 v20, v18  }
0x114: {  	v48 =	vld [tilespmem:s15+$0x280];
	v10 =	vadd.f32 v10, v19  }
0x115: {  	v29 =	vmul.f32 v8, v8;
	v13 =	vadd.f32 v15, v13;
	v18 =	vadd.f32 v18, v21;
	v21 =	vld [tilespmem:s15+$0x300]  }
0x116: {  	v42 =	vmul.f32 v54, v54;
	v16 =	vmul.f32 v9, v9;
	[tilespmem:v34+s26+$0x0] =	vst.idx.add.f32.msk $0xffff, v45  }
0x117: {  	v20 =	vmul.f32 v55, v55;
	[tilespmem:v34+s28+$0x0] =	vst.idx.add.f32.msk $0xffff, v63;
	v10 =	vadd.f32 v13, v10  }
0x118: {  	v15 =	vmul.f32 v7, v7;
	v19 =	vmul.f32 v6, v6;
	v34 =	vld [tilespmem:$0x1FF40]  }
0x119: {  	v24 =	vmul.f32 v56, v56;
	[tilespmem:v35+s26+$0x0] =	vst.idx.add.f32.msk $0xffff, v40;
	v22 =	vshra.s32 v10, $0x1;
	v23 =	vmul.f32 $5.000000000e-01, v10  }
0x11a: {  	v13 =	vadd.f32 v20, v42;
	v42 =	vmovc v28;
	v28 =	vld [tilespmem:$0x1FFC0];
	v15 =	vadd.f32 v19, v15;
	v19 =	vsub.s32 $0x5F3759DF, v22  }
0x11b: {  	v16 =	vadd.f32 v29, v16;
	[tilespmem:v35+s28+$0x0] =	vst.idx.add.f32.msk $0xffff, v62;
	v20 =	vmul.f32 v19, v23  }
0x11c: {  	v26 =	vmul.f32 v59, v59;
	[tilespmem:v36+s26+$0x0] =	vst.idx.add.f32.msk $0xffff, v27;
	v22 =	vmul.f32 v58, v58  }
0x11d: {  	v35 =	vld [tilespmem:$0x1FF30];
	v15 =	vadd.f32 v15, v16;
	v16 =	vmul.f32 v48, v48;
	v20 =	vmul.f32 v19, v20  }
0x11e: {  	[tilespmem:v36+s28+$0x0] =	vst.idx.add.f32.msk $0xffff, v17;
	v22 =	vadd.f32 v22, v24;
	v24 =	vmul.f32 v21, v21  }
0x11f: {  	[tilespmem:v33+s26+$0x0] =	vst.idx.add.f32.msk $0xffff, v39;
	v15 =	vadd.f32 v15, v18;
	v18 =	vmul.f32 v25, v25;
	v20 =	vsub.f32 $1.500000000e+00, v20  }
0x120: {  	v29 =	vmov v21;
	v16 =	vadd.f32 v16, v26;
	v21 =	vmov v25;
	v25 =	vld [tilespmem:$0x1FF20]  }
0x121: {  	[tilespmem:v33+s28+$0x0] =	vst.idx.add.f32.msk $0xffff, v4;
	v18 =	vadd.f32 v18, v24;
	v19 =	vmul.f32 v19, v20  }
0x122: {  	[tilespmem:v32+s26+$0x0] =	vst.idx.add.f32.msk $0xffff, v41  }
0x123: {  	v41 =	vld [tilespmem:$0x1FF90];
	v13 =	vadd.f32 v22, v13;
	v22 =	vmovc v11;
	v11 =	vadd.f32 v18, v16;
	v16 =	vmul.f32 v19, v23  }
0x124: {  	s30 =	sshrl.u32 s14, $0x2;
	[tilespmem:v32+s28+$0x0] =	vst.idx.add.f32.msk $0xffff, v3  }
0x125: {  	s2 =	sor.u32 $0x10000, s30;
	v24 =	vld [tilespmem:$0x1FF80];
	v4 =	vadd.f32 v11, v13;
	v11 =	vmul.f32 v16, v19  }
0x126: {  	s31 =	sor.u32 s12, s2;
	[tilespmem:v31+s26+$0x0] =	vst.idx.add.f32.msk $0xffff, v43  }
0x127: {  	s2 =	sor.u32 s13, s2;
	v62 =	vld [tilespmem:s31+$0x0];
	v3 =	vadd.f32 v15, v4;
	v4 =	vsub.f32 $1.500000000e+00, v11  }
0x128: {  	v11 =	vld [tilespmem:s2+$0x0]  }
0x129: {  	[tilespmem:v31+s28+$0x0] =	vst.idx.add.f32.msk $0xffff, v60;
	v15 =	vmul.f32 v4, v19  }
0x12a: {  	[tilespmem:v30+s26+$0x0] =	vst.idx.add.f32.msk $0xffff, v46;
	v32 =	vshra.s32 v3, $0x1;
	v33 =	vmul.f32 $5.000000000e-01, v3  }
0x12b: {  	v46 =	vld [tilespmem:$0x1FE60];
	vm0 =	vgt.f32 v3, $0.0e+00;
	v13 =	vsub.s32 $0x5F3759DF, v32;
	v3 =	vmul.f32 v15, v23  }
0x12c: {  	v20 =	vld [tilespmem:$0x1FFD0];
	v4 =	vmul.f32 v13, v33  }
0x12d: {  	v45 =	vmovc v9;
	[tilespmem:v30+s28+$0x0] =	vst.idx.add.f32.msk $0xffff, v52;
	v16 =	vshll.u32 v11, $0x8;
	v9 =	vmul.f32 v3, v15;
	v3 =	vshll.u32 v11, $0x7  }
0x12e: {  	v26 =	vmovc v8;
	[tilespmem:v53+s26+$0x0] =	vst.idx.add.f32.msk $0xffff, v38;
	v8 =	vmul.f32 v13, v4;
	v4 =	vand.u32 $0xFFFFF800, v16;
	v11 =	vand.u32 $0x380, v3  }
0x12f: {  	v4 =	vor.u32 v11, v4;
	v11 =	vld [tilespmem:$0x1FEF0]  }
0x130: {  	[tilespmem:v53+s28+$0x0] =	vst.idx.add.f32.msk $0xffff, v47  }
0x131: {  	v23 =	vld [tilespmem:$0x1FF10];
	v9 =	vsub.f32 $1.500000000e+00, v9  }
0x132: {  	v19 =	vld [tilespmem:$0x1FE90]  }
0x133: {  	v17 =	vlaneseq.u32;
	v9 =	vmul.f32 v9, v15;
	v15 =	vld [tilespmem:$0x1FF00]  }
0x134: {  	[tilespmem:v50+s26+$0x0] =	vst.idx.add.f32.msk $0xffff, v11;
	v11 =	vor.u32 v17, v4  }
0x135: {  	v53 =	vmovc v7;
	v16 =	vshll.u32 v62, $0x8;
	v7 =	vsub.f32 $1.500000000e+00, v8;
	v8 =	vshll.u32 v62, $0x7;
	v62 =	vld [tilespmem:$0x1FF70]  }
0x136: {  	vm1 =	vgt.f32 v10, $0.0e+00;
	v10 =	vor.u32 v23, v4;
	[tilespmem:v50+s28+$0x0] =	vst.idx.add.f32.msk $0xffff, v49  }
0x137: {  	v38 =	vnsel vm1, $0x0, v9;
	v50 =	vmov v6;
	v6 =	vld [tilespmem:$0x1FE40]  }
0x138: {  	v49 =	vmul.f32 v38, v61;
	[tilespmem:v44+s26+$0x0] =	vst.idx.add.f32.msk $0xffff, v15;
	v15 =	vor.u32 v25, v4  }
0x139: {  	[tilespmem:v11+s26+$0x0] =	vst.idx.add.f32.msk $0xffff, v61  }
0x13a: {  	[tilespmem:v11+s28+$0x0] =	vst.idx.add.f32.msk $0xffff, v49;
	v11 =	vmul.f32 v38, v5  }
0x13b: {  	[tilespmem:v10+s26+$0x0] =	vst.idx.add.f32.msk $0xffff, v5  }
0x13c: {  	v13 =	vmul.f32 v13, v7;
	v5 =	vmul.f32 v38, v2;
	[tilespmem:v10+s28+$0x0] =	vst.idx.add.f32.msk $0xffff, v11  }
0x13d: {  	[tilespmem:v15+s26+$0x0] =	vst.idx.add.f32.msk $0xffff, v2  }
0x13e: {  	v9 =	vmul.f32 v13, v33;
	[tilespmem:v15+s28+$0x0] =	vst.idx.add.f32.msk $0xffff, v5  }
0x13f: {  	v47 =	vand.u32 $0xFFFFF800, v16;
	v16 =	vand.u32 $0x380, v8;
	v52 =	vor.u32 v35, v4;
	v5 =	vld [tilespmem:$0x1FFF0]  }
0x140: {  	[tilespmem:v44+s28+$0x0] =	vst.idx.add.f32.msk $0xffff, v6;
	v6 =	vor.u32 v16, v47;
	v16 =	vmul.f32 v9, v13  }
0x141: {  	v7 =	vld [tilespmem:$0x1FEE0]  }
0x142: {  	v44 =	vld [tilespmem:$0x1FFA0];
	v11 =	vor.u32 v34, v4;
	v16 =	vsub.f32 $1.500000000e+00, v16  }
0x143: {  	v47 =	vld [tilespmem:$0x1FFB0]  }
0x144: {  	v2 =	vmul.f32 v38, v0;
	v13 =	vmul.f32 v16, v13;
	v16 =	vld [tilespmem:$0x1FFE0];
	v15 =	vor.u32 v5, v4  }
0x145: {  	[tilespmem:v52+s26+$0x0] =	vst.idx.add.f32.msk $0xffff, v0  }
0x146: {  	v0 =	vmul.f32 v38, v1;
	[tilespmem:v52+s28+$0x0] =	vst.idx.add.f32.msk $0xffff, v2  }
0x147: {  	[tilespmem:v11+s26+$0x0] =	vst.idx.add.f32.msk $0xffff, v1  }
0x148: {  	[tilespmem:v11+s28+$0x0] =	vst.idx.add.f32.msk $0xffff, v0;
	v0 =	vmul.f32 v38, v57  }
0x149: {  	v2 =	vor.u32 v16, v4;
	[tilespmem:v15+s26+$0x0] =	vst.idx.add.f32.msk $0xffff, v57  }
0x14a: {  	[tilespmem:v15+s28+$0x0] =	vst.idx.add.f32.msk $0xffff, v0  }
0x14b: {  	v63 =	vimm.f32 $1.000000000e+00;
	v1 =	vor.u32 v62, v4;
	v15 =	vld [tilespmem:$0x1FE50]  }
0x14c: {  	[tilespmem:v7+s29+$0x0] =	vst.idx.add.f32.msk $0xffff, v63  }
0x14d: {  	v7 =	vor.u32 v17, v8;
	v8 =	vor.u32 v17, v6;
	v17 =	vld [tilespmem:$0x1FE80];
	v0 =	vmul.f32 v38, v51  }
0x14e: {  	[tilespmem:v2+s26+$0x0] =	vst.idx.add.f32.msk $0xffff, v51  }
0x14f: {  	[tilespmem:v2+s28+$0x0] =	vst.idx.add.f32.msk $0xffff, v0  }
0x150: {  	v63 =	vor.u32 v24, v4;
	[tilespmem:v1+s26+$0x0] =	vst.idx.add.f32.msk $0xffff, v15  }
0x151: {  	v0 =	vmul.f32 v38, v15;
	v15 =	vld [tilespmem:$0x1FE70]  }
0x152: {  	[tilespmem:v8+s26+$0x0] =	vst.idx.add.f32.msk $0xffff, v54;
	v2 =	vor.u32 v41, v4  }
0x153: {  	[tilespmem:$0x1FEE0] =	vst v7;
	v57 =	vld [tilespmem:$0x1FF50]  }
0x154: {  	[tilespmem:v1+s28+$0x0] =	vst.idx.add.f32.msk $0xffff, v0;
	v0 =	vmul.f32 v38, v46;
	v1 =	vor.u32 v44, v4  }
0x155: {  	v60 =	vmul.f32 v13, v33;
	[tilespmem:v63+s26+$0x0] =	vst.idx.add.f32.msk $0xffff, v46  }
0x156: {  	v49 =	vor.u32 v47, v4;
	[tilespmem:v63+s28+$0x0] =	vst.idx.add.f32.msk $0xffff, v0;
	v0 =	vmul.f32 v38, v15  }
0x157: {  	v11 =	vmul.f32 v60, v13;
	[tilespmem:v2+s26+$0x0] =	vst.idx.add.f32.msk $0xffff, v15  }
0x158: {  	[tilespmem:v2+s28+$0x0] =	vst.idx.add.f32.msk $0xffff, v0;
	v0 =	vmul.f32 v38, v17  }
0x159: {  	v11 =	vsub.f32 $1.500000000e+00, v11;
	[tilespmem:v1+s26+$0x0] =	vst.idx.add.f32.msk $0xffff, v17  }
0x15a: {  	v17 =	vmul.f32 v38, v19;
	[tilespmem:v1+s28+$0x0] =	vst.idx.add.f32.msk $0xffff, v0  }
0x15b: {  	v11 =	vmul.f32 v11, v13;
	[tilespmem:v49+s26+$0x0] =	vst.idx.add.f32.msk $0xffff, v19  }
0x15c: {  	v7 =	vor.u32 v23, v6;
	[tilespmem:v49+s28+$0x0] =	vst.idx.add.f32.msk $0xffff, v17  }
0x15d: {  	v11 =	vnsel vm0, $0x0, v11;
	v2 =	vor.u32 v57, v4;
	v17 =	vld [tilespmem:$0x1FEA0]  }
0x15e: {  	v60 =	vld [tilespmem:$0x1FEB0];
	v13 =	vmul.f32 v11, v54  }
0x15f: {  	v51 =	vld [tilespmem:$0x1FF60]  }
0x160: {  	v9 =	vor.u32 v25, v6;
	[tilespmem:v8+s28+$0x0] =	vst.idx.add.f32.msk $0xffff, v13  }
0x161: {  	[tilespmem:v7+s26+$0x0] =	vst.idx.add.f32.msk $0xffff, v55  }
0x162: {  	v40 =	vmov v14;
	v18 =	vor.u32 v28, v4;
	v14 =	vmul.f32 v11, v55;
	[tilespmem:v2+s26+$0x0] =	vst.idx.add.f32.msk $0xffff, v17  }
0x163: {  	v27 =	vmov v22;
	[tilespmem:$0x1FEF0] =	vst v53;
	v52 =	vmul.f32 v38, v17;
	v17 =	vmul.f32 v11, v22;
	v22 =	vld [tilespmem:$0x1FEC0]  }
0x164: {  	[tilespmem:v7+s28+$0x0] =	vst.idx.add.f32.msk $0xffff, v14;
	v19 =	vor.u32 v20, v4  }
0x165: {  	v61 =	vor.u32 v34, v6;
	v36 =	vor.u32 v24, v6;
	[tilespmem:v9+s26+$0x0] =	vst.idx.add.f32.msk $0xffff, v56  }
0x166: {  	v10 =	vor.u32 v35, v6;
	[tilespmem:v2+s28+$0x0] =	vst.idx.add.f32.msk $0xffff, v52;
	v2 =	vmul.f32 v38, v60  }
0x167: {  	v35 =	vor.u32 v62, v6;
	v32 =	vor.u32 v44, v6;
	[tilespmem:v18+s26+$0x0] =	vst.idx.add.f32.msk $0xffff, v60  }
0x168: {  	v31 =	vor.u32 v47, v6;
	[tilespmem:v18+s28+$0x0] =	vst.idx.add.f32.msk $0xffff, v2;
	v2 =	vmul.f32 v38, v22  }
0x169: {  	v33 =	vor.u32 v41, v6;
	v34 =	vor.u32 v16, v6;
	[tilespmem:v19+s26+$0x0] =	vst.idx.add.f32.msk $0xffff, v22  }
0x16a: {  	v16 =	vmul.f32 v11, v58;
	v15 =	vmul.f32 v11, v56;
	[tilespmem:v19+s28+$0x0] =	vst.idx.add.f32.msk $0xffff, v2  }
0x16b: {  	[tilespmem:$0x1FF00] =	vst v50;
	v5 =	vor.u32 v5, v6;
	v62 =	vmul.f32 v11, v21;
	v47 =	vmul.f32 v11, v26;
	v19 =	vld [tilespmem:$0x1FED0]  }
0x16c: {  	v37 =	vmov v12;
	v30 =	vor.u32 v57, v6;
	v12 =	vor.u32 v51, v4;
	[tilespmem:v9+s28+$0x0] =	vst.idx.add.f32.msk $0xffff, v15  }
0x16d: {  	s9 =	sadd.s32 $0x2, s9;
	v43 =	vlaneseq.u32;
	v44 =	vor.u32 v51, v6;
	v63 =	vmul.f32 v11, v29;
	[tilespmem:v10+s26+$0x0] =	vst.idx.add.f32.msk $0xffff, v58  }
0x16e: {  	p0 =	slt.u32 s9, $0x7E;
	v1 =	vmul.f32 v11, v59;
	[tilespmem:v10+s28+$0x0] =	vst.idx.add.f32.msk $0xffff, v16;
	v18 =	vor.u32 v43, v3  }
.Ltmp1:
0x16f: {  	v39 =	vmov v37;
	v0 =	vmul.f32 v11, v48;
	v4 =	vmul.f32 v11, v37;
	[tilespmem:v61+s26+$0x0] =	vst.idx.add.f32.msk $0xffff, v59;
	(pc) =	sbr.rel @p0 .LBB2_5-.Ltmp1, $4  }
0x170: {  	v41 =	vmovc v40;
	v49 =	vmul.f32 v11, v53;
	v53 =	vor.u32 v28, v6;
	v2 =	vmul.f32 v38, v19  }
0x171: {  	v46 =	vmov v45;
	v52 =	vmul.f32 v11, v45;
	v60 =	vmul.f32 v11, v42;
	[tilespmem:v12+s26+$0x0] =	vst.idx.add.f32.msk $0xffff, v19  }
0x172: {  	v45 =	vmovc v29;
	v3 =	vmul.f32 v11, v40;
	v40 =	vmovc v21;
	v43 =	vmov v42;
	[tilespmem:v12+s28+$0x0] =	vst.idx.add.f32.msk $0xffff, v2;
	v2 =	vimm.f32 $1.000000000e+00  }
0x173: {  	s10 =	sadd.s32 $0x20, s10;
	v11 =	vmul.f32 v11, v50;
	v50 =	vor.u32 v20, v6;
	v38 =	vmov v26;
	[tilespmem:v18+s29+$0x0] =	vst.idx.add.f32.msk $0xffff, v2  }
0x174: {  	_ =	sdelay $0x3  }
0x175: {  	[tilespmem:v61+s28+$0x0] =	vst.idx.add.f32.msk $0xffff, v1  }
0x176: {  	[tilespmem:v5+s26+$0x0] =	vst.idx.add.f32.msk $0xffff, v48  }
0x177: {  	[tilespmem:v5+s28+$0x0] =	vst.idx.add.f32.msk $0xffff, v0  }
0x178: {  	[tilespmem:v34+s26+$0x0] =	vst.idx.add.f32.msk $0xffff, v45  }
0x179: {  	[tilespmem:v34+s28+$0x0] =	vst.idx.add.f32.msk $0xffff, v63  }
0x17a: {  	[tilespmem:v35+s26+$0x0] =	vst.idx.add.f32.msk $0xffff, v40  }
0x17b: {  	[tilespmem:v35+s28+$0x0] =	vst.idx.add.f32.msk $0xffff, v62  }
0x17c: {  	[tilespmem:v36+s26+$0x0] =	vst.idx.add.f32.msk $0xffff, v27  }
0x17d: {  	[tilespmem:v36+s28+$0x0] =	vst.idx.add.f32.msk $0xffff, v17  }
0x17e: {  	[tilespmem:v33+s26+$0x0] =	vst.idx.add.f32.msk $0xffff, v39  }
0x17f: {  	[tilespmem:v33+s28+$0x0] =	vst.idx.add.f32.msk $0xffff, v4  }
0x180: {  	[tilespmem:v32+s26+$0x0] =	vst.idx.add.f32.msk $0xffff, v41  }
0x181: {  	[tilespmem:v32+s28+$0x0] =	vst.idx.add.f32.msk $0xffff, v3  }
0x182: {  	[tilespmem:v31+s26+$0x0] =	vst.idx.add.f32.msk $0xffff, v43  }
0x183: {  	[tilespmem:v31+s28+$0x0] =	vst.idx.add.f32.msk $0xffff, v60  }
0x184: {  	[tilespmem:v30+s26+$0x0] =	vst.idx.add.f32.msk $0xffff, v46  }
0x185: {  	[tilespmem:v30+s28+$0x0] =	vst.idx.add.f32.msk $0xffff, v52  }
0x186: {  	[tilespmem:v53+s26+$0x0] =	vst.idx.add.f32.msk $0xffff, v38  }
0x187: {  	[tilespmem:v53+s28+$0x0] =	vst.idx.add.f32.msk $0xffff, v47  }
0x188: {  	v0 =	vld [tilespmem:$0x1FEF0];
	_ =	sdelay $0x4  }
0x189: {  	[tilespmem:v50+s26+$0x0] =	vst.idx.add.f32.msk $0xffff, v0  }
0x18a: {  	[tilespmem:v50+s28+$0x0] =	vst.idx.add.f32.msk $0xffff, v49  }
0x18b: {  	v0 =	vld [tilespmem:$0x1FF00];
	_ =	sdelay $0x4  }
0x18c: {  	[tilespmem:v44+s26+$0x0] =	vst.idx.add.f32.msk $0xffff, v0  }
0x18d: {  	s2 =	rddreg [dreg:$0x6];
	[tilespmem:v44+s28+$0x0] =	vst.idx.add.f32.msk $0xffff, v11  }
0x18e: {  	v0 =	vld [tilespmem:$0x1FEE0];
	_ =	sdelay $0x4  }
0x18f: {  	p0 =	seq.s32 s1, $0x7  }
0x190: {  	s2 =	sadd.s32 @!p0 s6, s2  }
0x191: {  	s8 =	simm.s32 @!p0 $0x4000;
	s6 =	sadd.s32 @!p0 s2, s5;
	s2 =	sadd.s32 @!p0 s4, s2  }
0x192: {  	s9 =	simm.s32 @!p0 $0x400000;
	s10 =	simm.s32 @!p0 $0x0;
	s2 =	sshrl.u32 @!p0 s2, $0x3;
	[tilespmem:v0+s29+$0x0] =	vst.idx.add.f32.msk $0xffff, v2  }
0x193: {  	[tilespmem:s10], [sflag:$0x1] =	stream.strided.gather @!p0 [hbm4b:s6+s8], $0x8000, s9, s8, $0x38;
	[tilespmem:$0x12400] =	vst v63  }
0x194: {  	s2 =	sadd.s32 @!p0 s24, s2;
	s6 =	simm.s32 @!p0 $0x10000  }
0x195: {  	[tilespmem:s6], [sflag:$0x3] =	stream.linear.gather @!p0 [hbm4b:s2+s10], $0x80, $0x38;
	[tilespmem:$0x12400] =	vst v63  }
0x196: {  	s8 =	simm.s32 @!p0 $0x10100;
	s6 =	sadd.s32 @!p0 $0x10, s2  }
0x197: {  	[tilespmem:s8], [sflag:$0x3] =	stream.linear.gather @!p0 [hbm4b:s6+s10], $0x80, $0x38;
	[tilespmem:$0x12400] =	vst v63  }
0x198: {  	s6 =	sadd.s32 @!p0 $0x20, s2;
	s8 =	simm.s32 @!p0 $0x10200  }
0x199: {  	[tilespmem:s8], [sflag:$0x3] =	stream.linear.gather @!p0 [hbm4b:s6+s10], $0x80, $0x38;
	[tilespmem:$0x12400] =	vst v63  }
0x19a: {  	s6 =	sadd.s32 @!p0 $0x30, s2;
	s8 =	simm.s32 @!p0 $0x10300  }
0x19b: {  	[tilespmem:s8], [sflag:$0x3] =	stream.linear.gather @!p0 [hbm4b:s6+s10], $0x80, $0x38;
	[tilespmem:$0x12400] =	vst v63  }
0x19c: {  	s6 =	sadd.s32 @!p0 $0x40, s2;
	s8 =	simm.s32 @!p0 $0x10400  }
0x19d: {  	[tilespmem:s8], [sflag:$0x3] =	stream.linear.gather @!p0 [hbm4b:s6+s10], $0x80, $0x38;
	[tilespmem:$0x12400] =	vst v63  }
0x19e: {  	s6 =	sadd.s32 @!p0 $0x50, s2;
	s8 =	simm.s32 @!p0 $0x10500  }
0x19f: {  	[tilespmem:s8], [sflag:$0x3] =	stream.linear.gather @!p0 [hbm4b:s6+s10], $0x80, $0x38;
	[tilespmem:$0x12400] =	vst v63  }
0x1a0: {  	s6 =	sadd.s32 @!p0 $0x60, s2;
	s8 =	simm.s32 @!p0 $0x10600  }
0x1a1: {  	[tilespmem:s8], [sflag:$0x3] =	stream.linear.gather @!p0 [hbm4b:s6+s10], $0x80, $0x38;
	[tilespmem:$0x12400] =	vst v63  }
0x1a2: {  	s6 =	sadd.s32 @!p0 $0x70, s2;
	s8 =	simm.s32 @!p0 $0x10700  }
0x1a3: {  	[tilespmem:s8], [sflag:$0x3] =	stream.linear.gather @!p0 [hbm4b:s6+s10], $0x80, $0x38;
	[tilespmem:$0x12400] =	vst v63  }
0x1a4: {  	s6 =	sadd.s32 @!p0 $0x80, s2;
	s8 =	simm.s32 @!p0 $0x10800  }
0x1a5: {  	[tilespmem:s8], [sflag:$0x3] =	stream.linear.gather @!p0 [hbm4b:s6+s10], $0x80, $0x38;
	[tilespmem:$0x12400] =	vst v63  }
0x1a6: {  	s6 =	sadd.s32 @!p0 $0x90, s2;
	s8 =	simm.s32 @!p0 $0x10900  }
0x1a7: {  	[tilespmem:s8], [sflag:$0x3] =	stream.linear.gather @!p0 [hbm4b:s6+s10], $0x80, $0x38;
	[tilespmem:$0x12400] =	vst v63  }
0x1a8: {  	s6 =	sadd.s32 @!p0 $0xA0, s2;
	s8 =	simm.s32 @!p0 $0x10A00  }
0x1a9: {  	[tilespmem:s8], [sflag:$0x3] =	stream.linear.gather @!p0 [hbm4b:s6+s10], $0x80, $0x38;
	[tilespmem:$0x12400] =	vst v63  }
0x1aa: {  	s6 =	sadd.s32 @!p0 $0xB0, s2;
	s8 =	simm.s32 @!p0 $0x10B00  }
0x1ab: {  	[tilespmem:s8], [sflag:$0x3] =	stream.linear.gather @!p0 [hbm4b:s6+s10], $0x80, $0x38;
	[tilespmem:$0x12400] =	vst v63  }
0x1ac: {  	s6 =	sadd.s32 @!p0 $0xC0, s2;
	s8 =	simm.s32 @!p0 $0x10C00  }
0x1ad: {  	[tilespmem:s8], [sflag:$0x3] =	stream.linear.gather @!p0 [hbm4b:s6+s10], $0x80, $0x38;
	[tilespmem:$0x12400] =	vst v63  }
0x1ae: {  	s6 =	sadd.s32 @!p0 $0xD0, s2;
	s8 =	simm.s32 @!p0 $0x10D00  }
0x1af: {  	[tilespmem:s8], [sflag:$0x3] =	stream.linear.gather @!p0 [hbm4b:s6+s10], $0x80, $0x38;
	[tilespmem:$0x12400] =	vst v63  }
0x1b0: {  	s6 =	sadd.s32 @!p0 $0xE0, s2;
	s8 =	simm.s32 @!p0 $0x10E00  }
0x1b1: {  	[tilespmem:s8], [sflag:$0x3] =	stream.linear.gather @!p0 [hbm4b:s6+s10], $0x80, $0x38;
	[tilespmem:$0x12400] =	vst v63  }
0x1b2: {  	s20 =	simm.s32 $0x2;
	s2 =	sadd.s32 @!p0 $0xF0, s2;
	s6 =	simm.s32 @!p0 $0x10F00  }
0x1b3: {  	[tilespmem:s6], [sflag:$0x3] =	stream.linear.gather @!p0 [hbm4b:s2+s10], $0x80, $0x38;
	[tilespmem:$0x12400] =	vst v63  }
0x1b4: {  	_ =	swait.ge [sflag:s20], $0x8000  }
0x1b5: {  	[sflag:s20] =	ssyncset.done $0x0  }
0x1b6: {  	s21 =	simm.s32 $0x0;
	s3 =	simm.s32 $0x4;
	[sflag:s20] =	ssyncadd.s32 $0xFFFF8000  }
0x1b7: {  	s6 =	sand.u32 $0x60, s21;
	s10 =	sand.u32 $0x3C00, s21;
	_ =	swait.ge [sflag:s3], $0x800  }
0x1b8: {  	s16 =	sor.u32 $0x8000, s10;
	s9 =	sor.u32 $0x10, s6;
	[sflag:s3] =	ssyncset.done $0x0  }
0x1b9: {  	s13 =	sor.u32 $0x8080, s10;
	s22 =	sor.u32 s9, s16;
	[sflag:s3] =	ssyncadd.s32 $0xFFFFF800  }
0x1ba: {  	s2 =	sor.u32 $0x8100, s10;
	s11 =	sor.u32 s9, s13;
	v42 =	vld [tilespmem:s22+$0x0]  }
0x1bb: {  	s5 =	smov.u32 s4;
	s8 =	sor.u32 $0x8180, s10;
	s23 =	sor.u32 s9, s2;
	v36 =	vld [tilespmem:s11+$0x0]  }
0x1bc: {  	s4 =	smov.u32 s24;
	s14 =	sor.u32 $0x8200, s10;
	s24 =	sor.u32 s9, s8;
	v35 =	vld [tilespmem:s23+$0x0]  }
0x1bd: {  	s15 =	sor.u32 $0x8280, s10;
	s25 =	sor.u32 s9, s14;
	v34 =	vld [tilespmem:s24+$0x0]  }
0x1be: {  	s17 =	sor.u32 $0x8300, s10;
	s30 =	sor.u32 s9, s15;
	v33 =	vld [tilespmem:s25+$0x0]  }
0x1bf: {  	s18 =	sor.u32 $0x8380, s10;
	s31 =	sor.u32 s9, s17;
	v32 =	vld [tilespmem:s30+$0x0]  }
0x1c0: {  	s20 =	sor.u32 $0xC000, s10;
	s3 =	sor.u32 s9, s18;
	v31 =	vld [tilespmem:s31+$0x0]  }
0x1c1: {  	s21 =	sor.u32 $0xC080, s10;
	s7 =	sor.u32 s9, s20;
	v30 =	vld [tilespmem:s3+$0x0]  }
0x1c2: {  	s12 =	sor.u32 s9, s21;
	s22 =	sor.u32 $0xC100, s10;
	v28 =	vld [tilespmem:s7+$0x0]  }
0x1c3: {  	s23 =	sor.u32 $0xC180, s10;
	v3 =	vld [tilespmem:s12+$0x0];
	s19 =	sor.u32 s9, s22  }
0x1c4: {  	s24 =	sor.u32 $0xC200, s10;
	s25 =	sor.u32 s9, s23;
	v17 =	vld [tilespmem:s19+$0x0]  }
0x1c5: {  	s30 =	sor.u32 $0xC300, s10;
	s12 =	sor.u32 s9, s24;
	v5 =	vld [tilespmem:s25+$0x0]  }
0x1c6: {  	s31 =	sor.u32 $0xC380, s10;
	s3 =	sor.u32 s9, s30;
	v4 =	vld [tilespmem:s12+$0x0];
	v6 =	vmul.f32 v42, v42;
	v7 =	vmul.f32 v36, v36  }
0x1c7: {  	s7 =	sor.u32 s9, s31;
	s19 =	sor.u32 $0xC280, s10;
	v1 =	vld [tilespmem:s3+$0x0];
	v8 =	vmul.f32 v35, v35;
	v9 =	vmul.f32 v34, v34  }
0x1c8: {  	v0 =	vld [tilespmem:s7+$0x0];
	s25 =	sor.u32 s9, s19;
	v10 =	vmul.f32 v33, v33;
	v45 =	vmul.f32 v32, v32  }
0x1c9: {  	v2 =	vld [tilespmem:s25+$0x0];
	v12 =	vmul.f32 v31, v31;
	v13 =	vmul.f32 v30, v30  }
0x1ca: {  	v14 =	vmul.f32 v28, v28;
	v15 =	vmul.f32 v3, v3  }
0x1cb: {  	v16 =	vmul.f32 v17, v17;
	v18 =	vmul.f32 v5, v5  }
0x1cc: {  	v19 =	vmul.f32 v4, v4;
	v21 =	vmul.f32 v1, v1  }
0x1cd: {  	v6 =	vadd.f32 v7, v6;
	v7 =	vadd.f32 v9, v8;
	v46 =	vmul.f32 v0, v0  }
0x1ce: {  	v47 =	vadd.f32 v45, v10;
	v52 =	vadd.f32 v13, v12;
	v20 =	vmul.f32 v2, v2  }
0x1cf: {  	v53 =	vadd.f32 v15, v14;
	v12 =	vadd.f32 v18, v16  }
0x1d0: {  	v8 =	vadd.f32 v46, v21;
	v13 =	vadd.f32 v20, v19  }
0x1d1: {  	v6 =	vadd.f32 v7, v6;
	v7 =	vadd.f32 v52, v47  }
0x1d2: {  	v54 =	vadd.f32 v12, v53;
	v8 =	vadd.f32 v8, v13;
	_ =	sdelay $0x1  }
0x1d3: {  	v6 =	vadd.f32 v7, v6;
	v7 =	vadd.f32 v8, v54;
	_ =	sdelay $0x1  }
0x1d4: {  	v7 =	vadd.f32 v7, v6;
	_ =	sdelay $0x1  }
0x1d5: {  	v6 =	vshra.s32 v7, $0x1;
	v8 =	vmul.f32 $5.000000000e-01, v7  }
0x1d6: {  	v6 =	vsub.s32 $0x5F3759DF, v6  }
0x1d7: {  	s16 =	sor.u32 s6, s16;
	v55 =	vmul.f32 v6, v8  }
0x1d8: {  	s13 =	sor.u32 s6, s13;
	v41 =	vld [tilespmem:s16+$0x0]  }
0x1d9: {  	s2 =	sor.u32 s6, s2;
	v40 =	vld [tilespmem:s13+$0x0];
	v9 =	vmul.f32 v6, v55  }
0x1da: {  	s8 =	sor.u32 s6, s8;
	v38 =	vld [tilespmem:s2+$0x0]  }
0x1db: {  	v37 =	vld [tilespmem:s8+$0x0];
	s13 =	sor.u32 s6, s14;
	v9 =	vsub.f32 $1.500000000e+00, v9  }
0x1dc: {  	s14 =	sor.u32 s6, s15;
	v39 =	vld [tilespmem:s13+$0x0]  }
0x1dd: {  	s16 =	sor.u32 s6, s18;
	s18 =	sor.u32 s6, s21;
	v61 =	vld [tilespmem:s14+$0x0];
	v6 =	vmul.f32 v6, v9  }
0x1de: {  	s15 =	sor.u32 s6, s17;
	s17 =	sor.u32 s6, s20;
	v49 =	vld [tilespmem:s18+$0x0];
	s20 =	sor.u32 s6, s22  }
0x1df: {  	s21 =	sor.u32 s6, s23;
	s23 =	sshrl.u32 s10, $0x2;
	v50 =	vld [tilespmem:s20+$0x0];
	v9 =	vmul.f32 v6, v8  }
0x1e0: {  	s25 =	sor.u32 $0x10000, s23;
	v21 =	vld [tilespmem:s15+$0x0]  }
0x1e1: {  	s8 =	sor.u32 s9, s25;
	v52 =	vld [tilespmem:s16+$0x0];
	v9 =	vmul.f32 v9, v6  }
0x1e2: {  	v56 =	vmul.f32 v41, v41;
	v58 =	vmul.f32 v40, v40;
	v16 =	vld [tilespmem:s8+$0x80]  }
0x1e3: {  	v14 =	vmul.f32 v39, v39;
	v15 =	vmul.f32 v61, v61;
	v53 =	vld [tilespmem:s21+$0x0];
	v9 =	vsub.f32 $1.500000000e+00, v9  }
0x1e4: {  	v10 =	vadd.f32 v58, v56;
	v12 =	vmul.f32 v38, v38;
	v13 =	vmul.f32 v37, v37  }
0x1e5: {  	v44 =	vmul.f32 v50, v50;
	v14 =	vadd.f32 v15, v14;
	v54 =	vld [tilespmem:s17+$0x0];
	v9 =	vmul.f32 v9, v6  }
0x1e6: {  	v15 =	vmul.f32 v49, v49;
	v59 =	vmul.f32 v21, v21;
	v12 =	vadd.f32 v13, v12  }
0x1e7: {  	v60 =	vmul.f32 v52, v52;
	v58 =	vshll.u32 v16, $0x8;
	v6 =	vmul.f32 v9, v8  }
0x1e8: {  	v46 =	vand.u32 $0xFFFFF800, v58;
	v10 =	vadd.f32 v12, v10;
	v12 =	vmul.f32 v53, v53  }
0x1e9: {  	s30 =	sor.u32 s6, s30;
	v62 =	vadd.f32 v60, v59;
	v56 =	vmul.f32 v6, v9;
	v6 =	vshll.u32 v16, $0x7  }
0x1ea: {  	s22 =	sor.u32 s6, s24;
	v27 =	vld [tilespmem:s30+$0x0];
	s24 =	sor.u32 s6, s19;
	v12 =	vadd.f32 v12, v44;
	v13 =	vmul.f32 v54, v54;
	v59 =	vand.u32 $0x380, v6  }
0x1eb: {  	v22 =	vld [tilespmem:s24+$0x0];
	v44 =	vlaneseq.u32;
	v46 =	vor.u32 v59, v46;
	v45 =	vsub.f32 $1.500000000e+00, v56  }
0x1ec: {  	s31 =	sor.u32 s6, s31;
	v18 =	vld [tilespmem:s22+$0x0];
	v13 =	vadd.f32 v15, v13;
	v15 =	vor.u32 v44, v46  }
0x1ed: {  	v29 =	vld [tilespmem:s31+$0x0];
	v9 =	vmul.f32 v45, v9  }
0x1ee: {  	vm0 =	vgt.f32 v7, $0.0e+00  }
0x1ef: {  	v7 =	vor.u32 v23, v46;
	v9 =	vnsel vm0, $0x0, v9  }
0x1f0: {  	v12 =	vadd.f32 v12, v13;
	v13 =	vmul.f32 v9, v42  }
0x1f1: {  	v63 =	vmul.f32 v18, v18;
	v55 =	vmul.f32 v22, v22;
	[tilespmem:v15+s26+$0x0] =	vst.idx.add.f32.msk $0xffff, v42  }
0x1f2: {  	v60 =	vmul.f32 v29, v29;
	v16 =	vmul.f32 v27, v27;
	[tilespmem:v15+s28+$0x0] =	vst.idx.add.f32.msk $0xffff, v13  }
0x1f3: {  	v11 =	vadd.f32 v55, v63;
	v63 =	vmul.f32 v9, v36;
	v45 =	vld [tilespmem:$0x1FF30]  }
0x1f4: {  	v16 =	vadd.f32 v60, v16;
	[tilespmem:v7+s26+$0x0] =	vst.idx.add.f32.msk $0xffff, v36  }
0x1f5: {  	v8 =	vadd.f32 v62, v14;
	v14 =	vor.u32 v25, v46;
	[tilespmem:v7+s28+$0x0] =	vst.idx.add.f32.msk $0xffff, v63  }
0x1f6: {  	v11 =	vadd.f32 v16, v11;
	v26 =	vld [tilespmem:$0x1FF40];
	_ =	sdelay $0x1  }
0x1f7: {  	v62 =	vadd.f32 v11, v12;
	v12 =	vor.u32 v45, v46  }
0x1f8: {  	v7 =	vmul.f32 v9, v35  }
0x1f9: {  	[tilespmem:v14+s26+$0x0] =	vst.idx.add.f32.msk $0xffff, v35  }
0x1fa: {  	[tilespmem:v14+s28+$0x0] =	vst.idx.add.f32.msk $0xffff, v7;
	v63 =	vor.u32 v26, v46  }
0x1fb: {  	v7 =	vmul.f32 v9, v34;
	v20 =	vld [tilespmem:$0x1FFF0]  }
0x1fc: {  	[tilespmem:v12+s26+$0x0] =	vst.idx.add.f32.msk $0xffff, v34  }
0x1fd: {  	[tilespmem:v12+s28+$0x0] =	vst.idx.add.f32.msk $0xffff, v7  }
0x1fe: {  	v7 =	vmul.f32 v9, v33;
	v19 =	vld [tilespmem:$0x1FFE0]  }
0x1ff: {  	[tilespmem:v63+s26+$0x0] =	vst.idx.add.f32.msk $0xffff, v33  }
0x200: {  	[tilespmem:v63+s28+$0x0] =	vst.idx.add.f32.msk $0xffff, v7  }
0x201: {  	v14 =	vor.u32 v20, v46;
	v36 =	vld [tilespmem:$0x1FF70];
	_ =	sdelay $0x1  }
0x202: {  	v12 =	vor.u32 v19, v46  }
0x203: {  	s2 =	sor.u32 s6, s25  }
0x204: {  	v8 =	vadd.f32 v8, v10;
	v16 =	vld [tilespmem:s2+$0x80];
	v7 =	vmul.f32 v9, v32  }
0x205: {  	[tilespmem:v14+s26+$0x0] =	vst.idx.add.f32.msk $0xffff, v32;
	v47 =	vor.u32 v36, v46  }
0x206: {  	v8 =	vadd.f32 v62, v8;
	[tilespmem:v14+s28+$0x0] =	vst.idx.add.f32.msk $0xffff, v7;
	v7 =	vmul.f32 v9, v31  }
0x207: {  	[tilespmem:v12+s26+$0x0] =	vst.idx.add.f32.msk $0xffff, v31  }
0x208: {  	v13 =	vmul.f32 $5.000000000e-01, v8;
	v35 =	vshra.s32 v8, $0x1;
	v14 =	vor.u32 v24, v46;
	[tilespmem:v12+s28+$0x0] =	vst.idx.add.f32.msk $0xffff, v7  }
0x209: {  	v11 =	vsub.s32 $0x5F3759DF, v35;
	v7 =	vmul.f32 v9, v30;
	v60 =	vld [tilespmem:$0x1FF90]  }
0x20a: {  	v15 =	vmul.f32 v11, v13;
	[tilespmem:v47+s26+$0x0] =	vst.idx.add.f32.msk $0xffff, v30  }
0x20b: {  	[tilespmem:v47+s28+$0x0] =	vst.idx.add.f32.msk $0xffff, v7  }
0x20c: {  	v15 =	vmul.f32 v11, v15;
	v7 =	vmul.f32 v9, v28;
	v59 =	vld [tilespmem:$0x1FFA0]  }
0x20d: {  	[tilespmem:v14+s26+$0x0] =	vst.idx.add.f32.msk $0xffff, v28  }
0x20e: {  	v15 =	vsub.f32 $1.500000000e+00, v15;
	[tilespmem:v14+s28+$0x0] =	vst.idx.add.f32.msk $0xffff, v7  }
0x20f: {  	v58 =	vld [tilespmem:$0x1FFB0];
	v12 =	vor.u32 v60, v46  }
0x210: {  	v11 =	vmul.f32 v11, v15;
	v15 =	vshll.u32 v16, $0x8  }
0x211: {  	v16 =	vshll.u32 v16, $0x7;
	v15 =	vand.u32 $0xFFFFF800, v15;
	v55 =	vor.u32 v59, v46  }
0x212: {  	v31 =	vmul.f32 v11, v13;
	v30 =	vand.u32 $0x380, v16;
	v16 =	vor.u32 v44, v16  }
0x213: {  	v15 =	vor.u32 v30, v15;
	v7 =	vmul.f32 v9, v3;
	[tilespmem:$0x1FE20] =	vst v16  }
0x214: {  	v30 =	vmul.f32 v31, v11;
	v14 =	vor.u32 v58, v46;
	[tilespmem:v12+s26+$0x0] =	vst.idx.add.f32.msk $0xffff, v3  }
0x215: {  	[tilespmem:v12+s28+$0x0] =	vst.idx.add.f32.msk $0xffff, v7;
	v7 =	vmul.f32 v9, v17  }
0x216: {  	v3 =	vsub.f32 $1.500000000e+00, v30;
	[tilespmem:v55+s26+$0x0] =	vst.idx.add.f32.msk $0xffff, v17  }
0x217: {  	[tilespmem:v55+s28+$0x0] =	vst.idx.add.f32.msk $0xffff, v7  }
0x218: {  	v11 =	vmul.f32 v3, v11;
	v3 =	vmul.f32 v9, v5;
	v55 =	vld [tilespmem:$0x1FFC0]  }
0x219: {  	[tilespmem:v14+s26+$0x0] =	vst.idx.add.f32.msk $0xffff, v5  }
0x21a: {  	[tilespmem:v14+s28+$0x0] =	vst.idx.add.f32.msk $0xffff, v3  }
0x21b: {  	v12 =	vor.u32 v57, v46;
	v56 =	vld [tilespmem:$0x1FFD0]  }
0x21c: {  	v16 =	vor.u32 v44, v15;
	_ =	sdelay $0x1  }
0x21d: {  	v13 =	vmul.f32 v11, v13;
	v7 =	vor.u32 v55, v46  }
0x21e: {  	v6 =	vor.u32 v44, v6;
	v3 =	vmul.f32 v9, v4  }
0x21f: {  	v13 =	vmul.f32 v13, v11;
	[tilespmem:v12+s26+$0x0] =	vst.idx.add.f32.msk $0xffff, v4;
	v5 =	vor.u32 v56, v46  }
0x220: {  	v63 =	vor.u32 v23, v15;
	v10 =	vor.u32 v25, v15;
	[tilespmem:v16+s26+$0x0] =	vst.idx.add.f32.msk $0xffff, v41  }
0x221: {  	v17 =	vor.u32 v51, v46;
	[tilespmem:v12+s28+$0x0] =	vst.idx.add.f32.msk $0xffff, v3;
	v12 =	vmul.f32 v9, v2;
	v13 =	vsub.f32 $1.500000000e+00, v13  }
0x222: {  	v34 =	vor.u32 v19, v15;
	v35 =	vor.u32 v36, v15;
	[tilespmem:v7+s26+$0x0] =	vst.idx.add.f32.msk $0xffff, v2  }
0x223: {  	v2 =	vmul.f32 v9, v1;
	[tilespmem:v7+s28+$0x0] =	vst.idx.add.f32.msk $0xffff, v12;
	v7 =	vmul.f32 v13, v11  }
0x224: {  	vm15 =	vgt.f32 v8, $0.0e+00;
	v36 =	vor.u32 v24, v15;
	v33 =	vor.u32 v60, v15;
	[tilespmem:v5+s26+$0x0] =	vst.idx.add.f32.msk $0xffff, v1  }
0x225: {  	v32 =	vor.u32 v59, v15;
	v1 =	vmul.f32 v9, v0;
	[tilespmem:v5+s28+$0x0] =	vst.idx.add.f32.msk $0xffff, v2;
	v7 =	vnsel vm15, $0x0, v7  }
0x226: {  	v31 =	vor.u32 v58, v15;
	[tilespmem:v17+s26+$0x0] =	vst.idx.add.f32.msk $0xffff, v0;
	v0 =	vmul.f32 v7, v41  }
0x227: {  	v42 =	vmov v52;
	v30 =	vor.u32 v57, v15;
	v14 =	vor.u32 v45, v15;
	[tilespmem:v17+s28+$0x0] =	vst.idx.add.f32.msk $0xffff, v1  }
0x228: {  	v48 =	vimm.f32 $1.000000000e+00;
	v28 =	vmovc v22;
	v4 =	vor.u32 v20, v15;
	v3 =	vor.u32 v26, v15;
	[tilespmem:v16+s28+$0x0] =	vst.idx.add.f32.msk $0xffff, v0  }
0x229: {  	v44 =	vmov v53;
	v47 =	vor.u32 v56, v15;
	v2 =	vmul.f32 v7, v40;
	[tilespmem:v6+s29+$0x0] =	vst.idx.add.f32.msk $0xffff, v48  }
0x22a: {  	v59 =	vmov v61;
	v57 =	vmul.f32 v7, v38;
	v58 =	vmul.f32 v7, v37;
	[tilespmem:v63+s26+$0x0] =	vst.idx.add.f32.msk $0xffff, v40  }
0x22b: {  	v46 =	vmov v27;
	v5 =	vmul.f32 v7, v21;
	v43 =	vmul.f32 v7, v18;
	[tilespmem:v63+s28+$0x0] =	vst.idx.add.f32.msk $0xffff, v2  }
0x22c: {  	v25 =	vmov v59;
	v26 =	vmul.f32 v7, v22;
	v20 =	vmul.f32 v7, v46;
	[tilespmem:v10+s26+$0x0] =	vst.idx.add.f32.msk $0xffff, v38  }
0x22d: {  	v45 =	vmov v18;
	v12 =	vmul.f32 v7, v29;
	v17 =	vmul.f32 v7, v39;
	[tilespmem:v10+s28+$0x0] =	vst.idx.add.f32.msk $0xffff, v57  }
0x22e: {  	v27 =	vmov v21;
	v1 =	vmul.f32 v7, v61;
	v61 =	vmul.f32 v7, v50;
	[tilespmem:v14+s26+$0x0] =	vst.idx.add.f32.msk $0xffff, v37  }
0x22f: {  	v0 =	vmul.f32 v7, v54;
	v6 =	vmov v51;
	v51 =	vor.u32 v55, v15;
	[tilespmem:v14+s28+$0x0] =	vst.idx.add.f32.msk $0xffff, v58  }
0x230: {  	v41 =	vmovc v54;
	v40 =	vmov v50;
	v50 =	vmul.f32 v7, v53;
	v2 =	vmul.f32 v7, v52;
	[tilespmem:$0x1FE30] =	vst v29  }
0x231: {  	s10 =	simm.s32 $0x100;
	s6 =	simm.s32 $0x0;
	s9 =	simm.s32 $0x20;
	v63 =	vmul.f32 v7, v49;
	v38 =	vmov v49;
	[tilespmem:v3+s26+$0x0] =	vst.idx.add.f32.msk $0xffff, v39;
	v39 =	vor.u32 v6, v15  }
.LBB2_7:
0x232: {  	s11 =	sand.u32 $0x60, s9;
	s13 =	sand.u32 $0x3C00, s10;
	[tilespmem:v3+s28+$0x0] =	vst.idx.add.f32.msk $0xffff, v17  }
0x233: {  	s2 =	sor.u32 $0x8000, s13;
	s12 =	sor.u32 $0x10, s11;
	[tilespmem:v4+s26+$0x0] =	vst.idx.add.f32.msk $0xffff, v25  }
0x234: {  	s8 =	sor.u32 $0x8080, s13;
	s14 =	sor.u32 s11, s2;
	s2 =	sor.u32 s12, s2;
	[tilespmem:v4+s28+$0x0] =	vst.idx.add.f32.msk $0xffff, v1  }
0x235: {  	s17 =	sor.u32 $0x8100, s13;
	s23 =	sor.u32 $0x8180, s13;
	s22 =	sor.u32 s12, s8;
	v4 =	vld [tilespmem:s2+$0x0]  }
0x236: {  	s25 =	sor.u32 $0x8200, s13;
	s3 =	sor.u32 $0x8280, s13;
	s24 =	sor.u32 s12, s17;
	v3 =	vld [tilespmem:s22+$0x0]  }
0x237: {  	s19 =	sor.u32 $0x8300, s13;
	s20 =	sor.u32 $0x8380, s13;
	s31 =	sor.u32 s12, s23;
	v17 =	vld [tilespmem:s24+$0x0]  }
0x238: {  	s21 =	sor.u32 $0xC000, s13;
	s15 =	sor.u32 s11, s8;
	s7 =	sor.u32 s12, s25;
	v1 =	vld [tilespmem:s31+$0x0]  }
0x239: {  	s16 =	sor.u32 s11, s17;
	s30 =	sor.u32 s11, s25;
	s8 =	sor.u32 s12, s3;
	v62 =	vld [tilespmem:s7+$0x0]  }
0x23a: {  	s17 =	sor.u32 s11, s3;
	s22 =	sor.u32 s11, s23;
	v60 =	vld [tilespmem:s8+$0x0];
	s23 =	sor.u32 s12, s19  }
0x23b: {  	s18 =	sor.u32 s11, s19;
	s25 =	sor.u32 $0xC080, s13;
	s24 =	sor.u32 s12, s20;
	v59 =	vld [tilespmem:s23+$0x0]  }
0x23c: {  	s19 =	sor.u32 s11, s20;
	s20 =	sor.u32 s11, s21;
	s31 =	sor.u32 s12, s21;
	v58 =	vld [tilespmem:s24+$0x0]  }
0x23d: {  	s21 =	sor.u32 s11, s25;
	s3 =	sor.u32 s12, s25;
	s7 =	sor.u32 $0xC180, s13;
	v57 =	vld [tilespmem:s31+$0x0]  }
0x23e: {  	s23 =	sor.u32 $0xC100, s13;
	v56 =	vld [tilespmem:s3+$0x0];
	s2 =	sor.u32 s11, s7;
	s25 =	sor.u32 s12, s7  }
0x23f: {  	s24 =	sor.u32 $0xC200, s13;
	s31 =	sor.u32 s11, s23;
	s23 =	sor.u32 s12, s23;
	v53 =	vld [tilespmem:s25+$0x0]  }
0x240: {  	s7 =	sor.u32 $0xC280, s13;
	s8 =	sor.u32 s11, s24;
	s3 =	sor.u32 s12, s24;
	v55 =	vld [tilespmem:s23+$0x0]  }
0x241: {  	s25 =	sor.u32 s11, s7;
	s24 =	sor.u32 $0xC300, s13;
	s7 =	sor.u32 s12, s7;
	v52 =	vld [tilespmem:s3+$0x0];
	v6 =	vmul.f32 v4, v4  }
0x242: {  	s3 =	sor.u32 $0xC380, s13;
	v19 =	vld [tilespmem:s7+$0x0];
	s7 =	sor.u32 s12, s24;
	v7 =	vmul.f32 v3, v3;
	v8 =	vmul.f32 v17, v17  }
0x243: {  	s23 =	sor.u32 s11, s24;
	s24 =	sor.u32 s11, s3;
	v29 =	vld [tilespmem:s7+$0x0];
	s3 =	sor.u32 s12, s3;
	v9 =	vmul.f32 v1, v1;
	v10 =	vmul.f32 v62, v62  }
0x244: {  	[tilespmem:$0x1FD90] =	vst v12;
	v11 =	vmul.f32 v60, v60;
	v22 =	vld [tilespmem:s3+$0x0];
	v12 =	vmul.f32 v59, v59  }
0x245: {  	v21 =	vld [tilespmem:s14+$0x0];
	v13 =	vmul.f32 v58, v58;
	v14 =	vmul.f32 v57, v57  }
0x246: {  	[tilespmem:$0x1FD70] =	vst v46;
	v46 =	vmov v28;
	v23 =	vld [tilespmem:s15+$0x0];
	v15 =	vmul.f32 v56, v56;
	v28 =	vmul.f32 v53, v53  }
0x247: {  	v48 =	vmovc v26;
	v24 =	vld [tilespmem:s16+$0x0];
	v6 =	vadd.f32 v7, v6;
	v7 =	vadd.f32 v9, v8;
	v16 =	vmul.f32 v55, v55  }
0x248: {  	v26 =	vld [tilespmem:s30+$0x0];
	v9 =	vadd.f32 v11, v10;
	[tilespmem:$0x1FDF0] =	vst v19;
	v18 =	vmul.f32 v52, v52;
	v19 =	vmul.f32 v19, v19  }
0x249: {  	[tilespmem:$0x1FD80] =	vst v20;
	v54 =	vld [tilespmem:s17+$0x0];
	v37 =	vadd.f32 v13, v12;
	v20 =	vmul.f32 v29, v29;
	v8 =	vmul.f32 v22, v22  }
0x24a: {  	v25 =	vld [tilespmem:s22+$0x0];
	v12 =	vadd.f32 v15, v14;
	v13 =	vadd.f32 v28, v16  }
0x24b: {  	v10 =	vld [tilespmem:s20+$0x0];
	v16 =	vadd.f32 v19, v18;
	v8 =	vadd.f32 v8, v20  }
0x24c: {  	v6 =	vadd.f32 v7, v6;
	v19 =	vld [tilespmem:s19+$0x0];
	v7 =	vadd.f32 v37, v9  }
0x24d: {  	v49 =	vmul.f32 v21, v21;
	v15 =	vld [tilespmem:s18+$0x0];
	v12 =	vadd.f32 v13, v12;
	v8 =	vadd.f32 v8, v16  }
0x24e: {  	v14 =	vmul.f32 v23, v23;
	v18 =	vmul.f32 v24, v24;
	v16 =	vld [tilespmem:s21+$0x0]  }
0x24f: {  	[tilespmem:$0x1FDA0] =	vst v21;
	v37 =	vmul.f32 v25, v25;
	v28 =	vld [tilespmem:s8+$0x0];
	v6 =	vadd.f32 v7, v6;
	v7 =	vadd.f32 v8, v12  }
0x250: {  	[tilespmem:$0x1FDD0] =	vst v25;
	v11 =	vadd.f32 v14, v49;
	v14 =	vmul.f32 v54, v54;
	v25 =	vld [tilespmem:s24+$0x0];
	v13 =	vmul.f32 v26, v26  }
0x251: {  	[tilespmem:$0x1FDB0] =	vst v23;
	v20 =	vld [tilespmem:s31+$0x0];
	v9 =	vadd.f32 v37, v18;
	v18 =	vmul.f32 v19, v19;
	v6 =	vadd.f32 v7, v6  }
0x252: {  	[tilespmem:$0x1FDC0] =	vst v24;
	v13 =	vadd.f32 v14, v13;
	v8 =	vmul.f32 v15, v15;
	v12 =	vld [tilespmem:s2+$0x0];
	v7 =	vmul.f32 v10, v10  }
0x253: {  	[tilespmem:$0x1FE10] =	vst v22;
	v14 =	vld [tilespmem:s25+$0x0];
	v49 =	vmul.f32 v16, v16;
	v22 =	vshra.s32 v6, $0x1;
	v23 =	vmul.f32 $5.000000000e-01, v6  }
0x254: {  	[tilespmem:$0x1FDE0] =	vst v26;
	v21 =	vld [tilespmem:s23+$0x0];
	v8 =	vadd.f32 v18, v8;
	v18 =	vsub.s32 $0x5F3759DF, v22  }
0x255: {  	[tilespmem:$0x1FE00] =	vst v29;
	v9 =	vadd.f32 v9, v11;
	v7 =	vadd.f32 v49, v7;
	v49 =	vmul.f32 v18, v23  }
0x256: {  	v26 =	vmul.f32 v28, v28;
	[tilespmem:v34+s26+$0x0] =	vst.idx.add.f32.msk $0xffff, v27;
	v24 =	vmul.f32 v20, v20  }
0x257: {  	[tilespmem:v34+s28+$0x0] =	vst.idx.add.f32.msk $0xffff, v5;
	v22 =	vmul.f32 v12, v12;
	v11 =	vmul.f32 v18, v49  }
0x258: {  	v29 =	vmovc v15;
	v5 =	vmul.f32 v25, v25;
	v8 =	vadd.f32 v8, v13;
	v13 =	vmul.f32 v14, v14  }
0x259: {  	[tilespmem:v35+s26+$0x0] =	vst.idx.add.f32.msk $0xffff, v42;
	v15 =	vadd.f32 v22, v24;
	v22 =	vmul.f32 v21, v21;
	v11 =	vsub.f32 $1.500000000e+00, v11  }
0x25a: {  	[tilespmem:v35+s28+$0x0] =	vst.idx.add.f32.msk $0xffff, v2  }
0x25b: {  	v37 =	vmovc v41;
	v34 =	vadd.f32 v13, v26;
	v2 =	vadd.f32 v5, v22;
	v5 =	vmul.f32 v18, v11  }
0x25c: {  	[tilespmem:v36+s26+$0x0] =	vst.idx.add.f32.msk $0xffff, v37  }
0x25d: {  	[tilespmem:v36+s28+$0x0] =	vst.idx.add.f32.msk $0xffff, v0;
	v0 =	vadd.f32 v2, v34;
	v2 =	vmul.f32 v5, v23;
	_ =	sdelay $0x1  }
0x25e: {  	vm1 =	vgt.f32 v6, $0.0e+00;
	v6 =	vld [tilespmem:$0x1FD90];
	v2 =	vmul.f32 v2, v5  }
0x25f: {  	[tilespmem:v33+s26+$0x0] =	vst.idx.add.f32.msk $0xffff, v38  }
0x260: {  	v13 =	vld [tilespmem:$0x1FD80];
	v2 =	vsub.f32 $1.500000000e+00, v2  }
0x261: {  	[tilespmem:v33+s28+$0x0] =	vst.idx.add.f32.msk $0xffff, v63  }
0x262: {  	[tilespmem:v32+s26+$0x0] =	vst.idx.add.f32.msk $0xffff, v40;
	v2 =	vmul.f32 v2, v5  }
0x263: {  	s30 =	sshrl.u32 s13, $0x2;
	v7 =	vadd.f32 v15, v7;
	[tilespmem:v32+s28+$0x0] =	vst.idx.add.f32.msk $0xffff, v61  }
0x264: {  	s2 =	sor.u32 $0x10000, s30;
	[tilespmem:v31+s26+$0x0] =	vst.idx.add.f32.msk $0xffff, v44;
	v63 =	vmul.f32 v2, v23  }
0x265: {  	s31 =	sor.u32 s11, s2;
	s2 =	sor.u32 s12, s2;
	v8 =	vadd.f32 v8, v9;
	v34 =	vld [tilespmem:$0x1FD70];
	v0 =	vadd.f32 v0, v7  }
0x266: {  	v7 =	vld [tilespmem:s2+$0x80];
	v9 =	vmul.f32 v63, v2  }
0x267: {  	v0 =	vadd.f32 v0, v8;
	v8 =	vld [tilespmem:s31+$0x80]  }
0x268: {  	[tilespmem:v31+s28+$0x0] =	vst.idx.add.f32.msk $0xffff, v50;
	v9 =	vsub.f32 $1.500000000e+00, v9  }
0x269: {  	v38 =	vmov v43;
	[tilespmem:v30+s26+$0x0] =	vst.idx.add.f32.msk $0xffff, v45  }
0x26a: {  	v44 =	vshra.s32 v0, $0x1;
	v61 =	vmul.f32 $5.000000000e-01, v0;
	[tilespmem:v30+s28+$0x0] =	vst.idx.add.f32.msk $0xffff, v38;
	v2 =	vmul.f32 v9, v2  }
0x26b: {  	v38 =	vld [tilespmem:$0x1FE30];
	v5 =	vsub.s32 $0x5F3759DF, v44  }
0x26c: {  	vm0 =	vgt.f32 v0, $0.0e+00;
	v0 =	vmul.f32 v5, v61;
	v37 =	vnsel vm1, $0x0, v2;
	v2 =	vld [tilespmem:$0x1FE20]  }
0x26d: {  	[tilespmem:v51+s26+$0x0] =	vst.idx.add.f32.msk $0xffff, v46  }
0x26e: {  	v32 =	vshll.u32 v7, $0x8;
	v50 =	vshll.u32 v7, $0x7;
	[tilespmem:v51+s28+$0x0] =	vst.idx.add.f32.msk $0xffff, v48;
	v7 =	vmul.f32 v5, v0  }
0x26f: {  	[tilespmem:v47+s26+$0x0] =	vst.idx.add.f32.msk $0xffff, v34  }
0x270: {  	[tilespmem:v47+s28+$0x0] =	vst.idx.add.f32.msk $0xffff, v13;
	v7 =	vsub.f32 $1.500000000e+00, v7  }
0x271: {  	[tilespmem:v39+s26+$0x0] =	vst.idx.add.f32.msk $0xffff, v38  }
0x272: {  	v5 =	vmul.f32 v5, v7;
	v7 =	vld [tilespmem:$0x1FF10]  }
0x273: {  	v15 =	vimm.f32 $1.000000000e+00;
	v33 =	vand.u32 $0x380, v50;
	v0 =	vand.u32 $0xFFFFF800, v32;
	[tilespmem:v39+s28+$0x0] =	vst.idx.add.f32.msk $0xffff, v6  }
0x274: {  	v40 =	vlaneseq.u32;
	v0 =	vor.u32 v33, v0;
	[tilespmem:v2+s29+$0x0] =	vst.idx.add.f32.msk $0xffff, v15  }
0x275: {  	v35 =	vor.u32 v40, v0;
	v15 =	vld [tilespmem:$0x1FF20]  }
0x276: {  	v22 =	vld [tilespmem:$0x1FF90]  }
0x277: {  	v46 =	vmovc v21;
	v21 =	vld [tilespmem:$0x1FF70];
	v23 =	vmov v28;
	v28 =	vmov v14;
	v14 =	vor.u32 v7, v0  }
0x278: {  	v43 =	vmov v12;
	v48 =	vld [tilespmem:$0x1FDA0];
	v12 =	vshll.u32 v8, $0x8;
	v8 =	vshll.u32 v8, $0x7  }
0x279: {  	v44 =	vld [tilespmem:$0x1FF30];
	v12 =	vand.u32 $0xFFFFF800, v12;
	v13 =	vand.u32 $0x380, v8;
	v42 =	vmul.f32 v37, v4  }
0x27a: {  	v6 =	vor.u32 v13, v12;
	[tilespmem:v35+s26+$0x0] =	vst.idx.add.f32.msk $0xffff, v4;
	v12 =	vor.u32 v15, v0  }
0x27b: {  	[tilespmem:v35+s28+$0x0] =	vst.idx.add.f32.msk $0xffff, v42  }
0x27c: {  	v4 =	vmul.f32 v37, v3;
	[tilespmem:v14+s26+$0x0] =	vst.idx.add.f32.msk $0xffff, v3  }
0x27d: {  	v3 =	vld [tilespmem:$0x1FF40]  }
0x27e: {  	v13 =	vor.u32 v44, v0;
	[tilespmem:v14+s28+$0x0] =	vst.idx.add.f32.msk $0xffff, v4;
	v4 =	vmul.f32 v37, v17  }
0x27f: {  	[tilespmem:v12+s26+$0x0] =	vst.idx.add.f32.msk $0xffff, v17  }
0x280: {  	[tilespmem:v12+s28+$0x0] =	vst.idx.add.f32.msk $0xffff, v4  }
0x281: {  	v2 =	vor.u32 v40, v8;
	v8 =	vor.u32 v40, v6;
	v4 =	vld [tilespmem:$0x1FFF0]  }
0x282: {  	v47 =	vmovc v25;
	v25 =	vmov v54;
	v54 =	vld [tilespmem:$0x1FDB0];
	[tilespmem:$0x1FE20] =	vst v2;
	v14 =	vor.u32 v3, v0;
	v12 =	vmul.f32 v37, v1  }
0x283: {  	v2 =	vmul.f32 v5, v61;
	[tilespmem:v13+s26+$0x0] =	vst.idx.add.f32.msk $0xffff, v1  }
0x284: {  	[tilespmem:v13+s28+$0x0] =	vst.idx.add.f32.msk $0xffff, v12  }
0x285: {  	v2 =	vmul.f32 v2, v5;
	v12 =	vld [tilespmem:$0x1FFE0]  }
0x286: {  	v9 =	vor.u32 v15, v6;
	[tilespmem:v8+s26+$0x0] =	vst.idx.add.f32.msk $0xffff, v48;
	v15 =	vor.u32 v4, v0  }
0x287: {  	v1 =	vmul.f32 v37, v62;
	[tilespmem:v14+s26+$0x0] =	vst.idx.add.f32.msk $0xffff, v62  }
0x288: {  	v2 =	vsub.f32 $1.500000000e+00, v2;
	v62 =	vld [tilespmem:$0x1FFA0]  }
0x289: {  	[tilespmem:v14+s28+$0x0] =	vst.idx.add.f32.msk $0xffff, v1  }
0x28a: {  	v2 =	vmul.f32 v2, v5;
	v14 =	vld [tilespmem:$0x1FF80];
	v5 =	vor.u32 v12, v0  }
0x28b: {  	v1 =	vmul.f32 v37, v60;
	[tilespmem:v15+s26+$0x0] =	vst.idx.add.f32.msk $0xffff, v60  }
0x28c: {  	v60 =	vld [tilespmem:$0x1FFB0]  }
0x28d: {  	v34 =	vor.u32 v12, v6;
	v12 =	vor.u32 v21, v0;
	[tilespmem:v15+s28+$0x0] =	vst.idx.add.f32.msk $0xffff, v1  }
0x28e: {  	v11 =	vmul.f32 v2, v61;
	v15 =	vld [tilespmem:$0x1FF50]  }
0x28f: {  	v1 =	vmul.f32 v37, v59;
	[tilespmem:v5+s26+$0x0] =	vst.idx.add.f32.msk $0xffff, v59  }
0x290: {  	v11 =	vmul.f32 v11, v2;
	v13 =	vor.u32 v14, v0;
	v59 =	vld [tilespmem:$0x1FDD0]  }
0x291: {  	[tilespmem:v5+s28+$0x0] =	vst.idx.add.f32.msk $0xffff, v1  }
0x292: {  	v11 =	vsub.f32 $1.500000000e+00, v11;
	v1 =	vmul.f32 v37, v58;
	[tilespmem:v12+s26+$0x0] =	vst.idx.add.f32.msk $0xffff, v58  }
0x293: {  	v58 =	vld [tilespmem:$0x1FDE0]  }
0x294: {  	v2 =	vmul.f32 v11, v2;
	v5 =	vor.u32 v22, v0;
	[tilespmem:v12+s28+$0x0] =	vst.idx.add.f32.msk $0xffff, v1  }
0x295: {  	[tilespmem:v13+s26+$0x0] =	vst.idx.add.f32.msk $0xffff, v57  }
0x296: {  	v24 =	vmov v16;
	v1 =	vmul.f32 v37, v57;
	v12 =	vnsel vm0, $0x0, v2;
	v57 =	vld [tilespmem:$0x1FDC0]  }
0x297: {  	v38 =	vmov v24;
	v63 =	vmul.f32 v12, v24;
	v24 =	vld [tilespmem:$0x1FE00]  }
0x298: {  	v45 =	vor.u32 v62, v0;
	[tilespmem:v13+s28+$0x0] =	vst.idx.add.f32.msk $0xffff, v1  }
0x299: {  	v1 =	vmul.f32 v37, v56;
	[tilespmem:v5+s26+$0x0] =	vst.idx.add.f32.msk $0xffff, v56  }
0x29a: {  	v7 =	vor.u32 v7, v6;
	v13 =	vmul.f32 v12, v48;
	v56 =	vld [tilespmem:$0x1FFD0]  }
0x29b: {  	[tilespmem:v5+s28+$0x0] =	vst.idx.add.f32.msk $0xffff, v1  }
0x29c: {  	v2 =	vor.u32 v60, v0;
	[tilespmem:v8+s28+$0x0] =	vst.idx.add.f32.msk $0xffff, v13  }
0x29d: {  	[tilespmem:v45+s26+$0x0] =	vst.idx.add.f32.msk $0xffff, v55  }
0x29e: {  	v30 =	vor.u32 v15, v6;
	v15 =	vor.u32 v15, v0;
	v1 =	vmul.f32 v37, v55;
	v55 =	vld [tilespmem:$0x1FFC0]  }
0x29f: {  	[tilespmem:v7+s26+$0x0] =	vst.idx.add.f32.msk $0xffff, v54  }
0x2a0: {  	v5 =	vmul.f32 v37, v53;
	[tilespmem:v45+s28+$0x0] =	vst.idx.add.f32.msk $0xffff, v1  }
0x2a1: {  	[tilespmem:v2+s26+$0x0] =	vst.idx.add.f32.msk $0xffff, v53  }
0x2a2: {  	[tilespmem:v2+s28+$0x0] =	vst.idx.add.f32.msk $0xffff, v5  }
0x2a3: {  	v36 =	vor.u32 v14, v6;
	v14 =	vmul.f32 v12, v54;
	[tilespmem:v15+s26+$0x0] =	vst.idx.add.f32.msk $0xffff, v52  }
0x2a4: {  	v41 =	vmov v19;
	v19 =	vmul.f32 v37, v52;
	v52 =	vld [tilespmem:$0x1FDF0]  }
0x2a5: {  	[tilespmem:v7+s28+$0x0] =	vst.idx.add.f32.msk $0xffff, v14;
	v51 =	vor.u32 v55, v0  }
0x2a6: {  	v27 =	vmov v29;
	v49 =	vmov v10;
	v16 =	vmul.f32 v12, v57;
	[tilespmem:v9+s26+$0x0] =	vst.idx.add.f32.msk $0xffff, v57  }
0x2a7: {  	[tilespmem:$0x1FE30] =	vst v47;
	v33 =	vor.u32 v22, v6;
	v10 =	vor.u32 v44, v6;
	v5 =	vmul.f32 v12, v29;
	v29 =	vld [tilespmem:$0x1FF60]  }
0x2a8: {  	v35 =	vor.u32 v21, v6;
	v3 =	vor.u32 v3, v6;
	[tilespmem:v9+s28+$0x0] =	vst.idx.add.f32.msk $0xffff, v16  }
0x2a9: {  	v4 =	vor.u32 v4, v6;
	[tilespmem:v15+s28+$0x0] =	vst.idx.add.f32.msk $0xffff, v19;
	v15 =	vmul.f32 v37, v52  }
0x2aa: {  	v26 =	vmov v20;
	v32 =	vor.u32 v62, v6;
	v31 =	vor.u32 v60, v6;
	[tilespmem:v51+s26+$0x0] =	vst.idx.add.f32.msk $0xffff, v52  }
0x2ab: {  	v44 =	vmov v43;
	v18 =	vmul.f32 v12, v59;
	v20 =	vor.u32 v56, v0;
	[tilespmem:v51+s28+$0x0] =	vst.idx.add.f32.msk $0xffff, v15  }
0x2ac: {  	v45 =	vmovc v23;
	v15 =	vor.u32 v40, v50;
	v50 =	vmul.f32 v12, v43;
	v43 =	vmul.f32 v12, v23;
	v23 =	vld [tilespmem:$0x1FE10]  }
0x2ad: {  	v61 =	vmul.f32 v12, v26;
	[tilespmem:v10+s26+$0x0] =	vst.idx.add.f32.msk $0xffff, v59;
	v19 =	vor.u32 v29, v0  }
0x2ae: {  	s6 =	sadd.s32 $0x2, s6;
	v17 =	vmul.f32 v12, v58;
	v1 =	vmul.f32 v12, v25;
	[tilespmem:v10+s28+$0x0] =	vst.idx.add.f32.msk $0xffff, v18  }
0x2af: {  	p0 =	slt.u32 s6, $0x7E;
	v53 =	vmul.f32 v37, v24;
	v2 =	vmul.f32 v12, v41;
	[tilespmem:v3+s26+$0x0] =	vst.idx.add.f32.msk $0xffff, v58  }
.Ltmp2:
0x2b0: {  	v0 =	vmul.f32 v12, v49;
	v40 =	vmov v26;
	v26 =	vmul.f32 v12, v28;
	[tilespmem:v20+s26+$0x0] =	vst.idx.add.f32.msk $0xffff, v24;
	(pc) =	sbr.rel @p0 .LBB2_7-.Ltmp2, $4  }
0x2b1: {  	v51 =	vor.u32 v55, v6;
	[tilespmem:v20+s28+$0x0] =	vst.idx.add.f32.msk $0xffff, v53;
	v39 =	vmul.f32 v37, v23  }
0x2b2: {  	v20 =	vmul.f32 v12, v46;
	v12 =	vmul.f32 v12, v47;
	[tilespmem:v19+s26+$0x0] =	vst.idx.add.f32.msk $0xffff, v23  }
0x2b3: {  	v47 =	vor.u32 v56, v6;
	[tilespmem:v19+s28+$0x0] =	vst.idx.add.f32.msk $0xffff, v39;
	v39 =	vor.u32 v29, v6;
	v6 =	vimm.f32 $1.000000000e+00  }
0x2b4: {  	s9 =	sadd.s32 $0x20, s9;
	s10 =	sadd.s32 $0x100, s10;
	v42 =	vmov v41;
	v41 =	vmov v49;
	[tilespmem:v15+s29+$0x0] =	vst.idx.add.f32.msk $0xffff, v6  }
0x2b5: {  	_ =	sdelay $0x3  }
0x2b6: {  	[tilespmem:v3+s28+$0x0] =	vst.idx.add.f32.msk $0xffff, v17  }
0x2b7: {  	[tilespmem:v4+s26+$0x0] =	vst.idx.add.f32.msk $0xffff, v25  }
0x2b8: {  	[tilespmem:v4+s28+$0x0] =	vst.idx.add.f32.msk $0xffff, v1  }
0x2b9: {  	[tilespmem:v34+s26+$0x0] =	vst.idx.add.f32.msk $0xffff, v27  }
0x2ba: {  	[tilespmem:v34+s28+$0x0] =	vst.idx.add.f32.msk $0xffff, v5  }
0x2bb: {  	[tilespmem:v35+s26+$0x0] =	vst.idx.add.f32.msk $0xffff, v42  }
0x2bc: {  	[tilespmem:v35+s28+$0x0] =	vst.idx.add.f32.msk $0xffff, v2  }
0x2bd: {  	[tilespmem:v36+s26+$0x0] =	vst.idx.add.f32.msk $0xffff, v41  }
0x2be: {  	[tilespmem:v36+s28+$0x0] =	vst.idx.add.f32.msk $0xffff, v0  }
0x2bf: {  	[tilespmem:v33+s26+$0x0] =	vst.idx.add.f32.msk $0xffff, v38  }
0x2c0: {  	[tilespmem:v33+s28+$0x0] =	vst.idx.add.f32.msk $0xffff, v63  }
0x2c1: {  	[tilespmem:v32+s26+$0x0] =	vst.idx.add.f32.msk $0xffff, v40  }
0x2c2: {  	[tilespmem:v32+s28+$0x0] =	vst.idx.add.f32.msk $0xffff, v61  }
0x2c3: {  	[tilespmem:v31+s26+$0x0] =	vst.idx.add.f32.msk $0xffff, v44  }
0x2c4: {  	[tilespmem:v31+s28+$0x0] =	vst.idx.add.f32.msk $0xffff, v50  }
0x2c5: {  	[tilespmem:v30+s26+$0x0] =	vst.idx.add.f32.msk $0xffff, v45  }
0x2c6: {  	[tilespmem:v30+s28+$0x0] =	vst.idx.add.f32.msk $0xffff, v43  }
0x2c7: {  	[tilespmem:v51+s26+$0x0] =	vst.idx.add.f32.msk $0xffff, v28  }
0x2c8: {  	[tilespmem:v51+s28+$0x0] =	vst.idx.add.f32.msk $0xffff, v26  }
0x2c9: {  	[tilespmem:v47+s26+$0x0] =	vst.idx.add.f32.msk $0xffff, v46  }
0x2ca: {  	[tilespmem:v47+s28+$0x0] =	vst.idx.add.f32.msk $0xffff, v20  }
0x2cb: {  	v0 =	vld [tilespmem:$0x1FE30];
	_ =	sdelay $0x4  }
0x2cc: {  	[tilespmem:v39+s26+$0x0] =	vst.idx.add.f32.msk $0xffff, v0  }
0x2cd: {  	[tilespmem:v39+s28+$0x0] =	vst.idx.add.f32.msk $0xffff, v12  }
0x2ce: {  	v0 =	vld [tilespmem:$0x1FE20];
	_ =	sdelay $0x4  }
0x2cf: {  	s1 =	sadd.s32 $0x1, s1  }
0x2d0: {  	p0 =	sne.s32 s1, $0x8  }
.Ltmp3:
0x2d1: {  	_ = 	snop;
	(pc) =	sbr.rel @p0 .LBB2_4-.Ltmp3, $4  }
0x2d2: {  	[tilespmem:v0+s29+$0x0] =	vst.idx.add.f32.msk $0xffff, v6  }
0x2d3: {  	v57 =	vld [tilespmem:$0x1FFF0]  }
0x2d4: {  	v63 =	vld [tilespmem:$0x1FFE0]  }
0x2d5: {  	v59 =	vmovc v62;
	v62 =	vmov v21;
	v58 =	vmov v60;
	v60 =	vmov v22;
	s24 =	smov.u32 s4;
	s4 =	smov.u32 s5;
	s5 =	rddreg [dreg:$0x3];
	v29 =	vld [tilespmem:$0x1FF80]  }
0x2d6: {  	s8 =	simm.s32 $0x0;
	s0 =	rddreg [dreg:$0x7];
	s1 =	simm.s32 $0x5  }
0x2d7: {  	[hbm4b:s0+s8] =	stream.linear.scatter [tilespmem:s29], [sflag:$0x5], $0x400, $0x38;
	[tilespmem:$0x12400] =	vst v63  }
0x2d8: {  	_ =	swait.ge [sflag:s1], $0x400  }
0x2d9: {  	[sflag:s1] =	ssyncset.done $0x0  }
0x2da: {  	s25 =	rddreg [dreg:$0x8];
	[sflag:s1] =	ssyncadd.s32 $0xFFFFFC00  }
0x2db: {  	[hbm4b:s25+s8] =	stream.linear.scatter [tilespmem:s26], [sflag:$0x5], $0x800, $0x38;
	[tilespmem:$0x12400] =	vst v63  }
0x2dc: {  	_ =	swait.ge [sflag:s1], $0x800  }
0x2dd: {  	[sflag:s1] =	ssyncset.done $0x0  }
0x2de: {  	s30 =	rddreg [dreg:$0x9];
	[sflag:s1] =	ssyncadd.s32 $0xFFFFF800  }
0x2df: {  	[hbm4b:s30+s8] =	stream.linear.scatter [tilespmem:s28], [sflag:$0x5], $0x800, $0x38;
	[tilespmem:$0x12400] =	vst v63  }
0x2e0: {  	_ =	swait.ge [sflag:s1], $0x800  }
0x2e1: {  	s2 =	rddreg [dreg:$0x1b]  }
0x2e2: {  	s31 =	rddreg [dreg:$0xa];
	s2 =	sadd.s32 $0x1, s2  }
0x2e3: {  	p0 =	sne.s32 s2, s31  }
.Ltmp4:
0x2e4: {  	_ = 	snop;
	(pc) =	sbr.rel @p0 .LBB2_1-.Ltmp4, $3  }
0x2e5: {  	_ =	sdelay $0x1  }
0x2e6: {  	[sflag:s1] =	ssyncset.done $0x0  }
0x2e7: {  	v1 =	vimm.f32 $0.0e+00;
	[sflag:s1] =	ssyncadd.s32 $0xFFFFF800  }
0x2e8: {  	_ =	sfence.sel $0x180000  }
0x2e9: {  	[bflag:$0x0] =	sbarrier.arrive $0xFFFF  }
0x2ea: {  	_ =	strace $0x90000047  }
0x2eb: {  	s0 =	stileid.u32;
	[bflag:$0x2] =	sbarrier.arrive $0xFFFF  }
0x2ec: {  	p0 =	sne.s32 s0, $0x0;
	s0 =	rddreg [dreg:$0x2]  }
0x2ed: {  	s0 =	sadd.s32 @!p0 $0x100000, s0  }
0x2ee: {  	[sflag:s0] =	ssyncadd.tile.s32 @!p0 $0x1;
	_ =	shalt  }
.Lfunc_end2:
_tile_overlayer_lowered:
.L_overlay_start_2:
0x2ef: {  	(tag) =	ssettag $0x2  }
0x2f0: {  	s0 =	rddreg [dreg:$0x0];
	s2 =	stileid.u32  }
0x2f1: {  	s1 =	rddreg [dreg:$0x1];
	p0 =	sne.s32 s2, $0x0  }
0x2f2: {  	s3 =	rddreg [dreg:$0x2];
	[bflag:$0x3] =	sbarrier.arrive $0xFFFF;
	s2 =	simm.s32 @!p0 $0x1C05  }
0x2f3: {  	[timem:s3], [sflag:s2] =	dma.local @!p0 [hbm:s0], s1  }
0x2f4: {  	s0 =	simm.s32 @!p0 $0x5  }
0x2f5: {  	_ =	swait.ge @!p0 [sflag:s0], s1  }
0x2f6: {  	s1 =	ssub.s32 @!p0 $0x0, s1;
	[sflag:s0] =	ssyncset.done @!p0 $0x0  }
0x2f7: {  	[sflag:s0] =	ssyncadd.s32 @!p0 s1  }
0x2f8: {  	[bflag:$0x3] =	sbarrier.arrive $0xFFFF  }
0x2f9: {  	_ =	shalt  }

</sc_bundles>
